<compile_context>
chip_gen: v7x
topology: tpu7x:2x2x1
jax: 0.10.2.dev20260603
libtpu: 0.0.44.dev20260713+nightly
codegen_flags: <defaults>
</compile_context>

<pallas_src>
import functools

import jax
import jax.numpy as jnp
from jax import lax
from jax.experimental import pallas as pl
from jax.experimental.pallas import tpu as pltpu
from jax.experimental.pallas import tpu_sc as plsc

_L = 16


def _make_sc_spmm(N, B, K):
    mesh = plsc.VectorSubcoreMesh(core_axis_name="c", subcore_axis_name="s")
    NW = 32
    R = N // NW

    @functools.partial(
        pl.kernel,
        mesh=mesh,
        out_type=jax.ShapeDtypeStruct((N * B,), jnp.float32),
        compiler_params=pltpu.CompilerParams(needs_layout_passes=False),
        scratch_types=[
            pltpu.VMEM((16,), jnp.int32),
            pltpu.VMEM((K,), jnp.int32),
            pltpu.VMEM((K,), jnp.int32),
            pltpu.VMEM((K,), jnp.int32),
            pltpu.VMEM((K,), jnp.int32),
            pltpu.VMEM((K,), jnp.float32),
            pltpu.VMEM((K,), jnp.float32),
            pltpu.VMEM((K, B), jnp.float32),
            pltpu.VMEM((K, B), jnp.float32),
            pltpu.VMEM((R * B,), jnp.float32),
            pltpu.SemaphoreType.DMA,
            pltpu.SemaphoreType.DMA,
            pltpu.SemaphoreType.DMA,
            pltpu.SemaphoreType.DMA,
            pltpu.SemaphoreType.DMA,
            pltpu.SemaphoreType.DMA,
        ],
    )
    def sc_spmm(xT_hbm, col_hbm, adr_hbm, val_hbm, offs_hbm, out_hbm,
                ov, colv0, colv1, adv0, adv1, vav0, vav1,
                rows0, rows1, acc, ssem0, ssem1, csem0, csem1, gsem0, gsem1):
        c = lax.axis_index("c")
        s = lax.axis_index("s")
        wid = s * 2 + c
        r0 = wid * R

        pltpu.sync_copy(offs_hbm.at[pl.ds(r0, 16)], ov)
        s0 = jnp.min(ov[pl.ds(0, _L)])
        pltpu.sync_copy(offs_hbm.at[pl.ds(r0 + R, 16)], ov)
        e0 = jnp.min(ov[pl.ds(0, _L)])
        a0 = (s0 >> 3) << 3
        nb = (e0 - a0 + (K - 1)) >> 7

        zero = jnp.zeros((_L,), jnp.float32)

        @plsc.parallel_loop(0, R, 1, unroll=4)
        def _(r):
            for cc in range(B // _L):
                acc[pl.ds(r * B + cc * _L, _L)] = zero

        iota = lax.iota(jnp.int32, _L)
        abase = r0 * B
        accs = [acc.at[pl.ds(cc * _L, R * B - (B - _L))]
                for cc in range(B // _L)]

        def stage_av(t, adv, vav, ssem):
            off = pl.multiple_of(a0 + t * K, 8)
            pltpu.async_copy(adr_hbm.at[pl.ds(off, K)], adv, ssem)
            pltpu.async_copy(val_hbm.at[pl.ds(off, K)], vav, ssem)

        def stage_av_wait(adv, vav, ssem):
            pltpu.make_async_copy(adr_hbm.at[pl.ds(0, K)], adv, ssem).wait()
            pltpu.make_async_copy(val_hbm.at[pl.ds(0, K)], vav, ssem).wait()

        def stage_col(t, colv, csem):
            off = pl.multiple_of(a0 + t * K, 8)
            pltpu.async_copy(col_hbm.at[pl.ds(off, K)], colv, csem)

        def stage_col_wait(colv, csem):
            pltpu.make_async_copy(col_hbm.at[pl.ds(0, K)], colv, csem).wait()

        def gather(colv, rows, gsem):
            pltpu.async_copy(xT_hbm.at[colv], rows, gsem)

        def gather_wait(rows, gsem):
            pltpu.make_async_copy(xT_hbm.at[pl.ds(0, K)], rows, gsem).wait()

        def compute(t, adv, vav, rows):
            off = pl.multiple_of(a0 + t * K, 8)

            @plsc.parallel_loop(0, K, 1, unroll=8)
            def _(j):
                g = off + j
                valid = jnp.logical_and(g >= s0, g < e0)
                w = jnp.where(valid, jnp.float32(1.0), jnp.float32(0.0))
                jm = (j >> 4) << 4
                sel = jnp.full((_L,), j & 15, jnp.int32)
                v16 = vav[pl.ds(jm, _L)]
                a16 = adv[pl.ds(jm, _L)]
                v = v16.at[sel].get(mode="promise_in_bounds") * w
                a = a16.at[sel].get(mode="promise_in_bounds") - abase
                a = jnp.minimum(jnp.maximum(a, 0), (R - 1) * B) + iota
                xs = [rows[j, pl.ds(cc * _L, _L)] for cc in range(B // _L)]
                for cc in range(B // _L):
                    plsc.addupdate_scatter(accs[cc], [a], xs[cc] * v)

        stage_col(0, colv0, csem0)
        stage_col(1, colv1, csem1)
        stage_av(0, adv0, vav0, ssem0)
        stage_av(1, adv1, vav1, ssem1)
        stage_col_wait(colv0, csem0)
        gather(colv0, rows0, gsem0)
        stage_col(2, colv0, csem0)
        stage_col_wait(colv1, csem1)
        gather(colv1, rows1, gsem1)
        stage_col(3, colv1, csem1)
        nh = (nb + 1) >> 1

        def pair(i, carry):
            t0 = 2 * i
            gather_wait(rows0, gsem0)
            stage_av_wait(adv0, vav0, ssem0)
            compute(t0, adv0, vav0, rows0)
            stage_av(t0 + 2, adv0, vav0, ssem0)
            stage_col_wait(colv0, csem0)
            gather(colv0, rows0, gsem0)
            stage_col(t0 + 4, colv0, csem0)
            gather_wait(rows1, gsem1)
            stage_av_wait(adv1, vav1, ssem1)
            compute(t0 + 1, adv1, vav1, rows1)
            stage_av(t0 + 3, adv1, vav1, ssem1)
            stage_col_wait(colv1, csem1)
            gather(colv1, rows1, gsem1)
            stage_col(t0 + 5, colv1, csem1)
            return carry

        lax.fori_loop(0, nh, pair, 0)
        gather_wait(rows0, gsem0)
        gather_wait(rows1, gsem1)
        stage_av_wait(adv0, vav0, ssem0)
        stage_av_wait(adv1, vav1, ssem1)
        stage_col_wait(colv0, csem0)
        stage_col_wait(colv1, csem1)

        pltpu.sync_copy(acc, out_hbm.at[pl.ds(r0 * B, R * B)])

    return sc_spmm


def kernel(x, values, row_ids, col_idx, row_offs):
    B, N = x.shape
    NNZ = values.shape[0]
    K = 128

    xT = x.T
    pad = 7 * K + 8
    colp = jnp.concatenate([col_idx, jnp.zeros((pad,), jnp.int32)])
    adrp = jnp.concatenate([row_ids * B, jnp.zeros((pad,), jnp.int32)])
    valp = jnp.concatenate([values, jnp.zeros((pad,), values.dtype)])
    offsp = jnp.concatenate([row_offs, jnp.full((15,), NNZ, jnp.int32)])

    outT = _make_sc_spmm(N, B, K)(xT, colp, adrp, valp, offsp)
    return outT.reshape(N, B).T

# --- scband reference (transcript-rebuilt; emitter-appended) ---
"""Pipeline reference for scband-sparse-linear-56341380989458 (READ-ONLY COPY).

The authoritative reference and input builder live on the scoring server;
editing this copy changes nothing except your own understanding.
"""

import jax, jax.numpy as jnp
import numpy as np

N = 4096
DENSITY = 0.01
NNZ = int(DENSITY * N * N)
B = 256


def _build_csr():
    rng = np.random.default_rng(0)
    flat = rng.choice(N * N, size=NNZ, replace=False)
    flat.sort()
    rows = (flat // N).astype(np.int32)
    cols = (flat % N).astype(np.int32)
    counts = np.bincount(rows, minlength=N)
    row_offs = np.zeros(N + 1, dtype=np.int32)
    row_offs[1:] = np.cumsum(counts)
    return rows, cols, row_offs


def setup_inputs(seed: int = 0) -> dict:
    key = jax.random.key(seed)
    kx, kv = jax.random.split(key)
    rows, cols, row_offs = _build_csr()
    x = jax.random.normal(kx, (B, N), dtype=jnp.float32)
    values = jax.random.normal(kv, (NNZ,), dtype=jnp.float32) * 0.02
    return {
        "x": x,
        "values": values,
        "row_ids": jnp.asarray(rows, dtype=jnp.int32),
        "col_idx": jnp.asarray(cols, dtype=jnp.int32),
        "row_offs": jnp.asarray(row_offs, dtype=jnp.int32),
    }


def reference(x, values, row_ids, col_idx, row_offs):
    # SparseLinear.forward: out = SpMM(A_csr, x.T).T, out[b, r] = sum_i values[i] * x[b, col_idx[i]] for i in row r.
    # Scatter CSR entries into a dense matrix (mathematically identical to CSR SpMM),
    # then a dense matmul. row_offs is carried for fidelity with the CSR layout.
    A = jnp.zeros((N, N), dtype=values.dtype).at[row_ids, col_idx].set(values)
    out = (A @ x.reshape(-1, x.shape[-1]).T).T
    return out.reshape(*x.shape[:-1], N)

if __name__ == "__main__":
    import jax
    _d = setup_inputs()
    print(jax.jit(kernel)(*tuple(_d.values())))

</pallas_src>

<mosaic_0001>
#map = affine_map<(d0, d1) -> (0, 0)>
#map1 = affine_map<(d0, d1) -> (0)>
module attributes {stable_mosaic.version = 14 : i64} {
  func.func @sc_spmm(%arg0: i32, %arg1: i32, %arg2: memref<4096x256xf32, #tpu.memory_space<hbm>>, %arg3: memref<168676xi32, #tpu.memory_space<hbm>>, %arg4: memref<168676xi32, #tpu.memory_space<hbm>>, %arg5: memref<168676xf32, #tpu.memory_space<hbm>>, %arg6: memref<4112xi32, #tpu.memory_space<hbm>>, %arg7: memref<1048576xf32, #tpu.memory_space<hbm>>, %arg8: memref<16xi32, #tpu.memory_space<vmem>>, %arg9: memref<128xi32, #tpu.memory_space<vmem>>, %arg10: memref<128xi32, #tpu.memory_space<vmem>>, %arg11: memref<128xi32, #tpu.memory_space<vmem>>, %arg12: memref<128xi32, #tpu.memory_space<vmem>>, %arg13: memref<128xf32, #tpu.memory_space<vmem>>, %arg14: memref<128xf32, #tpu.memory_space<vmem>>, %arg15: memref<128x256xf32, #tpu.memory_space<vmem>>, %arg16: memref<128x256xf32, #tpu.memory_space<vmem>>, %arg17: memref<32768xf32, #tpu.memory_space<vmem>>, %arg18: memref<!tpu.dma_semaphore, #tpu.memory_space<semaphore_mem>>, %arg19: memref<!tpu.dma_semaphore, #tpu.memory_space<semaphore_mem>>, %arg20: memref<!tpu.dma_semaphore, #tpu.memory_space<semaphore_mem>>, %arg21: memref<!tpu.dma_semaphore, #tpu.memory_space<semaphore_mem>>, %arg22: memref<!tpu.dma_semaphore, #tpu.memory_space<semaphore_mem>>, %arg23: memref<!tpu.dma_semaphore, #tpu.memory_space<semaphore_mem>>) attributes {dimension_semantics = [#tpu.dimension_semantics<core_parallel>, #tpu.dimension_semantics<subcore_parallel>], iteration_bounds = array<i64: 2, 16>, scalar_prefetch = 0 : i64, scratch_operands = 16 : i64, tpu.core_type = #tpu.core_type<sc_vector_subcore>, window_params = [{transform_indices = #map}, {transform_indices = #map1}, {transform_indices = #map1}, {transform_indices = #map1}, {transform_indices = #map1}, {transform_indices = #map1}]} {
    %mul3A = arith.constant 2 : i32
    %mul3A_0 = arith.muli %arg1, %mul3A : i32
    %add3A = arith.addi %mul3A_0, %arg0 : i32
    %mul3A_1 = arith.constant 128 : i32
    %mul3A_2 = arith.muli %add3A, %mul3A_1 : i32
    "tpu.region"() ({
      %run_scoped3A = tpu.sem_alloc : memref<!tpu.dma_semaphore, #tpu.memory_space<semaphore_mem>>
      %dma_start3A_130 = tpu.memref_slice %arg6[%mul3A_2] : memref<4112xi32, #tpu.memory_space<hbm>> -> memref<16xi32, #tpu.memory_space<hbm>>
      %dma_start3A_131 = tpu.memref_slice %arg6[%mul3A_2] : memref<4112xi32, #tpu.memory_space<hbm>> -> memref<16xi32, #tpu.memory_space<hbm>>
      tpu.enqueue_dma source(%dma_start3A_131 : memref<16xi32, #tpu.memory_space<hbm>>) target(%arg8 : memref<16xi32, #tpu.memory_space<vmem>>) target_semaphore(%run_scoped3A : memref<!tpu.dma_semaphore, #tpu.memory_space<semaphore_mem>>)
      %dma_wait3A_132 = tpu.memref_slice %arg6[%mul3A_2] : memref<4112xi32, #tpu.memory_space<hbm>> -> memref<16xi32, #tpu.memory_space<hbm>>
      %dma_wait3A_133 = tpu.memref_slice %arg6[%mul3A_2] : memref<4112xi32, #tpu.memory_space<hbm>> -> memref<16xi32, #tpu.memory_space<hbm>>
      tpu.wait_dma2 semaphore(%run_scoped3A : memref<!tpu.dma_semaphore, #tpu.memory_space<semaphore_mem>>) src(%dma_wait3A_133 : memref<16xi32, #tpu.memory_space<hbm>>) dst(%arg8 : memref<16xi32, #tpu.memory_space<vmem>>)
      tpu.yield
    }) : () -> ()
    %get3A = arith.constant 0 : index
    %get3A_3 = tpu.vector_load %arg8[%get3A] {strides = array<i32>} : memref<16xi32, #tpu.memory_space<vmem>>, vector<16xi32>,
    %reduce_min3A = arith.constant true
    %reduce_min3A_4 = vector.broadcast %reduce_min3A : i1 to vector<16xi1>
    %reduce_min3A_5 = arith.constant -2147483648 : i32
    %reduce_min3A_6 = vector.broadcast %reduce_min3A_5 : i32 to vector<16xi32>
    %reduce_min3A_7 = arith.xori %get3A_3, %reduce_min3A_6 : vector<16xi32>
    %reduce_min3A_8 = tpu.scan <min>, %reduce_min3A_7 masked %reduce_min3A_4 : vector<16xi32>, vector<16xi1> -> vector<16xi32>
    %reduce_min3A_9 = arith.xori %reduce_min3A_8, %reduce_min3A_6 : vector<16xi32>
    %reduce_min3A_10 = vector.extract %reduce_min3A_9[15] : i32 from vector<16xi32>
    %add3A_11 = arith.constant 128 : i32
    %add3A_12 = arith.addi %mul3A_2, %add3A_11 : i32
    "tpu.region"() ({
      %run_scoped3A = tpu.sem_alloc : memref<!tpu.dma_semaphore, #tpu.memory_space<semaphore_mem>>
      %dma_start3A_130 = tpu.memref_slice %arg6[%add3A_12] : memref<4112xi32, #tpu.memory_space<hbm>> -> memref<16xi32, #tpu.memory_space<hbm>>
      %dma_start3A_131 = tpu.memref_slice %arg6[%add3A_12] : memref<4112xi32, #tpu.memory_space<hbm>> -> memref<16xi32, #tpu.memory_space<hbm>>
      tpu.enqueue_dma source(%dma_start3A_131 : memref<16xi32, #tpu.memory_space<hbm>>) target(%arg8 : memref<16xi32, #tpu.memory_space<vmem>>) target_semaphore(%run_scoped3A : memref<!tpu.dma_semaphore, #tpu.memory_space<semaphore_mem>>)
      %dma_wait3A_132 = tpu.memref_slice %arg6[%add3A_12] : memref<4112xi32, #tpu.memory_space<hbm>> -> memref<16xi32, #tpu.memory_space<hbm>>
      %dma_wait3A_133 = tpu.memref_slice %arg6[%add3A_12] : memref<4112xi32, #tpu.memory_space<hbm>> -> memref<16xi32, #tpu.memory_space<hbm>>
      tpu.wait_dma2 semaphore(%run_scoped3A : memref<!tpu.dma_semaphore, #tpu.memory_space<semaphore_mem>>) src(%dma_wait3A_133 : memref<16xi32, #tpu.memory_space<hbm>>) dst(%arg8 : memref<16xi32, #tpu.memory_space<vmem>>)
      tpu.yield
    }) : () -> ()
    %get3A_13 = arith.constant 0 : index
    %get3A_14 = tpu.vector_load %arg8[%get3A_13] {strides = array<i32>} : memref<16xi32, #tpu.memory_space<vmem>>, vector<16xi32>,
    %reduce_min3A_15 = arith.constant true
    %reduce_min3A_16 = vector.broadcast %reduce_min3A_15 : i1 to vector<16xi1>
    %reduce_min3A_17 = arith.constant -2147483648 : i32
    %reduce_min3A_18 = vector.broadcast %reduce_min3A_17 : i32 to vector<16xi32>
    %reduce_min3A_19 = arith.xori %get3A_14, %reduce_min3A_18 : vector<16xi32>
    %reduce_min3A_20 = tpu.scan <min>, %reduce_min3A_19 masked %reduce_min3A_16 : vector<16xi32>, vector<16xi1> -> vector<16xi32>
    %reduce_min3A_21 = arith.xori %reduce_min3A_20, %reduce_min3A_18 : vector<16xi32>
    %reduce_min3A_22 = vector.extract %reduce_min3A_21[15] : i32 from vector<16xi32>
    %shift_right_arithmetic3A = arith.constant 3 : i32
    %shift_right_arithmetic3A_23 = arith.shrsi %reduce_min3A_10, %shift_right_arithmetic3A : i32
    %shift_left3A = arith.constant 3 : i32
    %shift_left3A_24 = arith.shli %shift_right_arithmetic3A_23, %shift_left3A : i32
    %sub3A = arith.subi %reduce_min3A_22, %shift_left3A_24 : i32
    %add3A_25 = arith.constant 127 : i32
    %add3A_26 = arith.addi %sub3A, %add3A_25 : i32
    %shift_right_arithmetic3A_27 = arith.constant 7 : i32
    %shift_right_arithmetic3A_28 = arith.shrsi %add3A_26, %shift_right_arithmetic3A_27 : i32
    %broadcast_in_dim3A = arith.constant 0.000000e+00 : f32
    %broadcast_in_dim3A_29 = vector.broadcast %broadcast_in_dim3A : f32 to vector<16xf32>
    %parallel_loop3A = arith.constant 0 : i32
    %parallel_loop3A_30 = arith.constant 128 : i32
    %parallel_loop3A_31 = arith.constant 1 : i32
    scf.for %parallel_loop3A_130 = %parallel_loop3A to %parallel_loop3A_30 step %parallel_loop3A_31  : i32 {
      %parallel_loop3A_131 = arith.constant 256 : i32
      %parallel_loop3A_132 = arith.muli %parallel_loop3A_130, %parallel_loop3A_131 : i32
      %parallel_loop3A_133 = arith.constant 0 : i32
      %parallel_loop3A_134 = arith.addi %parallel_loop3A_132, %parallel_loop3A_133 : i32
      %parallel_loop3A_135 = arith.index_cast %parallel_loop3A_134 : i32 to index
      %parallel_loop3A_136 = tpu.vector_load %arg17[%parallel_loop3A_135] {strides = array<i32>} : memref<32768xf32, #tpu.memory_space<vmem>>, vector<16xf32>,
      tpu.vector_store %arg17[%parallel_loop3A_135], %broadcast_in_dim3A_29 {strides = array<i32>} : memref<32768xf32, #tpu.memory_space<vmem>>, vector<16xf32>,
      %parallel_loop3A_137 = arith.constant 256 : i32
      %parallel_loop3A_138 = arith.muli %parallel_loop3A_130, %parallel_loop3A_137 : i32
      %parallel_loop3A_139 = arith.constant 16 : i32
      %parallel_loop3A_140 = arith.addi %parallel_loop3A_138, %parallel_loop3A_139 : i32
      %parallel_loop3A_141 = arith.index_cast %parallel_loop3A_140 : i32 to index
      %parallel_loop3A_142 = tpu.vector_load %arg17[%parallel_loop3A_141] {strides = array<i32>} : memref<32768xf32, #tpu.memory_space<vmem>>, vector<16xf32>,
      tpu.vector_store %arg17[%parallel_loop3A_141], %broadcast_in_dim3A_29 {strides = array<i32>} : memref<32768xf32, #tpu.memory_space<vmem>>, vector<16xf32>,
      %parallel_loop3A_143 = arith.constant 256 : i32
      %parallel_loop3A_144 = arith.muli %parallel_loop3A_130, %parallel_loop3A_143 : i32
      %parallel_loop3A_145 = arith.constant 32 : i32
      %parallel_loop3A_146 = arith.addi %parallel_loop3A_144, %parallel_loop3A_145 : i32
      %parallel_loop3A_147 = arith.index_cast %parallel_loop3A_146 : i32 to index
      %parallel_loop3A_148 = tpu.vector_load %arg17[%parallel_loop3A_147] {strides = array<i32>} : memref<32768xf32, #tpu.memory_space<vmem>>, vector<16xf32>,
      tpu.vector_store %arg17[%parallel_loop3A_147], %broadcast_in_dim3A_29 {strides = array<i32>} : memref<32768xf32, #tpu.memory_space<vmem>>, vector<16xf32>,
      %parallel_loop3A_149 = arith.constant 256 : i32
      %parallel_loop3A_150 = arith.muli %parallel_loop3A_130, %parallel_loop3A_149 : i32
      %parallel_loop3A_151 = arith.constant 48 : i32
      %parallel_loop3A_152 = arith.addi %parallel_loop3A_150, %parallel_loop3A_151 : i32
      %parallel_loop3A_153 = arith.index_cast %parallel_loop3A_152 : i32 to index
      %parallel_loop3A_154 = tpu.vector_load %arg17[%parallel_loop3A_153] {strides = array<i32>} : memref<32768xf32, #tpu.memory_space<vmem>>, vector<16xf32>,
      tpu.vector_store %arg17[%parallel_loop3A_153], %broadcast_in_dim3A_29 {strides = array<i32>} : memref<32768xf32, #tpu.memory_space<vmem>>, vector<16xf32>,
      %parallel_loop3A_155 = arith.constant 256 : i32
      %parallel_loop3A_156 = arith.muli %parallel_loop3A_130, %parallel_loop3A_155 : i32
      %parallel_loop3A_157 = arith.constant 64 : i32
      %parallel_loop3A_158 = arith.addi %parallel_loop3A_156, %parallel_loop3A_157 : i32
      %parallel_loop3A_159 = arith.index_cast %parallel_loop3A_158 : i32 to index
      %parallel_loop3A_160 = tpu.vector_load %arg17[%parallel_loop3A_159] {strides = array<i32>} : memref<32768xf32, #tpu.memory_space<vmem>>, vector<16xf32>,
      tpu.vector_store %arg17[%parallel_loop3A_159], %broadcast_in_dim3A_29 {strides = array<i32>} : memref<32768xf32, #tpu.memory_space<vmem>>, vector<16xf32>,
      %parallel_loop3A_161 = arith.constant 256 : i32
      %parallel_loop3A_162 = arith.muli %parallel_loop3A_130, %parallel_loop3A_161 : i32
      %parallel_loop3A_163 = arith.constant 80 : i32
      %parallel_loop3A_164 = arith.addi %parallel_loop3A_162, %parallel_loop3A_163 : i32
      %parallel_loop3A_165 = arith.index_cast %parallel_loop3A_164 : i32 to index
      %parallel_loop3A_166 = tpu.vector_load %arg17[%parallel_loop3A_165] {strides = array<i32>} : memref<32768xf32, #tpu.memory_space<vmem>>, vector<16xf32>,
      tpu.vector_store %arg17[%parallel_loop3A_165], %broadcast_in_dim3A_29 {strides = array<i32>} : memref<32768xf32, #tpu.memory_space<vmem>>, vector<16xf32>,
      %parallel_loop3A_167 = arith.constant 256 : i32
      %parallel_loop3A_168 = arith.muli %parallel_loop3A_130, %parallel_loop3A_167 : i32
      %parallel_loop3A_169 = arith.constant 96 : i32
      %parallel_loop3A_170 = arith.addi %parallel_loop3A_168, %parallel_loop3A_169 : i32
      %parallel_loop3A_171 = arith.index_cast %parallel_loop3A_170 : i32 to index
      %parallel_loop3A_172 = tpu.vector_load %arg17[%parallel_loop3A_171] {strides = array<i32>} : memref<32768xf32, #tpu.memory_space<vmem>>, vector<16xf32>,
      tpu.vector_store %arg17[%parallel_loop3A_171], %broadcast_in_dim3A_29 {strides = array<i32>} : memref<32768xf32, #tpu.memory_space<vmem>>, vector<16xf32>,
      %parallel_loop3A_173 = arith.constant 256 : i32
      %parallel_loop3A_174 = arith.muli %parallel_loop3A_130, %parallel_loop3A_173 : i32
      %parallel_loop3A_175 = arith.constant 112 : i32
      %parallel_loop3A_176 = arith.addi %parallel_loop3A_174, %parallel_loop3A_175 : i32
      %parallel_loop3A_177 = arith.index_cast %parallel_loop3A_176 : i32 to index
      %parallel_loop3A_178 = tpu.vector_load %arg17[%parallel_loop3A_177] {strides = array<i32>} : memref<32768xf32, #tpu.memory_space<vmem>>, vector<16xf32>,
      tpu.vector_store %arg17[%parallel_loop3A_177], %broadcast_in_dim3A_29 {strides = array<i32>} : memref<32768xf32, #tpu.memory_space<vmem>>, vector<16xf32>,
      %parallel_loop3A_179 = arith.constant 256 : i32
      %parallel_loop3A_180 = arith.muli %parallel_loop3A_130, %parallel_loop3A_179 : i32
      %parallel_loop3A_181 = arith.constant 128 : i32
      %parallel_loop3A_182 = arith.addi %parallel_loop3A_180, %parallel_loop3A_181 : i32
      %parallel_loop3A_183 = arith.index_cast %parallel_loop3A_182 : i32 to index
      %parallel_loop3A_184 = tpu.vector_load %arg17[%parallel_loop3A_183] {strides = array<i32>} : memref<32768xf32, #tpu.memory_space<vmem>>, vector<16xf32>,
      tpu.vector_store %arg17[%parallel_loop3A_183], %broadcast_in_dim3A_29 {strides = array<i32>} : memref<32768xf32, #tpu.memory_space<vmem>>, vector<16xf32>,
      %parallel_loop3A_185 = arith.constant 256 : i32
      %parallel_loop3A_186 = arith.muli %parallel_loop3A_130, %parallel_loop3A_185 : i32
      %parallel_loop3A_187 = arith.constant 144 : i32
      %parallel_loop3A_188 = arith.addi %parallel_loop3A_186, %parallel_loop3A_187 : i32
      %parallel_loop3A_189 = arith.index_cast %parallel_loop3A_188 : i32 to index
      %parallel_loop3A_190 = tpu.vector_load %arg17[%parallel_loop3A_189] {strides = array<i32>} : memref<32768xf32, #tpu.memory_space<vmem>>, vector<16xf32>,
      tpu.vector_store %arg17[%parallel_loop3A_189], %broadcast_in_dim3A_29 {strides = array<i32>} : memref<32768xf32, #tpu.memory_space<vmem>>, vector<16xf32>,
      %parallel_loop3A_191 = arith.constant 256 : i32
      %parallel_loop3A_192 = arith.muli %parallel_loop3A_130, %parallel_loop3A_191 : i32
      %parallel_loop3A_193 = arith.constant 160 : i32
      %parallel_loop3A_194 = arith.addi %parallel_loop3A_192, %parallel_loop3A_193 : i32
      %parallel_loop3A_195 = arith.index_cast %parallel_loop3A_194 : i32 to index
      %parallel_loop3A_196 = tpu.vector_load %arg17[%parallel_loop3A_195] {strides = array<i32>} : memref<32768xf32, #tpu.memory_space<vmem>>, vector<16xf32>,
      tpu.vector_store %arg17[%parallel_loop3A_195], %broadcast_in_dim3A_29 {strides = array<i32>} : memref<32768xf32, #tpu.memory_space<vmem>>, vector<16xf32>,
      %parallel_loop3A_197 = arith.constant 256 : i32
      %parallel_loop3A_198 = arith.muli %parallel_loop3A_130, %parallel_loop3A_197 : i32
      %parallel_loop3A_199 = arith.constant 176 : i32
      %parallel_loop3A_200 = arith.addi %parallel_loop3A_198, %parallel_loop3A_199 : i32
      %parallel_loop3A_201 = arith.index_cast %parallel_loop3A_200 : i32 to index
      %parallel_loop3A_202 = tpu.vector_load %arg17[%parallel_loop3A_201] {strides = array<i32>} : memref<32768xf32, #tpu.memory_space<vmem>>, vector<16xf32>,
      tpu.vector_store %arg17[%parallel_loop3A_201], %broadcast_in_dim3A_29 {strides = array<i32>} : memref<32768xf32, #tpu.memory_space<vmem>>, vector<16xf32>,
      %parallel_loop3A_203 = arith.constant 256 : i32
      %parallel_loop3A_204 = arith.muli %parallel_loop3A_130, %parallel_loop3A_203 : i32
      %parallel_loop3A_205 = arith.constant 192 : i32
      %parallel_loop3A_206 = arith.addi %parallel_loop3A_204, %parallel_loop3A_205 : i32
      %parallel_loop3A_207 = arith.index_cast %parallel_loop3A_206 : i32 to index
      %parallel_loop3A_208 = tpu.vector_load %arg17[%parallel_loop3A_207] {strides = array<i32>} : memref<32768xf32, #tpu.memory_space<vmem>>, vector<16xf32>,
      tpu.vector_store %arg17[%parallel_loop3A_207], %broadcast_in_dim3A_29 {strides = array<i32>} : memref<32768xf32, #tpu.memory_space<vmem>>, vector<16xf32>,
      %parallel_loop3A_209 = arith.constant 256 : i32
      %parallel_loop3A_210 = arith.muli %parallel_loop3A_130, %parallel_loop3A_209 : i32
      %parallel_loop3A_211 = arith.constant 208 : i32
      %parallel_loop3A_212 = arith.addi %parallel_loop3A_210, %parallel_loop3A_211 : i32
      %parallel_loop3A_213 = arith.index_cast %parallel_loop3A_212 : i32 to index
      %parallel_loop3A_214 = tpu.vector_load %arg17[%parallel_loop3A_213] {strides = array<i32>} : memref<32768xf32, #tpu.memory_space<vmem>>, vector<16xf32>,
      tpu.vector_store %arg17[%parallel_loop3A_213], %broadcast_in_dim3A_29 {strides = array<i32>} : memref<32768xf32, #tpu.memory_space<vmem>>, vector<16xf32>,
      %parallel_loop3A_215 = arith.constant 256 : i32
      %parallel_loop3A_216 = arith.muli %parallel_loop3A_130, %parallel_loop3A_215 : i32
      %parallel_loop3A_217 = arith.constant 224 : i32
      %parallel_loop3A_218 = arith.addi %parallel_loop3A_216, %parallel_loop3A_217 : i32
      %parallel_loop3A_219 = arith.index_cast %parallel_loop3A_218 : i32 to index
      %parallel_loop3A_220 = tpu.vector_load %arg17[%parallel_loop3A_219] {strides = array<i32>} : memref<32768xf32, #tpu.memory_space<vmem>>, vector<16xf32>,
      tpu.vector_store %arg17[%parallel_loop3A_219], %broadcast_in_dim3A_29 {strides = array<i32>} : memref<32768xf32, #tpu.memory_space<vmem>>, vector<16xf32>,
      %parallel_loop3A_221 = arith.constant 256 : i32
      %parallel_loop3A_222 = arith.muli %parallel_loop3A_130, %parallel_loop3A_221 : i32
      %parallel_loop3A_223 = arith.constant 240 : i32
      %parallel_loop3A_224 = arith.addi %parallel_loop3A_222, %parallel_loop3A_223 : i32
      %parallel_loop3A_225 = arith.index_cast %parallel_loop3A_224 : i32 to index
      %parallel_loop3A_226 = tpu.vector_load %arg17[%parallel_loop3A_225] {strides = array<i32>} : memref<32768xf32, #tpu.memory_space<vmem>>, vector<16xf32>,
      tpu.vector_store %arg17[%parallel_loop3A_225], %broadcast_in_dim3A_29 {strides = array<i32>} : memref<32768xf32, #tpu.memory_space<vmem>>, vector<16xf32>,
    } {sc.loop_unroll_factor = 4 : i64, sc.parallel_access}
    %iota3A = tpu.iota {dimensions = array<i32: 0>} : vector<16xi32>
    %mul3A_32 = arith.constant 256 : i32
    %mul3A_33 = arith.muli %mul3A_2, %mul3A_32 : i32
    %add3A_34 = arith.constant 0 : i32
    %add3A_35 = arith.addi %shift_left3A_24, %add3A_34 : i32
    %multiple_of3A = tpu.assume_multiple %add3A_35, 8 : i32
    %dma_start3A = tpu.memref_slice %arg3[%multiple_of3A] : memref<168676xi32, #tpu.memory_space<hbm>> -> memref<128xi32, #tpu.memory_space<hbm>>
    %dma_start3A_36 = tpu.memref_slice %arg3[%multiple_of3A] : memref<168676xi32, #tpu.memory_space<hbm>> -> memref<128xi32, #tpu.memory_space<hbm>>
    tpu.enqueue_dma source(%dma_start3A_36 : memref<128xi32, #tpu.memory_space<hbm>>) target(%arg9 : memref<128xi32, #tpu.memory_space<vmem>>) target_semaphore(%arg20 : memref<!tpu.dma_semaphore, #tpu.memory_space<semaphore_mem>>)
    %add3A_37 = arith.constant 128 : i32
    %add3A_38 = arith.addi %shift_left3A_24, %add3A_37 : i32
    %multiple_of3A_39 = tpu.assume_multiple %add3A_38, 8 : i32
    %dma_start3A_40 = tpu.memref_slice %arg3[%multiple_of3A_39] : memref<168676xi32, #tpu.memory_space<hbm>> -> memref<128xi32, #tpu.memory_space<hbm>>
    %dma_start3A_41 = tpu.memref_slice %arg3[%multiple_of3A_39] : memref<168676xi32, #tpu.memory_space<hbm>> -> memref<128xi32, #tpu.memory_space<hbm>>
    tpu.enqueue_dma source(%dma_start3A_41 : memref<128xi32, #tpu.memory_space<hbm>>) target(%arg10 : memref<128xi32, #tpu.memory_space<vmem>>) target_semaphore(%arg21 : memref<!tpu.dma_semaphore, #tpu.memory_space<semaphore_mem>>)
    %add3A_42 = arith.constant 0 : i32
    %add3A_43 = arith.addi %shift_left3A_24, %add3A_42 : i32
    %multiple_of3A_44 = tpu.assume_multiple %add3A_43, 8 : i32
    %dma_start3A_45 = tpu.memref_slice %arg4[%multiple_of3A_44] : memref<168676xi32, #tpu.memory_space<hbm>> -> memref<128xi32, #tpu.memory_space<hbm>>
    %dma_start3A_46 = tpu.memref_slice %arg4[%multiple_of3A_44] : memref<168676xi32, #tpu.memory_space<hbm>> -> memref<128xi32, #tpu.memory_space<hbm>>
    tpu.enqueue_dma source(%dma_start3A_46 : memref<128xi32, #tpu.memory_space<hbm>>) target(%arg11 : memref<128xi32, #tpu.memory_space<vmem>>) target_semaphore(%arg18 : memref<!tpu.dma_semaphore, #tpu.memory_space<semaphore_mem>>)
    %dma_start3A_47 = tpu.memref_slice %arg5[%multiple_of3A_44] : memref<168676xf32, #tpu.memory_space<hbm>> -> memref<128xf32, #tpu.memory_space<hbm>>
    %dma_start3A_48 = tpu.memref_slice %arg5[%multiple_of3A_44] : memref<168676xf32, #tpu.memory_space<hbm>> -> memref<128xf32, #tpu.memory_space<hbm>>
    tpu.enqueue_dma source(%dma_start3A_48 : memref<128xf32, #tpu.memory_space<hbm>>) target(%arg13 : memref<128xf32, #tpu.memory_space<vmem>>) target_semaphore(%arg18 : memref<!tpu.dma_semaphore, #tpu.memory_space<semaphore_mem>>)
    %add3A_49 = arith.constant 128 : i32
    %add3A_50 = arith.addi %shift_left3A_24, %add3A_49 : i32
    %multiple_of3A_51 = tpu.assume_multiple %add3A_50, 8 : i32
    %dma_start3A_52 = tpu.memref_slice %arg4[%multiple_of3A_51] : memref<168676xi32, #tpu.memory_space<hbm>> -> memref<128xi32, #tpu.memory_space<hbm>>
    %dma_start3A_53 = tpu.memref_slice %arg4[%multiple_of3A_51] : memref<168676xi32, #tpu.memory_space<hbm>> -> memref<128xi32, #tpu.memory_space<hbm>>
    tpu.enqueue_dma source(%dma_start3A_53 : memref<128xi32, #tpu.memory_space<hbm>>) target(%arg12 : memref<128xi32, #tpu.memory_space<vmem>>) target_semaphore(%arg19 : memref<!tpu.dma_semaphore, #tpu.memory_space<semaphore_mem>>)
    %dma_start3A_54 = tpu.memref_slice %arg5[%multiple_of3A_51] : memref<168676xf32, #tpu.memory_space<hbm>> -> memref<128xf32, #tpu.memory_space<hbm>>
    %dma_start3A_55 = tpu.memref_slice %arg5[%multiple_of3A_51] : memref<168676xf32, #tpu.memory_space<hbm>> -> memref<128xf32, #tpu.memory_space<hbm>>
    tpu.enqueue_dma source(%dma_start3A_55 : memref<128xf32, #tpu.memory_space<hbm>>) target(%arg14 : memref<128xf32, #tpu.memory_space<vmem>>) target_semaphore(%arg19 : memref<!tpu.dma_semaphore, #tpu.memory_space<semaphore_mem>>)
    %dma_wait3A = arith.constant 0 : i32
    %dma_wait3A_56 = tpu.memref_slice %arg3[%dma_wait3A] : memref<168676xi32, #tpu.memory_space<hbm>> -> memref<128xi32, #tpu.memory_space<hbm>>
    %dma_wait3A_57 = arith.constant 0 : i32
    %dma_wait3A_58 = tpu.memref_slice %arg3[%dma_wait3A_57] : memref<168676xi32, #tpu.memory_space<hbm>> -> memref<128xi32, #tpu.memory_space<hbm>>
    tpu.wait_dma2 semaphore(%arg20 : memref<!tpu.dma_semaphore, #tpu.memory_space<semaphore_mem>>) src(%dma_wait3A_58 : memref<128xi32, #tpu.memory_space<hbm>>) dst(%arg9 : memref<128xi32, #tpu.memory_space<vmem>>)
    %dma_start3A_59 = arith.constant 0 : i32
    %dma_start3A_60 = arith.constant 0 : i32
    %dma_start3A_61 = tpu.memref_slice %arg2[%dma_start3A_59, %dma_start3A_60] : memref<4096x256xf32, #tpu.memory_space<hbm>> -> memref<4096x256xf32, #tpu.memory_space<hbm>>
    tpu.enqueue_indirect_dma source(%dma_start3A_61 : memref<4096x256xf32, #tpu.memory_space<hbm>>) target(%arg15 : memref<128x256xf32, #tpu.memory_space<vmem>>) offsets(%arg9 : memref<128xi32, #tpu.memory_space<vmem>>) semaphore(%arg22 : memref<!tpu.dma_semaphore, #tpu.memory_space<semaphore_mem>>)
    %add3A_62 = arith.constant 256 : i32
    %add3A_63 = arith.addi %shift_left3A_24, %add3A_62 : i32
    %multiple_of3A_64 = tpu.assume_multiple %add3A_63, 8 : i32
    %dma_start3A_65 = tpu.memref_slice %arg3[%multiple_of3A_64] : memref<168676xi32, #tpu.memory_space<hbm>> -> memref<128xi32, #tpu.memory_space<hbm>>
    %dma_start3A_66 = tpu.memref_slice %arg3[%multiple_of3A_64] : memref<168676xi32, #tpu.memory_space<hbm>> -> memref<128xi32, #tpu.memory_space<hbm>>
    tpu.enqueue_dma source(%dma_start3A_66 : memref<128xi32, #tpu.memory_space<hbm>>) target(%arg9 : memref<128xi32, #tpu.memory_space<vmem>>) target_semaphore(%arg20 : memref<!tpu.dma_semaphore, #tpu.memory_space<semaphore_mem>>)
    %dma_wait3A_67 = arith.constant 0 : i32
    %dma_wait3A_68 = tpu.memref_slice %arg3[%dma_wait3A_67] : memref<168676xi32, #tpu.memory_space<hbm>> -> memref<128xi32, #tpu.memory_space<hbm>>
    %dma_wait3A_69 = arith.constant 0 : i32
    %dma_wait3A_70 = tpu.memref_slice %arg3[%dma_wait3A_69] : memref<168676xi32, #tpu.memory_space<hbm>> -> memref<128xi32, #tpu.memory_space<hbm>>
    tpu.wait_dma2 semaphore(%arg21 : memref<!tpu.dma_semaphore, #tpu.memory_space<semaphore_mem>>) src(%dma_wait3A_70 : memref<128xi32, #tpu.memory_space<hbm>>) dst(%arg10 : memref<128xi32, #tpu.memory_space<vmem>>)
    %dma_start3A_71 = arith.constant 0 : i32
    %dma_start3A_72 = arith.constant 0 : i32
    %dma_start3A_73 = tpu.memref_slice %arg2[%dma_start3A_71, %dma_start3A_72] : memref<4096x256xf32, #tpu.memory_space<hbm>> -> memref<4096x256xf32, #tpu.memory_space<hbm>>
    tpu.enqueue_indirect_dma source(%dma_start3A_73 : memref<4096x256xf32, #tpu.memory_space<hbm>>) target(%arg16 : memref<128x256xf32, #tpu.memory_space<vmem>>) offsets(%arg10 : memref<128xi32, #tpu.memory_space<vmem>>) semaphore(%arg23 : memref<!tpu.dma_semaphore, #tpu.memory_space<semaphore_mem>>)
    %add3A_74 = arith.constant 384 : i32
    %add3A_75 = arith.addi %shift_left3A_24, %add3A_74 : i32
    %multiple_of3A_76 = tpu.assume_multiple %add3A_75, 8 : i32
    %dma_start3A_77 = tpu.memref_slice %arg3[%multiple_of3A_76] : memref<168676xi32, #tpu.memory_space<hbm>> -> memref<128xi32, #tpu.memory_space<hbm>>
    %dma_start3A_78 = tpu.memref_slice %arg3[%multiple_of3A_76] : memref<168676xi32, #tpu.memory_space<hbm>> -> memref<128xi32, #tpu.memory_space<hbm>>
    tpu.enqueue_dma source(%dma_start3A_78 : memref<128xi32, #tpu.memory_space<hbm>>) target(%arg10 : memref<128xi32, #tpu.memory_space<vmem>>) target_semaphore(%arg21 : memref<!tpu.dma_semaphore, #tpu.memory_space<semaphore_mem>>)
    %add3A_79 = arith.constant 1 : i32
    %add3A_80 = arith.addi %shift_right_arithmetic3A_28, %add3A_79 : i32
    %shift_right_arithmetic3A_81 = arith.constant 1 : i32
    %shift_right_arithmetic3A_82 = arith.shrsi %add3A_80, %shift_right_arithmetic3A_81 : i32
    %while3A = arith.constant 0 : i32
    %while3A_83 = arith.constant 0 : i32
    %while3A_84 = arith.subi %shift_right_arithmetic3A_82, %while3A_83 : i32
    %while3A_85 = arith.addi %while3A_83, %while3A_84 : i32
    %while3A_86 = arith.constant 1 : i32
    %while3A_87 = arith.divsi %while3A_84, %while3A_86 : i32
    %while3A_88 = arith.muli %while3A_87, %while3A_86 : i32
    %while3A_89 = arith.addi %while3A_83, %while3A_88 : i32
    %while3A_90 = arith.constant 1 : i32
    scf.for %while3A_130 = %while3A_83 to %while3A_89 step %while3A_90  : i32 {
      %mul3A_131 = arith.constant 2 : i32
      %mul3A_132 = arith.muli %mul3A_131, %while3A_130 : i32
      %dma_wait3A_133 = arith.constant 0 : i32
      %dma_wait3A_134 = arith.constant 0 : i32
      %dma_wait3A_135 = tpu.memref_slice %arg2[%dma_wait3A_133, %dma_wait3A_134] : memref<4096x256xf32, #tpu.memory_space<hbm>> -> memref<128x256xf32, #tpu.memory_space<hbm>>
      %dma_wait3A_136 = arith.constant 0 : i32
      %dma_wait3A_137 = arith.constant 0 : i32
      %dma_wait3A_138 = tpu.memref_slice %arg2[%dma_wait3A_136, %dma_wait3A_137] : memref<4096x256xf32, #tpu.memory_space<hbm>> -> memref<128x256xf32, #tpu.memory_space<hbm>>
      tpu.wait_dma2 semaphore(%arg22 : memref<!tpu.dma_semaphore, #tpu.memory_space<semaphore_mem>>) src(%dma_wait3A_138 : memref<128x256xf32, #tpu.memory_space<hbm>>) dst(%arg15 : memref<128x256xf32, #tpu.memory_space<vmem>>)
      %dma_wait3A_139 = arith.constant 0 : i32
      %dma_wait3A_140 = tpu.memref_slice %arg4[%dma_wait3A_139] : memref<168676xi32, #tpu.memory_space<hbm>> -> memref<128xi32, #tpu.memory_space<hbm>>
      %dma_wait3A_141 = arith.constant 0 : i32
      %dma_wait3A_142 = tpu.memref_slice %arg4[%dma_wait3A_141] : memref<168676xi32, #tpu.memory_space<hbm>> -> memref<128xi32, #tpu.memory_space<hbm>>
      tpu.wait_dma2 semaphore(%arg18 : memref<!tpu.dma_semaphore, #tpu.memory_space<semaphore_mem>>) src(%dma_wait3A_142 : memref<128xi32, #tpu.memory_space<hbm>>) dst(%arg11 : memref<128xi32, #tpu.memory_space<vmem>>)
      %dma_wait3A_143 = arith.constant 0 : i32
      %dma_wait3A_144 = tpu.memref_slice %arg5[%dma_wait3A_143] : memref<168676xf32, #tpu.memory_space<hbm>> -> memref<128xf32, #tpu.memory_space<hbm>>
      %dma_wait3A_145 = arith.constant 0 : i32
      %dma_wait3A_146 = tpu.memref_slice %arg5[%dma_wait3A_145] : memref<168676xf32, #tpu.memory_space<hbm>> -> memref<128xf32, #tpu.memory_space<hbm>>
      tpu.wait_dma2 semaphore(%arg18 : memref<!tpu.dma_semaphore, #tpu.memory_space<semaphore_mem>>) src(%dma_wait3A_146 : memref<128xf32, #tpu.memory_space<hbm>>) dst(%arg13 : memref<128xf32, #tpu.memory_space<vmem>>)
      %mul3A_147 = arith.constant 128 : i32
      %mul3A_148 = arith.muli %mul3A_132, %mul3A_147 : i32
      %add3A_149 = arith.addi %shift_left3A_24, %mul3A_148 : i32
      %multiple_of3A_150 = tpu.assume_multiple %add3A_149, 8 : i32
      %parallel_loop3A_151 = arith.constant 0 : i32
      %parallel_loop3A_152 = arith.constant 128 : i32
      %parallel_loop3A_153 = arith.constant 1 : i32
      scf.for %parallel_loop3A_227 = %parallel_loop3A_151 to %parallel_loop3A_152 step %parallel_loop3A_153  : i32 {
        %parallel_loop3A_228 = arith.addi %multiple_of3A_150, %parallel_loop3A_227 : i32
        %parallel_loop3A_229 = arith.cmpi sge, %parallel_loop3A_228, %reduce_min3A_10 : i32
        %parallel_loop3A_230 = arith.cmpi slt, %parallel_loop3A_228, %reduce_min3A_22 : i32
        %parallel_loop3A_231 = arith.andi %parallel_loop3A_229, %parallel_loop3A_230 : i1
        %parallel_loop3A_232 = arith.constant 1.000000e+00 : f32
        %parallel_loop3A_233 = arith.constant 0.000000e+00 : f32
        %parallel_loop3A_234 = arith.select %parallel_loop3A_231, %parallel_loop3A_232, %parallel_loop3A_233 : f32
        %parallel_loop3A_235 = arith.constant 4 : i32
        %parallel_loop3A_236 = arith.shrsi %parallel_loop3A_227, %parallel_loop3A_235 : i32
        %parallel_loop3A_237 = arith.constant 4 : i32
        %parallel_loop3A_238 = arith.shli %parallel_loop3A_236, %parallel_loop3A_237 : i32
        %parallel_loop3A_239 = arith.constant 15 : i32
        %parallel_loop3A_240 = arith.andi %parallel_loop3A_227, %parallel_loop3A_239 : i32
        %parallel_loop3A_241 = vector.broadcast %parallel_loop3A_240 : i32 to vector<16xi32>
        %parallel_loop3A_242 = arith.index_cast %parallel_loop3A_238 : i32 to index
        %parallel_loop3A_243 = tpu.vector_load %arg13[%parallel_loop3A_242] {strides = array<i32>} : memref<128xf32, #tpu.memory_space<vmem>>, vector<16xf32>,
        %parallel_loop3A_244 = arith.index_cast %parallel_loop3A_238 : i32 to index
        %parallel_loop3A_245 = tpu.vector_load %arg11[%parallel_loop3A_244] {strides = array<i32>} : memref<128xi32, #tpu.memory_space<vmem>>, vector<16xi32>,
        %parallel_loop3A_246 = arith.constant 0 : i32
        %parallel_loop3A_247 = vector.broadcast %parallel_loop3A_246 : i32 to vector<16xi32>
        %parallel_loop3A_248 = arith.cmpi slt, %parallel_loop3A_241, %parallel_loop3A_247 : vector<16xi32>
        %parallel_loop3A_249 = arith.constant 16 : i32
        %parallel_loop3A_250 = vector.broadcast %parallel_loop3A_249 : i32 to vector<16xi32>
        %parallel_loop3A_251 = arith.addi %parallel_loop3A_241, %parallel_loop3A_250 : vector<16xi32>
        %parallel_loop3A_252 = arith.select %parallel_loop3A_248, %parallel_loop3A_251, %parallel_loop3A_241 : vector<16xi1>, vector<16xi32>
        %parallel_loop3A_253 = vector.shape_cast %parallel_loop3A_252 : vector<16xi32> to vector<16x1xi32>
        %parallel_loop3A_254 = vector.shape_cast %parallel_loop3A_253 : vector<16x1xi32> to vector<16xi32>
        %parallel_loop3A_255 = tpu.dynamic_gather %parallel_loop3A_243[%parallel_loop3A_254] in [0] : vector<16xf32>, vector<16xi32> -> vector<16xf32>
        %parallel_loop3A_256 = vector.broadcast %parallel_loop3A_234 : f32 to vector<16xf32>
        %parallel_loop3A_257 = arith.mulf %parallel_loop3A_255, %parallel_loop3A_256 : vector<16xf32>
        %parallel_loop3A_258 = arith.constant 0 : i32
        %parallel_loop3A_259 = vector.broadcast %parallel_loop3A_258 : i32 to vector<16xi32>
        %parallel_loop3A_260 = arith.cmpi slt, %parallel_loop3A_241, %parallel_loop3A_259 : vector<16xi32>
        %parallel_loop3A_261 = arith.constant 16 : i32
        %parallel_loop3A_262 = vector.broadcast %parallel_loop3A_261 : i32 to vector<16xi32>
        %parallel_loop3A_263 = arith.addi %parallel_loop3A_241, %parallel_loop3A_262 : vector<16xi32>
        %parallel_loop3A_264 = arith.select %parallel_loop3A_260, %parallel_loop3A_263, %parallel_loop3A_241 : vector<16xi1>, vector<16xi32>
        %parallel_loop3A_265 = vector.shape_cast %parallel_loop3A_264 : vector<16xi32> to vector<16x1xi32>
        %parallel_loop3A_266 = vector.shape_cast %parallel_loop3A_265 : vector<16x1xi32> to vector<16xi32>
        %parallel_loop3A_267 = tpu.dynamic_gather %parallel_loop3A_245[%parallel_loop3A_266] in [0] : vector<16xi32>, vector<16xi32> -> vector<16xi32>
        %parallel_loop3A_268 = vector.broadcast %mul3A_33 : i32 to vector<16xi32>
        %parallel_loop3A_269 = arith.subi %parallel_loop3A_267, %parallel_loop3A_268 : vector<16xi32>
        %parallel_loop3A_270 = arith.constant 0 : i32
        %parallel_loop3A_271 = vector.broadcast %parallel_loop3A_270 : i32 to vector<16xi32>
        %parallel_loop3A_272 = arith.maxsi %parallel_loop3A_269, %parallel_loop3A_271 : vector<16xi32>
        %parallel_loop3A_273 = arith.constant 32512 : i32
        %parallel_loop3A_274 = vector.broadcast %parallel_loop3A_273 : i32 to vector<16xi32>
        %parallel_loop3A_275 = arith.minsi %parallel_loop3A_272, %parallel_loop3A_274 : vector<16xi32>
        %parallel_loop3A_276 = arith.addi %parallel_loop3A_275, %iota3A : vector<16xi32>
        %parallel_loop3A_277 = arith.index_cast %parallel_loop3A_227 : i32 to index
        %parallel_loop3A_278 = arith.constant 0 : index
        %parallel_loop3A_279 = tpu.vector_load %arg15[%parallel_loop3A_277, %parallel_loop3A_278] {strides = array<i32>} : memref<128x256xf32, #tpu.memory_space<vmem>>, vector<16xf32>,
        %parallel_loop3A_280 = arith.index_cast %parallel_loop3A_227 : i32 to index
        %parallel_loop3A_281 = arith.constant 16 : index
        %parallel_loop3A_282 = tpu.vector_load %arg15[%parallel_loop3A_280, %parallel_loop3A_281] {strides = array<i32>} : memref<128x256xf32, #tpu.memory_space<vmem>>, vector<16xf32>,
        %parallel_loop3A_283 = arith.index_cast %parallel_loop3A_227 : i32 to index
        %parallel_loop3A_284 = arith.constant 32 : index
        %parallel_loop3A_285 = tpu.vector_load %arg15[%parallel_loop3A_283, %parallel_loop3A_284] {strides = array<i32>} : memref<128x256xf32, #tpu.memory_space<vmem>>, vector<16xf32>,
        %parallel_loop3A_286 = arith.index_cast %parallel_loop3A_227 : i32 to index
        %parallel_loop3A_287 = arith.constant 48 : index
        %parallel_loop3A_288 = tpu.vector_load %arg15[%parallel_loop3A_286, %parallel_loop3A_287] {strides = array<i32>} : memref<128x256xf32, #tpu.memory_space<vmem>>, vector<16xf32>,
        %parallel_loop3A_289 = arith.index_cast %parallel_loop3A_227 : i32 to index
        %parallel_loop3A_290 = arith.constant 64 : index
        %parallel_loop3A_291 = tpu.vector_load %arg15[%parallel_loop3A_289, %parallel_loop3A_290] {strides = array<i32>} : memref<128x256xf32, #tpu.memory_space<vmem>>, vector<16xf32>,
        %parallel_loop3A_292 = arith.index_cast %parallel_loop3A_227 : i32 to index
        %parallel_loop3A_293 = arith.constant 80 : index
        %parallel_loop3A_294 = tpu.vector_load %arg15[%parallel_loop3A_292, %parallel_loop3A_293] {strides = array<i32>} : memref<128x256xf32, #tpu.memory_space<vmem>>, vector<16xf32>,
        %parallel_loop3A_295 = arith.index_cast %parallel_loop3A_227 : i32 to index
        %parallel_loop3A_296 = arith.constant 96 : index
        %parallel_loop3A_297 = tpu.vector_load %arg15[%parallel_loop3A_295, %parallel_loop3A_296] {strides = array<i32>} : memref<128x256xf32, #tpu.memory_space<vmem>>, vector<16xf32>,
        %parallel_loop3A_298 = arith.index_cast %parallel_loop3A_227 : i32 to index
        %parallel_loop3A_299 = arith.constant 112 : index
        %parallel_loop3A_300 = tpu.vector_load %arg15[%parallel_loop3A_298, %parallel_loop3A_299] {strides = array<i32>} : memref<128x256xf32, #tpu.memory_space<vmem>>, vector<16xf32>,
        %parallel_loop3A_301 = arith.index_cast %parallel_loop3A_227 : i32 to index
        %parallel_loop3A_302 = arith.constant 128 : index
        %parallel_loop3A_303 = tpu.vector_load %arg15[%parallel_loop3A_301, %parallel_loop3A_302] {strides = array<i32>} : memref<128x256xf32, #tpu.memory_space<vmem>>, vector<16xf32>,
        %parallel_loop3A_304 = arith.index_cast %parallel_loop3A_227 : i32 to index
        %parallel_loop3A_305 = arith.constant 144 : index
        %parallel_loop3A_306 = tpu.vector_load %arg15[%parallel_loop3A_304, %parallel_loop3A_305] {strides = array<i32>} : memref<128x256xf32, #tpu.memory_space<vmem>>, vector<16xf32>,
        %parallel_loop3A_307 = arith.index_cast %parallel_loop3A_227 : i32 to index
        %parallel_loop3A_308 = arith.constant 160 : index
        %parallel_loop3A_309 = tpu.vector_load %arg15[%parallel_loop3A_307, %parallel_loop3A_308] {strides = array<i32>} : memref<128x256xf32, #tpu.memory_space<vmem>>, vector<16xf32>,
        %parallel_loop3A_310 = arith.index_cast %parallel_loop3A_227 : i32 to index
        %parallel_loop3A_311 = arith.constant 176 : index
        %parallel_loop3A_312 = tpu.vector_load %arg15[%parallel_loop3A_310, %parallel_loop3A_311] {strides = array<i32>} : memref<128x256xf32, #tpu.memory_space<vmem>>, vector<16xf32>,
        %parallel_loop3A_313 = arith.index_cast %parallel_loop3A_227 : i32 to index
        %parallel_loop3A_314 = arith.constant 192 : index
        %parallel_loop3A_315 = tpu.vector_load %arg15[%parallel_loop3A_313, %parallel_loop3A_314] {strides = array<i32>} : memref<128x256xf32, #tpu.memory_space<vmem>>, vector<16xf32>,
        %parallel_loop3A_316 = arith.index_cast %parallel_loop3A_227 : i32 to index
        %parallel_loop3A_317 = arith.constant 208 : index
        %parallel_loop3A_318 = tpu.vector_load %arg15[%parallel_loop3A_316, %parallel_loop3A_317] {strides = array<i32>} : memref<128x256xf32, #tpu.memory_space<vmem>>, vector<16xf32>,
        %parallel_loop3A_319 = arith.index_cast %parallel_loop3A_227 : i32 to index
        %parallel_loop3A_320 = arith.constant 224 : index
        %parallel_loop3A_321 = tpu.vector_load %arg15[%parallel_loop3A_319, %parallel_loop3A_320] {strides = array<i32>} : memref<128x256xf32, #tpu.memory_space<vmem>>, vector<16xf32>,
        %parallel_loop3A_322 = arith.index_cast %parallel_loop3A_227 : i32 to index
        %parallel_loop3A_323 = arith.constant 240 : index
        %parallel_loop3A_324 = tpu.vector_load %arg15[%parallel_loop3A_322, %parallel_loop3A_323] {strides = array<i32>} : memref<128x256xf32, #tpu.memory_space<vmem>>, vector<16xf32>,
        %parallel_loop3A_325 = arith.mulf %parallel_loop3A_279, %parallel_loop3A_257 : vector<16xf32>
        %parallel_loop3A_326 = arith.constant 0 : i32
        %parallel_loop3A_327 = tpu.memref_slice %arg17[%parallel_loop3A_326] : memref<32768xf32, #tpu.memory_space<vmem>> -> memref<32528xf32, #tpu.memory_space<vmem>>
        tpu.vector_store_idx %parallel_loop3A_327[%parallel_loop3A_276], %parallel_loop3A_325 {add = true} : memref<32528xf32, #tpu.memory_space<vmem>>[vector<16xi32>], vector<16xf32>,
        %parallel_loop3A_328 = arith.mulf %parallel_loop3A_282, %parallel_loop3A_257 : vector<16xf32>
        %parallel_loop3A_329 = arith.constant 16 : i32
        %parallel_loop3A_330 = tpu.memref_slice %arg17[%parallel_loop3A_329] : memref<32768xf32, #tpu.memory_space<vmem>> -> memref<32528xf32, #tpu.memory_space<vmem>>
        tpu.vector_store_idx %parallel_loop3A_330[%parallel_loop3A_276], %parallel_loop3A_328 {add = true} : memref<32528xf32, #tpu.memory_space<vmem>>[vector<16xi32>], vector<16xf32>,
        %parallel_loop3A_331 = arith.mulf %parallel_loop3A_285, %parallel_loop3A_257 : vector<16xf32>
        %parallel_loop3A_332 = arith.constant 32 : i32
        %parallel_loop3A_333 = tpu.memref_slice %arg17[%parallel_loop3A_332] : memref<32768xf32, #tpu.memory_space<vmem>> -> memref<32528xf32, #tpu.memory_space<vmem>>
        tpu.vector_store_idx %parallel_loop3A_333[%parallel_loop3A_276], %parallel_loop3A_331 {add = true} : memref<32528xf32, #tpu.memory_space<vmem>>[vector<16xi32>], vector<16xf32>,
        %parallel_loop3A_334 = arith.mulf %parallel_loop3A_288, %parallel_loop3A_257 : vector<16xf32>
        %parallel_loop3A_335 = arith.constant 48 : i32
        %parallel_loop3A_336 = tpu.memref_slice %arg17[%parallel_loop3A_335] : memref<32768xf32, #tpu.memory_space<vmem>> -> memref<32528xf32, #tpu.memory_space<vmem>>
        tpu.vector_store_idx %parallel_loop3A_336[%parallel_loop3A_276], %parallel_loop3A_334 {add = true} : memref<32528xf32, #tpu.memory_space<vmem>>[vector<16xi32>], vector<16xf32>,
        %parallel_loop3A_337 = arith.mulf %parallel_loop3A_291, %parallel_loop3A_257 : vector<16xf32>
        %parallel_loop3A_338 = arith.constant 64 : i32
        %parallel_loop3A_339 = tpu.memref_slice %arg17[%parallel_loop3A_338] : memref<32768xf32, #tpu.memory_space<vmem>> -> memref<32528xf32, #tpu.memory_space<vmem>>
        tpu.vector_store_idx %parallel_loop3A_339[%parallel_loop3A_276], %parallel_loop3A_337 {add = true} : memref<32528xf32, #tpu.memory_space<vmem>>[vector<16xi32>], vector<16xf32>,
        %parallel_loop3A_340 = arith.mulf %parallel_loop3A_294, %parallel_loop3A_257 : vector<16xf32>
        %parallel_loop3A_341 = arith.constant 80 : i32
        %parallel_loop3A_342 = tpu.memref_slice %arg17[%parallel_loop3A_341] : memref<32768xf32, #tpu.memory_space<vmem>> -> memref<32528xf32, #tpu.memory_space<vmem>>
        tpu.vector_store_idx %parallel_loop3A_342[%parallel_loop3A_276], %parallel_loop3A_340 {add = true} : memref<32528xf32, #tpu.memory_space<vmem>>[vector<16xi32>], vector<16xf32>,
        %parallel_loop3A_343 = arith.mulf %parallel_loop3A_297, %parallel_loop3A_257 : vector<16xf32>
        %parallel_loop3A_344 = arith.constant 96 : i32
        %parallel_loop3A_345 = tpu.memref_slice %arg17[%parallel_loop3A_344] : memref<32768xf32, #tpu.memory_space<vmem>> -> memref<32528xf32, #tpu.memory_space<vmem>>
        tpu.vector_store_idx %parallel_loop3A_345[%parallel_loop3A_276], %parallel_loop3A_343 {add = true} : memref<32528xf32, #tpu.memory_space<vmem>>[vector<16xi32>], vector<16xf32>,
        %parallel_loop3A_346 = arith.mulf %parallel_loop3A_300, %parallel_loop3A_257 : vector<16xf32>
        %parallel_loop3A_347 = arith.constant 112 : i32
        %parallel_loop3A_348 = tpu.memref_slice %arg17[%parallel_loop3A_347] : memref<32768xf32, #tpu.memory_space<vmem>> -> memref<32528xf32, #tpu.memory_space<vmem>>
        tpu.vector_store_idx %parallel_loop3A_348[%parallel_loop3A_276], %parallel_loop3A_346 {add = true} : memref<32528xf32, #tpu.memory_space<vmem>>[vector<16xi32>], vector<16xf32>,
        %parallel_loop3A_349 = arith.mulf %parallel_loop3A_303, %parallel_loop3A_257 : vector<16xf32>
        %parallel_loop3A_350 = arith.constant 128 : i32
        %parallel_loop3A_351 = tpu.memref_slice %arg17[%parallel_loop3A_350] : memref<32768xf32, #tpu.memory_space<vmem>> -> memref<32528xf32, #tpu.memory_space<vmem>>
        tpu.vector_store_idx %parallel_loop3A_351[%parallel_loop3A_276], %parallel_loop3A_349 {add = true} : memref<32528xf32, #tpu.memory_space<vmem>>[vector<16xi32>], vector<16xf32>,
        %parallel_loop3A_352 = arith.mulf %parallel_loop3A_306, %parallel_loop3A_257 : vector<16xf32>
        %parallel_loop3A_353 = arith.constant 144 : i32
        %parallel_loop3A_354 = tpu.memref_slice %arg17[%parallel_loop3A_353] : memref<32768xf32, #tpu.memory_space<vmem>> -> memref<32528xf32, #tpu.memory_space<vmem>>
        tpu.vector_store_idx %parallel_loop3A_354[%parallel_loop3A_276], %parallel_loop3A_352 {add = true} : memref<32528xf32, #tpu.memory_space<vmem>>[vector<16xi32>], vector<16xf32>,
        %parallel_loop3A_355 = arith.mulf %parallel_loop3A_309, %parallel_loop3A_257 : vector<16xf32>
        %parallel_loop3A_356 = arith.constant 160 : i32
        %parallel_loop3A_357 = tpu.memref_slice %arg17[%parallel_loop3A_356] : memref<32768xf32, #tpu.memory_space<vmem>> -> memref<32528xf32, #tpu.memory_space<vmem>>
        tpu.vector_store_idx %parallel_loop3A_357[%parallel_loop3A_276], %parallel_loop3A_355 {add = true} : memref<32528xf32, #tpu.memory_space<vmem>>[vector<16xi32>], vector<16xf32>,
        %parallel_loop3A_358 = arith.mulf %parallel_loop3A_312, %parallel_loop3A_257 : vector<16xf32>
        %parallel_loop3A_359 = arith.constant 176 : i32
        %parallel_loop3A_360 = tpu.memref_slice %arg17[%parallel_loop3A_359] : memref<32768xf32, #tpu.memory_space<vmem>> -> memref<32528xf32, #tpu.memory_space<vmem>>
        tpu.vector_store_idx %parallel_loop3A_360[%parallel_loop3A_276], %parallel_loop3A_358 {add = true} : memref<32528xf32, #tpu.memory_space<vmem>>[vector<16xi32>], vector<16xf32>,
        %parallel_loop3A_361 = arith.mulf %parallel_loop3A_315, %parallel_loop3A_257 : vector<16xf32>
        %parallel_loop3A_362 = arith.constant 192 : i32
        %parallel_loop3A_363 = tpu.memref_slice %arg17[%parallel_loop3A_362] : memref<32768xf32, #tpu.memory_space<vmem>> -> memref<32528xf32, #tpu.memory_space<vmem>>
        tpu.vector_store_idx %parallel_loop3A_363[%parallel_loop3A_276], %parallel_loop3A_361 {add = true} : memref<32528xf32, #tpu.memory_space<vmem>>[vector<16xi32>], vector<16xf32>,
        %parallel_loop3A_364 = arith.mulf %parallel_loop3A_318, %parallel_loop3A_257 : vector<16xf32>
        %parallel_loop3A_365 = arith.constant 208 : i32
        %parallel_loop3A_366 = tpu.memref_slice %arg17[%parallel_loop3A_365] : memref<32768xf32, #tpu.memory_space<vmem>> -> memref<32528xf32, #tpu.memory_space<vmem>>
        tpu.vector_store_idx %parallel_loop3A_366[%parallel_loop3A_276], %parallel_loop3A_364 {add = true} : memref<32528xf32, #tpu.memory_space<vmem>>[vector<16xi32>], vector<16xf32>,
        %parallel_loop3A_367 = arith.mulf %parallel_loop3A_321, %parallel_loop3A_257 : vector<16xf32>
        %parallel_loop3A_368 = arith.constant 224 : i32
        %parallel_loop3A_369 = tpu.memref_slice %arg17[%parallel_loop3A_368] : memref<32768xf32, #tpu.memory_space<vmem>> -> memref<32528xf32, #tpu.memory_space<vmem>>
        tpu.vector_store_idx %parallel_loop3A_369[%parallel_loop3A_276], %parallel_loop3A_367 {add = true} : memref<32528xf32, #tpu.memory_space<vmem>>[vector<16xi32>], vector<16xf32>,
        %parallel_loop3A_370 = arith.mulf %parallel_loop3A_324, %parallel_loop3A_257 : vector<16xf32>
        %parallel_loop3A_371 = arith.constant 240 : i32
        %parallel_loop3A_372 = tpu.memref_slice %arg17[%parallel_loop3A_371] : memref<32768xf32, #tpu.memory_space<vmem>> -> memref<32528xf32, #tpu.memory_space<vmem>>
        tpu.vector_store_idx %parallel_loop3A_372[%parallel_loop3A_276], %parallel_loop3A_370 {add = true} : memref<32528xf32, #tpu.memory_space<vmem>>[vector<16xi32>], vector<16xf32>,
      } {sc.loop_unroll_factor = 8 : i64, sc.parallel_access}
      %add3A_154 = arith.constant 2 : i32
      %add3A_155 = arith.addi %mul3A_132, %add3A_154 : i32
      %mul3A_156 = arith.constant 128 : i32
      %mul3A_157 = arith.muli %add3A_155, %mul3A_156 : i32
      %add3A_158 = arith.addi %shift_left3A_24, %mul3A_157 : i32
      %multiple_of3A_159 = tpu.assume_multiple %add3A_158, 8 : i32
      %dma_start3A_160 = tpu.memref_slice %arg4[%multiple_of3A_159] : memref<168676xi32, #tpu.memory_space<hbm>> -> memref<128xi32, #tpu.memory_space<hbm>>
      %dma_start3A_161 = tpu.memref_slice %arg4[%multiple_of3A_159] : memref<168676xi32, #tpu.memory_space<hbm>> -> memref<128xi32, #tpu.memory_space<hbm>>
      tpu.enqueue_dma source(%dma_start3A_161 : memref<128xi32, #tpu.memory_space<hbm>>) target(%arg11 : memref<128xi32, #tpu.memory_space<vmem>>) target_semaphore(%arg18 : memref<!tpu.dma_semaphore, #tpu.memory_space<semaphore_mem>>)
      %dma_start3A_162 = tpu.memref_slice %arg5[%multiple_of3A_159] : memref<168676xf32, #tpu.memory_space<hbm>> -> memref<128xf32, #tpu.memory_space<hbm>>
      %dma_start3A_163 = tpu.memref_slice %arg5[%multiple_of3A_159] : memref<168676xf32, #tpu.memory_space<hbm>> -> memref<128xf32, #tpu.memory_space<hbm>>
      tpu.enqueue_dma source(%dma_start3A_163 : memref<128xf32, #tpu.memory_space<hbm>>) target(%arg13 : memref<128xf32, #tpu.memory_space<vmem>>) target_semaphore(%arg18 : memref<!tpu.dma_semaphore, #tpu.memory_space<semaphore_mem>>)
      %dma_wait3A_164 = arith.constant 0 : i32
      %dma_wait3A_165 = tpu.memref_slice %arg3[%dma_wait3A_164] : memref<168676xi32, #tpu.memory_space<hbm>> -> memref<128xi32, #tpu.memory_space<hbm>>
      %dma_wait3A_166 = arith.constant 0 : i32
      %dma_wait3A_167 = tpu.memref_slice %arg3[%dma_wait3A_166] : memref<168676xi32, #tpu.memory_space<hbm>> -> memref<128xi32, #tpu.memory_space<hbm>>
      tpu.wait_dma2 semaphore(%arg20 : memref<!tpu.dma_semaphore, #tpu.memory_space<semaphore_mem>>) src(%dma_wait3A_167 : memref<128xi32, #tpu.memory_space<hbm>>) dst(%arg9 : memref<128xi32, #tpu.memory_space<vmem>>)
      %dma_start3A_168 = arith.constant 0 : i32
      %dma_start3A_169 = arith.constant 0 : i32
      %dma_start3A_170 = tpu.memref_slice %arg2[%dma_start3A_168, %dma_start3A_169] : memref<4096x256xf32, #tpu.memory_space<hbm>> -> memref<4096x256xf32, #tpu.memory_space<hbm>>
      tpu.enqueue_indirect_dma source(%dma_start3A_170 : memref<4096x256xf32, #tpu.memory_space<hbm>>) target(%arg15 : memref<128x256xf32, #tpu.memory_space<vmem>>) offsets(%arg9 : memref<128xi32, #tpu.memory_space<vmem>>) semaphore(%arg22 : memref<!tpu.dma_semaphore, #tpu.memory_space<semaphore_mem>>)
      %add3A_171 = arith.constant 4 : i32
      %add3A_172 = arith.addi %mul3A_132, %add3A_171 : i32
      %mul3A_173 = arith.constant 128 : i32
      %mul3A_174 = arith.muli %add3A_172, %mul3A_173 : i32
      %add3A_175 = arith.addi %shift_left3A_24, %mul3A_174 : i32
      %multiple_of3A_176 = tpu.assume_multiple %add3A_175, 8 : i32
      %dma_start3A_177 = tpu.memref_slice %arg3[%multiple_of3A_176] : memref<168676xi32, #tpu.memory_space<hbm>> -> memref<128xi32, #tpu.memory_space<hbm>>
      %dma_start3A_178 = tpu.memref_slice %arg3[%multiple_of3A_176] : memref<168676xi32, #tpu.memory_space<hbm>> -> memref<128xi32, #tpu.memory_space<hbm>>
      tpu.enqueue_dma source(%dma_start3A_178 : memref<128xi32, #tpu.memory_space<hbm>>) target(%arg9 : memref<128xi32, #tpu.memory_space<vmem>>) target_semaphore(%arg20 : memref<!tpu.dma_semaphore, #tpu.memory_space<semaphore_mem>>)
      %dma_wait3A_179 = arith.constant 0 : i32
      %dma_wait3A_180 = arith.constant 0 : i32
      %dma_wait3A_181 = tpu.memref_slice %arg2[%dma_wait3A_179, %dma_wait3A_180] : memref<4096x256xf32, #tpu.memory_space<hbm>> -> memref<128x256xf32, #tpu.memory_space<hbm>>
      %dma_wait3A_182 = arith.constant 0 : i32
      %dma_wait3A_183 = arith.constant 0 : i32
      %dma_wait3A_184 = tpu.memref_slice %arg2[%dma_wait3A_182, %dma_wait3A_183] : memref<4096x256xf32, #tpu.memory_space<hbm>> -> memref<128x256xf32, #tpu.memory_space<hbm>>
      tpu.wait_dma2 semaphore(%arg23 : memref<!tpu.dma_semaphore, #tpu.memory_space<semaphore_mem>>) src(%dma_wait3A_184 : memref<128x256xf32, #tpu.memory_space<hbm>>) dst(%arg16 : memref<128x256xf32, #tpu.memory_space<vmem>>)
      %dma_wait3A_185 = arith.constant 0 : i32
      %dma_wait3A_186 = tpu.memref_slice %arg4[%dma_wait3A_185] : memref<168676xi32, #tpu.memory_space<hbm>> -> memref<128xi32, #tpu.memory_space<hbm>>
      %dma_wait3A_187 = arith.constant 0 : i32
      %dma_wait3A_188 = tpu.memref_slice %arg4[%dma_wait3A_187] : memref<168676xi32, #tpu.memory_space<hbm>> -> memref<128xi32, #tpu.memory_space<hbm>>
      tpu.wait_dma2 semaphore(%arg19 : memref<!tpu.dma_semaphore, #tpu.memory_space<semaphore_mem>>) src(%dma_wait3A_188 : memref<128xi32, #tpu.memory_space<hbm>>) dst(%arg12 : memref<128xi32, #tpu.memory_space<vmem>>)
      %dma_wait3A_189 = arith.constant 0 : i32
      %dma_wait3A_190 = tpu.memref_slice %arg5[%dma_wait3A_189] : memref<168676xf32, #tpu.memory_space<hbm>> -> memref<128xf32, #tpu.memory_space<hbm>>
      %dma_wait3A_191 = arith.constant 0 : i32
      %dma_wait3A_192 = tpu.memref_slice %arg5[%dma_wait3A_191] : memref<168676xf32, #tpu.memory_space<hbm>> -> memref<128xf32, #tpu.memory_space<hbm>>
      tpu.wait_dma2 semaphore(%arg19 : memref<!tpu.dma_semaphore, #tpu.memory_space<semaphore_mem>>) src(%dma_wait3A_192 : memref<128xf32, #tpu.memory_space<hbm>>) dst(%arg14 : memref<128xf32, #tpu.memory_space<vmem>>)
      %add3A_193 = arith.constant 1 : i32
      %add3A_194 = arith.addi %mul3A_132, %add3A_193 : i32
      %mul3A_195 = arith.constant 128 : i32
      %mul3A_196 = arith.muli %add3A_194, %mul3A_195 : i32
      %add3A_197 = arith.addi %shift_left3A_24, %mul3A_196 : i32
      %multiple_of3A_198 = tpu.assume_multiple %add3A_197, 8 : i32
      %parallel_loop3A_199 = arith.constant 0 : i32
      %parallel_loop3A_200 = arith.constant 128 : i32
      %parallel_loop3A_201 = arith.constant 1 : i32
      scf.for %parallel_loop3A_227 = %parallel_loop3A_199 to %parallel_loop3A_200 step %parallel_loop3A_201  : i32 {
        %parallel_loop3A_228 = arith.addi %multiple_of3A_198, %parallel_loop3A_227 : i32
        %parallel_loop3A_229 = arith.cmpi sge, %parallel_loop3A_228, %reduce_min3A_10 : i32
        %parallel_loop3A_230 = arith.cmpi slt, %parallel_loop3A_228, %reduce_min3A_22 : i32
        %parallel_loop3A_231 = arith.andi %parallel_loop3A_229, %parallel_loop3A_230 : i1
        %parallel_loop3A_232 = arith.constant 1.000000e+00 : f32
        %parallel_loop3A_233 = arith.constant 0.000000e+00 : f32
        %parallel_loop3A_234 = arith.select %parallel_loop3A_231, %parallel_loop3A_232, %parallel_loop3A_233 : f32
        %parallel_loop3A_235 = arith.constant 4 : i32
        %parallel_loop3A_236 = arith.shrsi %parallel_loop3A_227, %parallel_loop3A_235 : i32
        %parallel_loop3A_237 = arith.constant 4 : i32
        %parallel_loop3A_238 = arith.shli %parallel_loop3A_236, %parallel_loop3A_237 : i32
        %parallel_loop3A_239 = arith.constant 15 : i32
        %parallel_loop3A_240 = arith.andi %parallel_loop3A_227, %parallel_loop3A_239 : i32
        %parallel_loop3A_241 = vector.broadcast %parallel_loop3A_240 : i32 to vector<16xi32>
        %parallel_loop3A_242 = arith.index_cast %parallel_loop3A_238 : i32 to index
        %parallel_loop3A_243 = tpu.vector_load %arg14[%parallel_loop3A_242] {strides = array<i32>} : memref<128xf32, #tpu.memory_space<vmem>>, vector<16xf32>,
        %parallel_loop3A_244 = arith.index_cast %parallel_loop3A_238 : i32 to index
        %parallel_loop3A_245 = tpu.vector_load %arg12[%parallel_loop3A_244] {strides = array<i32>} : memref<128xi32, #tpu.memory_space<vmem>>, vector<16xi32>,
        %parallel_loop3A_246 = arith.constant 0 : i32
        %parallel_loop3A_247 = vector.broadcast %parallel_loop3A_246 : i32 to vector<16xi32>
        %parallel_loop3A_248 = arith.cmpi slt, %parallel_loop3A_241, %parallel_loop3A_247 : vector<16xi32>
        %parallel_loop3A_249 = arith.constant 16 : i32
        %parallel_loop3A_250 = vector.broadcast %parallel_loop3A_249 : i32 to vector<16xi32>
        %parallel_loop3A_251 = arith.addi %parallel_loop3A_241, %parallel_loop3A_250 : vector<16xi32>
        %parallel_loop3A_252 = arith.select %parallel_loop3A_248, %parallel_loop3A_251, %parallel_loop3A_241 : vector<16xi1>, vector<16xi32>
        %parallel_loop3A_253 = vector.shape_cast %parallel_loop3A_252 : vector<16xi32> to vector<16x1xi32>
        %parallel_loop3A_254 = vector.shape_cast %parallel_loop3A_253 : vector<16x1xi32> to vector<16xi32>
        %parallel_loop3A_255 = tpu.dynamic_gather %parallel_loop3A_243[%parallel_loop3A_254] in [0] : vector<16xf32>, vector<16xi32> -> vector<16xf32>
        %parallel_loop3A_256 = vector.broadcast %parallel_loop3A_234 : f32 to vector<16xf32>
        %parallel_loop3A_257 = arith.mulf %parallel_loop3A_255, %parallel_loop3A_256 : vector<16xf32>
        %parallel_loop3A_258 = arith.constant 0 : i32
        %parallel_loop3A_259 = vector.broadcast %parallel_loop3A_258 : i32 to vector<16xi32>
        %parallel_loop3A_260 = arith.cmpi slt, %parallel_loop3A_241, %parallel_loop3A_259 : vector<16xi32>
        %parallel_loop3A_261 = arith.constant 16 : i32
        %parallel_loop3A_262 = vector.broadcast %parallel_loop3A_261 : i32 to vector<16xi32>
        %parallel_loop3A_263 = arith.addi %parallel_loop3A_241, %parallel_loop3A_262 : vector<16xi32>
        %parallel_loop3A_264 = arith.select %parallel_loop3A_260, %parallel_loop3A_263, %parallel_loop3A_241 : vector<16xi1>, vector<16xi32>
        %parallel_loop3A_265 = vector.shape_cast %parallel_loop3A_264 : vector<16xi32> to vector<16x1xi32>
        %parallel_loop3A_266 = vector.shape_cast %parallel_loop3A_265 : vector<16x1xi32> to vector<16xi32>
        %parallel_loop3A_267 = tpu.dynamic_gather %parallel_loop3A_245[%parallel_loop3A_266] in [0] : vector<16xi32>, vector<16xi32> -> vector<16xi32>
        %parallel_loop3A_268 = vector.broadcast %mul3A_33 : i32 to vector<16xi32>
        %parallel_loop3A_269 = arith.subi %parallel_loop3A_267, %parallel_loop3A_268 : vector<16xi32>
        %parallel_loop3A_270 = arith.constant 0 : i32
        %parallel_loop3A_271 = vector.broadcast %parallel_loop3A_270 : i32 to vector<16xi32>
        %parallel_loop3A_272 = arith.maxsi %parallel_loop3A_269, %parallel_loop3A_271 : vector<16xi32>
        %parallel_loop3A_273 = arith.constant 32512 : i32
        %parallel_loop3A_274 = vector.broadcast %parallel_loop3A_273 : i32 to vector<16xi32>
        %parallel_loop3A_275 = arith.minsi %parallel_loop3A_272, %parallel_loop3A_274 : vector<16xi32>
        %parallel_loop3A_276 = arith.addi %parallel_loop3A_275, %iota3A : vector<16xi32>
        %parallel_loop3A_277 = arith.index_cast %parallel_loop3A_227 : i32 to index
        %parallel_loop3A_278 = arith.constant 0 : index
        %parallel_loop3A_279 = tpu.vector_load %arg16[%parallel_loop3A_277, %parallel_loop3A_278] {strides = array<i32>} : memref<128x256xf32, #tpu.memory_space<vmem>>, vector<16xf32>,
        %parallel_loop3A_280 = arith.index_cast %parallel_loop3A_227 : i32 to index
        %parallel_loop3A_281 = arith.constant 16 : index
        %parallel_loop3A_282 = tpu.vector_load %arg16[%parallel_loop3A_280, %parallel_loop3A_281] {strides = array<i32>} : memref<128x256xf32, #tpu.memory_space<vmem>>, vector<16xf32>,
        %parallel_loop3A_283 = arith.index_cast %parallel_loop3A_227 : i32 to index
        %parallel_loop3A_284 = arith.constant 32 : index
        %parallel_loop3A_285 = tpu.vector_load %arg16[%parallel_loop3A_283, %parallel_loop3A_284] {strides = array<i32>} : memref<128x256xf32, #tpu.memory_space<vmem>>, vector<16xf32>,
        %parallel_loop3A_286 = arith.index_cast %parallel_loop3A_227 : i32 to index
        %parallel_loop3A_287 = arith.constant 48 : index
        %parallel_loop3A_288 = tpu.vector_load %arg16[%parallel_loop3A_286, %parallel_loop3A_287] {strides = array<i32>} : memref<128x256xf32, #tpu.memory_space<vmem>>, vector<16xf32>,
        %parallel_loop3A_289 = arith.index_cast %parallel_loop3A_227 : i32 to index
        %parallel_loop3A_290 = arith.constant 64 : index
        %parallel_loop3A_291 = tpu.vector_load %arg16[%parallel_loop3A_289, %parallel_loop3A_290] {strides = array<i32>} : memref<128x256xf32, #tpu.memory_space<vmem>>, vector<16xf32>,
        %parallel_loop3A_292 = arith.index_cast %parallel_loop3A_227 : i32 to index
        %parallel_loop3A_293 = arith.constant 80 : index
        %parallel_loop3A_294 = tpu.vector_load %arg16[%parallel_loop3A_292, %parallel_loop3A_293] {strides = array<i32>} : memref<128x256xf32, #tpu.memory_space<vmem>>, vector<16xf32>,
        %parallel_loop3A_295 = arith.index_cast %parallel_loop3A_227 : i32 to index
        %parallel_loop3A_296 = arith.constant 96 : index
        %parallel_loop3A_297 = tpu.vector_load %arg16[%parallel_loop3A_295, %parallel_loop3A_296] {strides = array<i32>} : memref<128x256xf32, #tpu.memory_space<vmem>>, vector<16xf32>,
        %parallel_loop3A_298 = arith.index_cast %parallel_loop3A_227 : i32 to index
        %parallel_loop3A_299 = arith.constant 112 : index
        %parallel_loop3A_300 = tpu.vector_load %arg16[%parallel_loop3A_298, %parallel_loop3A_299] {strides = array<i32>} : memref<128x256xf32, #tpu.memory_space<vmem>>, vector<16xf32>,
        %parallel_loop3A_301 = arith.index_cast %parallel_loop3A_227 : i32 to index
        %parallel_loop3A_302 = arith.constant 128 : index
        %parallel_loop3A_303 = tpu.vector_load %arg16[%parallel_loop3A_301, %parallel_loop3A_302] {strides = array<i32>} : memref<128x256xf32, #tpu.memory_space<vmem>>, vector<16xf32>,
        %parallel_loop3A_304 = arith.index_cast %parallel_loop3A_227 : i32 to index
        %parallel_loop3A_305 = arith.constant 144 : index
        %parallel_loop3A_306 = tpu.vector_load %arg16[%parallel_loop3A_304, %parallel_loop3A_305] {strides = array<i32>} : memref<128x256xf32, #tpu.memory_space<vmem>>, vector<16xf32>,
        %parallel_loop3A_307 = arith.index_cast %parallel_loop3A_227 : i32 to index
        %parallel_loop3A_308 = arith.constant 160 : index
        %parallel_loop3A_309 = tpu.vector_load %arg16[%parallel_loop3A_307, %parallel_loop3A_308] {strides = array<i32>} : memref<128x256xf32, #tpu.memory_space<vmem>>, vector<16xf32>,
        %parallel_loop3A_310 = arith.index_cast %parallel_loop3A_227 : i32 to index
        %parallel_loop3A_311 = arith.constant 176 : index
        %parallel_loop3A_312 = tpu.vector_load %arg16[%parallel_loop3A_310, %parallel_loop3A_311] {strides = array<i32>} : memref<128x256xf32, #tpu.memory_space<vmem>>, vector<16xf32>,
        %parallel_loop3A_313 = arith.index_cast %parallel_loop3A_227 : i32 to index
        %parallel_loop3A_314 = arith.constant 192 : index
        %parallel_loop3A_315 = tpu.vector_load %arg16[%parallel_loop3A_313, %parallel_loop3A_314] {strides = array<i32>} : memref<128x256xf32, #tpu.memory_space<vmem>>, vector<16xf32>,
        %parallel_loop3A_316 = arith.index_cast %parallel_loop3A_227 : i32 to index
        %parallel_loop3A_317 = arith.constant 208 : index
        %parallel_loop3A_318 = tpu.vector_load %arg16[%parallel_loop3A_316, %parallel_loop3A_317] {strides = array<i32>} : memref<128x256xf32, #tpu.memory_space<vmem>>, vector<16xf32>,
        %parallel_loop3A_319 = arith.index_cast %parallel_loop3A_227 : i32 to index
        %parallel_loop3A_320 = arith.constant 224 : index
        %parallel_loop3A_321 = tpu.vector_load %arg16[%parallel_loop3A_319, %parallel_loop3A_320] {strides = array<i32>} : memref<128x256xf32, #tpu.memory_space<vmem>>, vector<16xf32>,
        %parallel_loop3A_322 = arith.index_cast %parallel_loop3A_227 : i32 to index
        %parallel_loop3A_323 = arith.constant 240 : index
        %parallel_loop3A_324 = tpu.vector_load %arg16[%parallel_loop3A_322, %parallel_loop3A_323] {strides = array<i32>} : memref<128x256xf32, #tpu.memory_space<vmem>>, vector<16xf32>,
        %parallel_loop3A_325 = arith.mulf %parallel_loop3A_279, %parallel_loop3A_257 : vector<16xf32>
        %parallel_loop3A_326 = arith.constant 0 : i32
        %parallel_loop3A_327 = tpu.memref_slice %arg17[%parallel_loop3A_326] : memref<32768xf32, #tpu.memory_space<vmem>> -> memref<32528xf32, #tpu.memory_space<vmem>>
        tpu.vector_store_idx %parallel_loop3A_327[%parallel_loop3A_276], %parallel_loop3A_325 {add = true} : memref<32528xf32, #tpu.memory_space<vmem>>[vector<16xi32>], vector<16xf32>,
        %parallel_loop3A_328 = arith.mulf %parallel_loop3A_282, %parallel_loop3A_257 : vector<16xf32>
        %parallel_loop3A_329 = arith.constant 16 : i32
        %parallel_loop3A_330 = tpu.memref_slice %arg17[%parallel_loop3A_329] : memref<32768xf32, #tpu.memory_space<vmem>> -> memref<32528xf32, #tpu.memory_space<vmem>>
        tpu.vector_store_idx %parallel_loop3A_330[%parallel_loop3A_276], %parallel_loop3A_328 {add = true} : memref<32528xf32, #tpu.memory_space<vmem>>[vector<16xi32>], vector<16xf32>,
        %parallel_loop3A_331 = arith.mulf %parallel_loop3A_285, %parallel_loop3A_257 : vector<16xf32>
        %parallel_loop3A_332 = arith.constant 32 : i32
        %parallel_loop3A_333 = tpu.memref_slice %arg17[%parallel_loop3A_332] : memref<32768xf32, #tpu.memory_space<vmem>> -> memref<32528xf32, #tpu.memory_space<vmem>>
        tpu.vector_store_idx %parallel_loop3A_333[%parallel_loop3A_276], %parallel_loop3A_331 {add = true} : memref<32528xf32, #tpu.memory_space<vmem>>[vector<16xi32>], vector<16xf32>,
        %parallel_loop3A_334 = arith.mulf %parallel_loop3A_288, %parallel_loop3A_257 : vector<16xf32>
        %parallel_loop3A_335 = arith.constant 48 : i32
        %parallel_loop3A_336 = tpu.memref_slice %arg17[%parallel_loop3A_335] : memref<32768xf32, #tpu.memory_space<vmem>> -> memref<32528xf32, #tpu.memory_space<vmem>>
        tpu.vector_store_idx %parallel_loop3A_336[%parallel_loop3A_276], %parallel_loop3A_334 {add = true} : memref<32528xf32, #tpu.memory_space<vmem>>[vector<16xi32>], vector<16xf32>,
        %parallel_loop3A_337 = arith.mulf %parallel_loop3A_291, %parallel_loop3A_257 : vector<16xf32>
        %parallel_loop3A_338 = arith.constant 64 : i32
        %parallel_loop3A_339 = tpu.memref_slice %arg17[%parallel_loop3A_338] : memref<32768xf32, #tpu.memory_space<vmem>> -> memref<32528xf32, #tpu.memory_space<vmem>>
        tpu.vector_store_idx %parallel_loop3A_339[%parallel_loop3A_276], %parallel_loop3A_337 {add = true} : memref<32528xf32, #tpu.memory_space<vmem>>[vector<16xi32>], vector<16xf32>,
        %parallel_loop3A_340 = arith.mulf %parallel_loop3A_294, %parallel_loop3A_257 : vector<16xf32>
        %parallel_loop3A_341 = arith.constant 80 : i32
        %parallel_loop3A_342 = tpu.memref_slice %arg17[%parallel_loop3A_341] : memref<32768xf32, #tpu.memory_space<vmem>> -> memref<32528xf32, #tpu.memory_space<vmem>>
        tpu.vector_store_idx %parallel_loop3A_342[%parallel_loop3A_276], %parallel_loop3A_340 {add = true} : memref<32528xf32, #tpu.memory_space<vmem>>[vector<16xi32>], vector<16xf32>,
        %parallel_loop3A_343 = arith.mulf %parallel_loop3A_297, %parallel_loop3A_257 : vector<16xf32>
        %parallel_loop3A_344 = arith.constant 96 : i32
        %parallel_loop3A_345 = tpu.memref_slice %arg17[%parallel_loop3A_344] : memref<32768xf32, #tpu.memory_space<vmem>> -> memref<32528xf32, #tpu.memory_space<vmem>>
        tpu.vector_store_idx %parallel_loop3A_345[%parallel_loop3A_276], %parallel_loop3A_343 {add = true} : memref<32528xf32, #tpu.memory_space<vmem>>[vector<16xi32>], vector<16xf32>,
        %parallel_loop3A_346 = arith.mulf %parallel_loop3A_300, %parallel_loop3A_257 : vector<16xf32>
        %parallel_loop3A_347 = arith.constant 112 : i32
        %parallel_loop3A_348 = tpu.memref_slice %arg17[%parallel_loop3A_347] : memref<32768xf32, #tpu.memory_space<vmem>> -> memref<32528xf32, #tpu.memory_space<vmem>>
        tpu.vector_store_idx %parallel_loop3A_348[%parallel_loop3A_276], %parallel_loop3A_346 {add = true} : memref<32528xf32, #tpu.memory_space<vmem>>[vector<16xi32>], vector<16xf32>,
        %parallel_loop3A_349 = arith.mulf %parallel_loop3A_303, %parallel_loop3A_257 : vector<16xf32>
        %parallel_loop3A_350 = arith.constant 128 : i32
        %parallel_loop3A_351 = tpu.memref_slice %arg17[%parallel_loop3A_350] : memref<32768xf32, #tpu.memory_space<vmem>> -> memref<32528xf32, #tpu.memory_space<vmem>>
        tpu.vector_store_idx %parallel_loop3A_351[%parallel_loop3A_276], %parallel_loop3A_349 {add = true} : memref<32528xf32, #tpu.memory_space<vmem>>[vector<16xi32>], vector<16xf32>,
        %parallel_loop3A_352 = arith.mulf %parallel_loop3A_306, %parallel_loop3A_257 : vector<16xf32>
        %parallel_loop3A_353 = arith.constant 144 : i32
        %parallel_loop3A_354 = tpu.memref_slice %arg17[%parallel_loop3A_353] : memref<32768xf32, #tpu.memory_space<vmem>> -> memref<32528xf32, #tpu.memory_space<vmem>>
        tpu.vector_store_idx %parallel_loop3A_354[%parallel_loop3A_276], %parallel_loop3A_352 {add = true} : memref<32528xf32, #tpu.memory_space<vmem>>[vector<16xi32>], vector<16xf32>,
        %parallel_loop3A_355 = arith.mulf %parallel_loop3A_309, %parallel_loop3A_257 : vector<16xf32>
        %parallel_loop3A_356 = arith.constant 160 : i32
        %parallel_loop3A_357 = tpu.memref_slice %arg17[%parallel_loop3A_356] : memref<32768xf32, #tpu.memory_space<vmem>> -> memref<32528xf32, #tpu.memory_space<vmem>>
        tpu.vector_store_idx %parallel_loop3A_357[%parallel_loop3A_276], %parallel_loop3A_355 {add = true} : memref<32528xf32, #tpu.memory_space<vmem>>[vector<16xi32>], vector<16xf32>,
        %parallel_loop3A_358 = arith.mulf %parallel_loop3A_312, %parallel_loop3A_257 : vector<16xf32>
        %parallel_loop3A_359 = arith.constant 176 : i32
        %parallel_loop3A_360 = tpu.memref_slice %arg17[%parallel_loop3A_359] : memref<32768xf32, #tpu.memory_space<vmem>> -> memref<32528xf32, #tpu.memory_space<vmem>>
        tpu.vector_store_idx %parallel_loop3A_360[%parallel_loop3A_276], %parallel_loop3A_358 {add = true} : memref<32528xf32, #tpu.memory_space<vmem>>[vector<16xi32>], vector<16xf32>,
        %parallel_loop3A_361 = arith.mulf %parallel_loop3A_315, %parallel_loop3A_257 : vector<16xf32>
        %parallel_loop3A_362 = arith.constant 192 : i32
        %parallel_loop3A_363 = tpu.memref_slice %arg17[%parallel_loop3A_362] : memref<32768xf32, #tpu.memory_space<vmem>> -> memref<32528xf32, #tpu.memory_space<vmem>>
        tpu.vector_store_idx %parallel_loop3A_363[%parallel_loop3A_276], %parallel_loop3A_361 {add = true} : memref<32528xf32, #tpu.memory_space<vmem>>[vector<16xi32>], vector<16xf32>,
        %parallel_loop3A_364 = arith.mulf %parallel_loop3A_318, %parallel_loop3A_257 : vector<16xf32>
        %parallel_loop3A_365 = arith.constant 208 : i32
        %parallel_loop3A_366 = tpu.memref_slice %arg17[%parallel_loop3A_365] : memref<32768xf32, #tpu.memory_space<vmem>> -> memref<32528xf32, #tpu.memory_space<vmem>>
        tpu.vector_store_idx %parallel_loop3A_366[%parallel_loop3A_276], %parallel_loop3A_364 {add = true} : memref<32528xf32, #tpu.memory_space<vmem>>[vector<16xi32>], vector<16xf32>,
        %parallel_loop3A_367 = arith.mulf %parallel_loop3A_321, %parallel_loop3A_257 : vector<16xf32>
        %parallel_loop3A_368 = arith.constant 224 : i32
        %parallel_loop3A_369 = tpu.memref_slice %arg17[%parallel_loop3A_368] : memref<32768xf32, #tpu.memory_space<vmem>> -> memref<32528xf32, #tpu.memory_space<vmem>>
        tpu.vector_store_idx %parallel_loop3A_369[%parallel_loop3A_276], %parallel_loop3A_367 {add = true} : memref<32528xf32, #tpu.memory_space<vmem>>[vector<16xi32>], vector<16xf32>,
        %parallel_loop3A_370 = arith.mulf %parallel_loop3A_324, %parallel_loop3A_257 : vector<16xf32>
        %parallel_loop3A_371 = arith.constant 240 : i32
        %parallel_loop3A_372 = tpu.memref_slice %arg17[%parallel_loop3A_371] : memref<32768xf32, #tpu.memory_space<vmem>> -> memref<32528xf32, #tpu.memory_space<vmem>>
        tpu.vector_store_idx %parallel_loop3A_372[%parallel_loop3A_276], %parallel_loop3A_370 {add = true} : memref<32528xf32, #tpu.memory_space<vmem>>[vector<16xi32>], vector<16xf32>,
      } {sc.loop_unroll_factor = 8 : i64, sc.parallel_access}
      %add3A_202 = arith.constant 3 : i32
      %add3A_203 = arith.addi %mul3A_132, %add3A_202 : i32
      %mul3A_204 = arith.constant 128 : i32
      %mul3A_205 = arith.muli %add3A_203, %mul3A_204 : i32
      %add3A_206 = arith.addi %shift_left3A_24, %mul3A_205 : i32
      %multiple_of3A_207 = tpu.assume_multiple %add3A_206, 8 : i32
      %dma_start3A_208 = tpu.memref_slice %arg4[%multiple_of3A_207] : memref<168676xi32, #tpu.memory_space<hbm>> -> memref<128xi32, #tpu.memory_space<hbm>>
      %dma_start3A_209 = tpu.memref_slice %arg4[%multiple_of3A_207] : memref<168676xi32, #tpu.memory_space<hbm>> -> memref<128xi32, #tpu.memory_space<hbm>>
      tpu.enqueue_dma source(%dma_start3A_209 : memref<128xi32, #tpu.memory_space<hbm>>) target(%arg12 : memref<128xi32, #tpu.memory_space<vmem>>) target_semaphore(%arg19 : memref<!tpu.dma_semaphore, #tpu.memory_space<semaphore_mem>>)
      %dma_start3A_210 = tpu.memref_slice %arg5[%multiple_of3A_207] : memref<168676xf32, #tpu.memory_space<hbm>> -> memref<128xf32, #tpu.memory_space<hbm>>
      %dma_start3A_211 = tpu.memref_slice %arg5[%multiple_of3A_207] : memref<168676xf32, #tpu.memory_space<hbm>> -> memref<128xf32, #tpu.memory_space<hbm>>
      tpu.enqueue_dma source(%dma_start3A_211 : memref<128xf32, #tpu.memory_space<hbm>>) target(%arg14 : memref<128xf32, #tpu.memory_space<vmem>>) target_semaphore(%arg19 : memref<!tpu.dma_semaphore, #tpu.memory_space<semaphore_mem>>)
      %dma_wait3A_212 = arith.constant 0 : i32
      %dma_wait3A_213 = tpu.memref_slice %arg3[%dma_wait3A_212] : memref<168676xi32, #tpu.memory_space<hbm>> -> memref<128xi32, #tpu.memory_space<hbm>>
      %dma_wait3A_214 = arith.constant 0 : i32
      %dma_wait3A_215 = tpu.memref_slice %arg3[%dma_wait3A_214] : memref<168676xi32, #tpu.memory_space<hbm>> -> memref<128xi32, #tpu.memory_space<hbm>>
      tpu.wait_dma2 semaphore(%arg21 : memref<!tpu.dma_semaphore, #tpu.memory_space<semaphore_mem>>) src(%dma_wait3A_215 : memref<128xi32, #tpu.memory_space<hbm>>) dst(%arg10 : memref<128xi32, #tpu.memory_space<vmem>>)
      %dma_start3A_216 = arith.constant 0 : i32
      %dma_start3A_217 = arith.constant 0 : i32
      %dma_start3A_218 = tpu.memref_slice %arg2[%dma_start3A_216, %dma_start3A_217] : memref<4096x256xf32, #tpu.memory_space<hbm>> -> memref<4096x256xf32, #tpu.memory_space<hbm>>
      tpu.enqueue_indirect_dma source(%dma_start3A_218 : memref<4096x256xf32, #tpu.memory_space<hbm>>) target(%arg16 : memref<128x256xf32, #tpu.memory_space<vmem>>) offsets(%arg10 : memref<128xi32, #tpu.memory_space<vmem>>) semaphore(%arg23 : memref<!tpu.dma_semaphore, #tpu.memory_space<semaphore_mem>>)
      %add3A_219 = arith.constant 5 : i32
      %add3A_220 = arith.addi %mul3A_132, %add3A_219 : i32
      %mul3A_221 = arith.constant 128 : i32
      %mul3A_222 = arith.muli %add3A_220, %mul3A_221 : i32
      %add3A_223 = arith.addi %shift_left3A_24, %mul3A_222 : i32
      %multiple_of3A_224 = tpu.assume_multiple %add3A_223, 8 : i32
      %dma_start3A_225 = tpu.memref_slice %arg3[%multiple_of3A_224] : memref<168676xi32, #tpu.memory_space<hbm>> -> memref<128xi32, #tpu.memory_space<hbm>>
      %dma_start3A_226 = tpu.memref_slice %arg3[%multiple_of3A_224] : memref<168676xi32, #tpu.memory_space<hbm>> -> memref<128xi32, #tpu.memory_space<hbm>>
      tpu.enqueue_dma source(%dma_start3A_226 : memref<128xi32, #tpu.memory_space<hbm>>) target(%arg10 : memref<128xi32, #tpu.memory_space<vmem>>) target_semaphore(%arg21 : memref<!tpu.dma_semaphore, #tpu.memory_space<semaphore_mem>>)
    }
    %while3A_91 = arith.constant 1 : i32
    scf.for %while3A_130 = %while3A_89 to %while3A_85 step %while3A_91  : i32 {
      %mul3A_131 = arith.constant 2 : i32
      %mul3A_132 = arith.muli %mul3A_131, %while3A_130 : i32
      %dma_wait3A_133 = arith.constant 0 : i32
      %dma_wait3A_134 = arith.constant 0 : i32
      %dma_wait3A_135 = tpu.memref_slice %arg2[%dma_wait3A_133, %dma_wait3A_134] : memref<4096x256xf32, #tpu.memory_space<hbm>> -> memref<128x256xf32, #tpu.memory_space<hbm>>
      %dma_wait3A_136 = arith.constant 0 : i32
      %dma_wait3A_137 = arith.constant 0 : i32
      %dma_wait3A_138 = tpu.memref_slice %arg2[%dma_wait3A_136, %dma_wait3A_137] : memref<4096x256xf32, #tpu.memory_space<hbm>> -> memref<128x256xf32, #tpu.memory_space<hbm>>
      tpu.wait_dma2 semaphore(%arg22 : memref<!tpu.dma_semaphore, #tpu.memory_space<semaphore_mem>>) src(%dma_wait3A_138 : memref<128x256xf32, #tpu.memory_space<hbm>>) dst(%arg15 : memref<128x256xf32, #tpu.memory_space<vmem>>)
      %dma_wait3A_139 = arith.constant 0 : i32
      %dma_wait3A_140 = tpu.memref_slice %arg4[%dma_wait3A_139] : memref<168676xi32, #tpu.memory_space<hbm>> -> memref<128xi32, #tpu.memory_space<hbm>>
      %dma_wait3A_141 = arith.constant 0 : i32
      %dma_wait3A_142 = tpu.memref_slice %arg4[%dma_wait3A_141] : memref<168676xi32, #tpu.memory_space<hbm>> -> memref<128xi32, #tpu.memory_space<hbm>>
      tpu.wait_dma2 semaphore(%arg18 : memref<!tpu.dma_semaphore, #tpu.memory_space<semaphore_mem>>) src(%dma_wait3A_142 : memref<128xi32, #tpu.memory_space<hbm>>) dst(%arg11 : memref<128xi32, #tpu.memory_space<vmem>>)
      %dma_wait3A_143 = arith.constant 0 : i32
      %dma_wait3A_144 = tpu.memref_slice %arg5[%dma_wait3A_143] : memref<168676xf32, #tpu.memory_space<hbm>> -> memref<128xf32, #tpu.memory_space<hbm>>
      %dma_wait3A_145 = arith.constant 0 : i32
      %dma_wait3A_146 = tpu.memref_slice %arg5[%dma_wait3A_145] : memref<168676xf32, #tpu.memory_space<hbm>> -> memref<128xf32, #tpu.memory_space<hbm>>
      tpu.wait_dma2 semaphore(%arg18 : memref<!tpu.dma_semaphore, #tpu.memory_space<semaphore_mem>>) src(%dma_wait3A_146 : memref<128xf32, #tpu.memory_space<hbm>>) dst(%arg13 : memref<128xf32, #tpu.memory_space<vmem>>)
      %mul3A_147 = arith.constant 128 : i32
      %mul3A_148 = arith.muli %mul3A_132, %mul3A_147 : i32
      %add3A_149 = arith.addi %shift_left3A_24, %mul3A_148 : i32
      %multiple_of3A_150 = tpu.assume_multiple %add3A_149, 8 : i32
      %parallel_loop3A_151 = arith.constant 0 : i32
      %parallel_loop3A_152 = arith.constant 128 : i32
      %parallel_loop3A_153 = arith.constant 1 : i32
      scf.for %parallel_loop3A_227 = %parallel_loop3A_151 to %parallel_loop3A_152 step %parallel_loop3A_153  : i32 {
        %parallel_loop3A_228 = arith.addi %multiple_of3A_150, %parallel_loop3A_227 : i32
        %parallel_loop3A_229 = arith.cmpi sge, %parallel_loop3A_228, %reduce_min3A_10 : i32
        %parallel_loop3A_230 = arith.cmpi slt, %parallel_loop3A_228, %reduce_min3A_22 : i32
        %parallel_loop3A_231 = arith.andi %parallel_loop3A_229, %parallel_loop3A_230 : i1
        %parallel_loop3A_232 = arith.constant 1.000000e+00 : f32
        %parallel_loop3A_233 = arith.constant 0.000000e+00 : f32
        %parallel_loop3A_234 = arith.select %parallel_loop3A_231, %parallel_loop3A_232, %parallel_loop3A_233 : f32
        %parallel_loop3A_235 = arith.constant 4 : i32
        %parallel_loop3A_236 = arith.shrsi %parallel_loop3A_227, %parallel_loop3A_235 : i32
        %parallel_loop3A_237 = arith.constant 4 : i32
        %parallel_loop3A_238 = arith.shli %parallel_loop3A_236, %parallel_loop3A_237 : i32
        %parallel_loop3A_239 = arith.constant 15 : i32
        %parallel_loop3A_240 = arith.andi %parallel_loop3A_227, %parallel_loop3A_239 : i32
        %parallel_loop3A_241 = vector.broadcast %parallel_loop3A_240 : i32 to vector<16xi32>
        %parallel_loop3A_242 = arith.index_cast %parallel_loop3A_238 : i32 to index
        %parallel_loop3A_243 = tpu.vector_load %arg13[%parallel_loop3A_242] {strides = array<i32>} : memref<128xf32, #tpu.memory_space<vmem>>, vector<16xf32>,
        %parallel_loop3A_244 = arith.index_cast %parallel_loop3A_238 : i32 to index
        %parallel_loop3A_245 = tpu.vector_load %arg11[%parallel_loop3A_244] {strides = array<i32>} : memref<128xi32, #tpu.memory_space<vmem>>, vector<16xi32>,
        %parallel_loop3A_246 = arith.constant 0 : i32
        %parallel_loop3A_247 = vector.broadcast %parallel_loop3A_246 : i32 to vector<16xi32>
        %parallel_loop3A_248 = arith.cmpi slt, %parallel_loop3A_241, %parallel_loop3A_247 : vector<16xi32>
        %parallel_loop3A_249 = arith.constant 16 : i32
        %parallel_loop3A_250 = vector.broadcast %parallel_loop3A_249 : i32 to vector<16xi32>
        %parallel_loop3A_251 = arith.addi %parallel_loop3A_241, %parallel_loop3A_250 : vector<16xi32>
        %parallel_loop3A_252 = arith.select %parallel_loop3A_248, %parallel_loop3A_251, %parallel_loop3A_241 : vector<16xi1>, vector<16xi32>
        %parallel_loop3A_253 = vector.shape_cast %parallel_loop3A_252 : vector<16xi32> to vector<16x1xi32>
        %parallel_loop3A_254 = vector.shape_cast %parallel_loop3A_253 : vector<16x1xi32> to vector<16xi32>
        %parallel_loop3A_255 = tpu.dynamic_gather %parallel_loop3A_243[%parallel_loop3A_254] in [0] : vector<16xf32>, vector<16xi32> -> vector<16xf32>
        %parallel_loop3A_256 = vector.broadcast %parallel_loop3A_234 : f32 to vector<16xf32>
        %parallel_loop3A_257 = arith.mulf %parallel_loop3A_255, %parallel_loop3A_256 : vector<16xf32>
        %parallel_loop3A_258 = arith.constant 0 : i32
        %parallel_loop3A_259 = vector.broadcast %parallel_loop3A_258 : i32 to vector<16xi32>
        %parallel_loop3A_260 = arith.cmpi slt, %parallel_loop3A_241, %parallel_loop3A_259 : vector<16xi32>
        %parallel_loop3A_261 = arith.constant 16 : i32
        %parallel_loop3A_262 = vector.broadcast %parallel_loop3A_261 : i32 to vector<16xi32>
        %parallel_loop3A_263 = arith.addi %parallel_loop3A_241, %parallel_loop3A_262 : vector<16xi32>
        %parallel_loop3A_264 = arith.select %parallel_loop3A_260, %parallel_loop3A_263, %parallel_loop3A_241 : vector<16xi1>, vector<16xi32>
        %parallel_loop3A_265 = vector.shape_cast %parallel_loop3A_264 : vector<16xi32> to vector<16x1xi32>
        %parallel_loop3A_266 = vector.shape_cast %parallel_loop3A_265 : vector<16x1xi32> to vector<16xi32>
        %parallel_loop3A_267 = tpu.dynamic_gather %parallel_loop3A_245[%parallel_loop3A_266] in [0] : vector<16xi32>, vector<16xi32> -> vector<16xi32>
        %parallel_loop3A_268 = vector.broadcast %mul3A_33 : i32 to vector<16xi32>
        %parallel_loop3A_269 = arith.subi %parallel_loop3A_267, %parallel_loop3A_268 : vector<16xi32>
        %parallel_loop3A_270 = arith.constant 0 : i32
        %parallel_loop3A_271 = vector.broadcast %parallel_loop3A_270 : i32 to vector<16xi32>
        %parallel_loop3A_272 = arith.maxsi %parallel_loop3A_269, %parallel_loop3A_271 : vector<16xi32>
        %parallel_loop3A_273 = arith.constant 32512 : i32
        %parallel_loop3A_274 = vector.broadcast %parallel_loop3A_273 : i32 to vector<16xi32>
        %parallel_loop3A_275 = arith.minsi %parallel_loop3A_272, %parallel_loop3A_274 : vector<16xi32>
        %parallel_loop3A_276 = arith.addi %parallel_loop3A_275, %iota3A : vector<16xi32>
        %parallel_loop3A_277 = arith.index_cast %parallel_loop3A_227 : i32 to index
        %parallel_loop3A_278 = arith.constant 0 : index
        %parallel_loop3A_279 = tpu.vector_load %arg15[%parallel_loop3A_277, %parallel_loop3A_278] {strides = array<i32>} : memref<128x256xf32, #tpu.memory_space<vmem>>, vector<16xf32>,
        %parallel_loop3A_280 = arith.index_cast %parallel_loop3A_227 : i32 to index
        %parallel_loop3A_281 = arith.constant 16 : index
        %parallel_loop3A_282 = tpu.vector_load %arg15[%parallel_loop3A_280, %parallel_loop3A_281] {strides = array<i32>} : memref<128x256xf32, #tpu.memory_space<vmem>>, vector<16xf32>,
        %parallel_loop3A_283 = arith.index_cast %parallel_loop3A_227 : i32 to index
        %parallel_loop3A_284 = arith.constant 32 : index
        %parallel_loop3A_285 = tpu.vector_load %arg15[%parallel_loop3A_283, %parallel_loop3A_284] {strides = array<i32>} : memref<128x256xf32, #tpu.memory_space<vmem>>, vector<16xf32>,
        %parallel_loop3A_286 = arith.index_cast %parallel_loop3A_227 : i32 to index
        %parallel_loop3A_287 = arith.constant 48 : index
        %parallel_loop3A_288 = tpu.vector_load %arg15[%parallel_loop3A_286, %parallel_loop3A_287] {strides = array<i32>} : memref<128x256xf32, #tpu.memory_space<vmem>>, vector<16xf32>,
        %parallel_loop3A_289 = arith.index_cast %parallel_loop3A_227 : i32 to index
        %parallel_loop3A_290 = arith.constant 64 : index
        %parallel_loop3A_291 = tpu.vector_load %arg15[%parallel_loop3A_289, %parallel_loop3A_290] {strides = array<i32>} : memref<128x256xf32, #tpu.memory_space<vmem>>, vector<16xf32>,
        %parallel_loop3A_292 = arith.index_cast %parallel_loop3A_227 : i32 to index
        %parallel_loop3A_293 = arith.constant 80 : index
        %parallel_loop3A_294 = tpu.vector_load %arg15[%parallel_loop3A_292, %parallel_loop3A_293] {strides = array<i32>} : memref<128x256xf32, #tpu.memory_space<vmem>>, vector<16xf32>,
        %parallel_loop3A_295 = arith.index_cast %parallel_loop3A_227 : i32 to index
        %parallel_loop3A_296 = arith.constant 96 : index
        %parallel_loop3A_297 = tpu.vector_load %arg15[%parallel_loop3A_295, %parallel_loop3A_296] {strides = array<i32>} : memref<128x256xf32, #tpu.memory_space<vmem>>, vector<16xf32>,
        %parallel_loop3A_298 = arith.index_cast %parallel_loop3A_227 : i32 to index
        %parallel_loop3A_299 = arith.constant 112 : index
        %parallel_loop3A_300 = tpu.vector_load %arg15[%parallel_loop3A_298, %parallel_loop3A_299] {strides = array<i32>} : memref<128x256xf32, #tpu.memory_space<vmem>>, vector<16xf32>,
        %parallel_loop3A_301 = arith.index_cast %parallel_loop3A_227 : i32 to index
        %parallel_loop3A_302 = arith.constant 128 : index
        %parallel_loop3A_303 = tpu.vector_load %arg15[%parallel_loop3A_301, %parallel_loop3A_302] {strides = array<i32>} : memref<128x256xf32, #tpu.memory_space<vmem>>, vector<16xf32>,
        %parallel_loop3A_304 = arith.index_cast %parallel_loop3A_227 : i32 to index
        %parallel_loop3A_305 = arith.constant 144 : index
        %parallel_loop3A_306 = tpu.vector_load %arg15[%parallel_loop3A_304, %parallel_loop3A_305] {strides = array<i32>} : memref<128x256xf32, #tpu.memory_space<vmem>>, vector<16xf32>,
        %parallel_loop3A_307 = arith.index_cast %parallel_loop3A_227 : i32 to index
        %parallel_loop3A_308 = arith.constant 160 : index
        %parallel_loop3A_309 = tpu.vector_load %arg15[%parallel_loop3A_307, %parallel_loop3A_308] {strides = array<i32>} : memref<128x256xf32, #tpu.memory_space<vmem>>, vector<16xf32>,
        %parallel_loop3A_310 = arith.index_cast %parallel_loop3A_227 : i32 to index
        %parallel_loop3A_311 = arith.constant 176 : index
        %parallel_loop3A_312 = tpu.vector_load %arg15[%parallel_loop3A_310, %parallel_loop3A_311] {strides = array<i32>} : memref<128x256xf32, #tpu.memory_space<vmem>>, vector<16xf32>,
        %parallel_loop3A_313 = arith.index_cast %parallel_loop3A_227 : i32 to index
        %parallel_loop3A_314 = arith.constant 192 : index
        %parallel_loop3A_315 = tpu.vector_load %arg15[%parallel_loop3A_313, %parallel_loop3A_314] {strides = array<i32>} : memref<128x256xf32, #tpu.memory_space<vmem>>, vector<16xf32>,
        %parallel_loop3A_316 = arith.index_cast %parallel_loop3A_227 : i32 to index
        %parallel_loop3A_317 = arith.constant 208 : index
        %parallel_loop3A_318 = tpu.vector_load %arg15[%parallel_loop3A_316, %parallel_loop3A_317] {strides = array<i32>} : memref<128x256xf32, #tpu.memory_space<vmem>>, vector<16xf32>,
        %parallel_loop3A_319 = arith.index_cast %parallel_loop3A_227 : i32 to index
        %parallel_loop3A_320 = arith.constant 224 : index
        %parallel_loop3A_321 = tpu.vector_load %arg15[%parallel_loop3A_319, %parallel_loop3A_320] {strides = array<i32>} : memref<128x256xf32, #tpu.memory_space<vmem>>, vector<16xf32>,
        %parallel_loop3A_322 = arith.index_cast %parallel_loop3A_227 : i32 to index
        %parallel_loop3A_323 = arith.constant 240 : index
        %parallel_loop3A_324 = tpu.vector_load %arg15[%parallel_loop3A_322, %parallel_loop3A_323] {strides = array<i32>} : memref<128x256xf32, #tpu.memory_space<vmem>>, vector<16xf32>,
        %parallel_loop3A_325 = arith.mulf %parallel_loop3A_279, %parallel_loop3A_257 : vector<16xf32>
        %parallel_loop3A_326 = arith.constant 0 : i32
        %parallel_loop3A_327 = tpu.memref_slice %arg17[%parallel_loop3A_326] : memref<32768xf32, #tpu.memory_space<vmem>> -> memref<32528xf32, #tpu.memory_space<vmem>>
        tpu.vector_store_idx %parallel_loop3A_327[%parallel_loop3A_276], %parallel_loop3A_325 {add = true} : memref<32528xf32, #tpu.memory_space<vmem>>[vector<16xi32>], vector<16xf32>,
        %parallel_loop3A_328 = arith.mulf %parallel_loop3A_282, %parallel_loop3A_257 : vector<16xf32>
        %parallel_loop3A_329 = arith.constant 16 : i32
        %parallel_loop3A_330 = tpu.memref_slice %arg17[%parallel_loop3A_329] : memref<32768xf32, #tpu.memory_space<vmem>> -> memref<32528xf32, #tpu.memory_space<vmem>>
        tpu.vector_store_idx %parallel_loop3A_330[%parallel_loop3A_276], %parallel_loop3A_328 {add = true} : memref<32528xf32, #tpu.memory_space<vmem>>[vector<16xi32>], vector<16xf32>,
        %parallel_loop3A_331 = arith.mulf %parallel_loop3A_285, %parallel_loop3A_257 : vector<16xf32>
        %parallel_loop3A_332 = arith.constant 32 : i32
        %parallel_loop3A_333 = tpu.memref_slice %arg17[%parallel_loop3A_332] : memref<32768xf32, #tpu.memory_space<vmem>> -> memref<32528xf32, #tpu.memory_space<vmem>>
        tpu.vector_store_idx %parallel_loop3A_333[%parallel_loop3A_276], %parallel_loop3A_331 {add = true} : memref<32528xf32, #tpu.memory_space<vmem>>[vector<16xi32>], vector<16xf32>,
        %parallel_loop3A_334 = arith.mulf %parallel_loop3A_288, %parallel_loop3A_257 : vector<16xf32>
        %parallel_loop3A_335 = arith.constant 48 : i32
        %parallel_loop3A_336 = tpu.memref_slice %arg17[%parallel_loop3A_335] : memref<32768xf32, #tpu.memory_space<vmem>> -> memref<32528xf32, #tpu.memory_space<vmem>>
        tpu.vector_store_idx %parallel_loop3A_336[%parallel_loop3A_276], %parallel_loop3A_334 {add = true} : memref<32528xf32, #tpu.memory_space<vmem>>[vector<16xi32>], vector<16xf32>,
        %parallel_loop3A_337 = arith.mulf %parallel_loop3A_291, %parallel_loop3A_257 : vector<16xf32>
        %parallel_loop3A_338 = arith.constant 64 : i32
        %parallel_loop3A_339 = tpu.memref_slice %arg17[%parallel_loop3A_338] : memref<32768xf32, #tpu.memory_space<vmem>> -> memref<32528xf32, #tpu.memory_space<vmem>>
        tpu.vector_store_idx %parallel_loop3A_339[%parallel_loop3A_276], %parallel_loop3A_337 {add = true} : memref<32528xf32, #tpu.memory_space<vmem>>[vector<16xi32>], vector<16xf32>,
        %parallel_loop3A_340 = arith.mulf %parallel_loop3A_294, %parallel_loop3A_257 : vector<16xf32>
        %parallel_loop3A_341 = arith.constant 80 : i32
        %parallel_loop3A_342 = tpu.memref_slice %arg17[%parallel_loop3A_341] : memref<32768xf32, #tpu.memory_space<vmem>> -> memref<32528xf32, #tpu.memory_space<vmem>>
        tpu.vector_store_idx %parallel_loop3A_342[%parallel_loop3A_276], %parallel_loop3A_340 {add = true} : memref<32528xf32, #tpu.memory_space<vmem>>[vector<16xi32>], vector<16xf32>,
        %parallel_loop3A_343 = arith.mulf %parallel_loop3A_297, %parallel_loop3A_257 : vector<16xf32>
        %parallel_loop3A_344 = arith.constant 96 : i32
        %parallel_loop3A_345 = tpu.memref_slice %arg17[%parallel_loop3A_344] : memref<32768xf32, #tpu.memory_space<vmem>> -> memref<32528xf32, #tpu.memory_space<vmem>>
        tpu.vector_store_idx %parallel_loop3A_345[%parallel_loop3A_276], %parallel_loop3A_343 {add = true} : memref<32528xf32, #tpu.memory_space<vmem>>[vector<16xi32>], vector<16xf32>,
        %parallel_loop3A_346 = arith.mulf %parallel_loop3A_300, %parallel_loop3A_257 : vector<16xf32>
        %parallel_loop3A_347 = arith.constant 112 : i32
        %parallel_loop3A_348 = tpu.memref_slice %arg17[%parallel_loop3A_347] : memref<32768xf32, #tpu.memory_space<vmem>> -> memref<32528xf32, #tpu.memory_space<vmem>>
        tpu.vector_store_idx %parallel_loop3A_348[%parallel_loop3A_276], %parallel_loop3A_346 {add = true} : memref<32528xf32, #tpu.memory_space<vmem>>[vector<16xi32>], vector<16xf32>,
        %parallel_loop3A_349 = arith.mulf %parallel_loop3A_303, %parallel_loop3A_257 : vector<16xf32>
        %parallel_loop3A_350 = arith.constant 128 : i32
        %parallel_loop3A_351 = tpu.memref_slice %arg17[%parallel_loop3A_350] : memref<32768xf32, #tpu.memory_space<vmem>> -> memref<32528xf32, #tpu.memory_space<vmem>>
        tpu.vector_store_idx %parallel_loop3A_351[%parallel_loop3A_276], %parallel_loop3A_349 {add = true} : memref<32528xf32, #tpu.memory_space<vmem>>[vector<16xi32>], vector<16xf32>,
        %parallel_loop3A_352 = arith.mulf %parallel_loop3A_306, %parallel_loop3A_257 : vector<16xf32>
        %parallel_loop3A_353 = arith.constant 144 : i32
        %parallel_loop3A_354 = tpu.memref_slice %arg17[%parallel_loop3A_353] : memref<32768xf32, #tpu.memory_space<vmem>> -> memref<32528xf32, #tpu.memory_space<vmem>>
        tpu.vector_store_idx %parallel_loop3A_354[%parallel_loop3A_276], %parallel_loop3A_352 {add = true} : memref<32528xf32, #tpu.memory_space<vmem>>[vector<16xi32>], vector<16xf32>,
        %parallel_loop3A_355 = arith.mulf %parallel_loop3A_309, %parallel_loop3A_257 : vector<16xf32>
        %parallel_loop3A_356 = arith.constant 160 : i32
        %parallel_loop3A_357 = tpu.memref_slice %arg17[%parallel_loop3A_356] : memref<32768xf32, #tpu.memory_space<vmem>> -> memref<32528xf32, #tpu.memory_space<vmem>>
        tpu.vector_store_idx %parallel_loop3A_357[%parallel_loop3A_276], %parallel_loop3A_355 {add = true} : memref<32528xf32, #tpu.memory_space<vmem>>[vector<16xi32>], vector<16xf32>,
        %parallel_loop3A_358 = arith.mulf %parallel_loop3A_312, %parallel_loop3A_257 : vector<16xf32>
        %parallel_loop3A_359 = arith.constant 176 : i32
        %parallel_loop3A_360 = tpu.memref_slice %arg17[%parallel_loop3A_359] : memref<32768xf32, #tpu.memory_space<vmem>> -> memref<32528xf32, #tpu.memory_space<vmem>>
        tpu.vector_store_idx %parallel_loop3A_360[%parallel_loop3A_276], %parallel_loop3A_358 {add = true} : memref<32528xf32, #tpu.memory_space<vmem>>[vector<16xi32>], vector<16xf32>,
        %parallel_loop3A_361 = arith.mulf %parallel_loop3A_315, %parallel_loop3A_257 : vector<16xf32>
        %parallel_loop3A_362 = arith.constant 192 : i32
        %parallel_loop3A_363 = tpu.memref_slice %arg17[%parallel_loop3A_362] : memref<32768xf32, #tpu.memory_space<vmem>> -> memref<32528xf32, #tpu.memory_space<vmem>>
        tpu.vector_store_idx %parallel_loop3A_363[%parallel_loop3A_276], %parallel_loop3A_361 {add = true} : memref<32528xf32, #tpu.memory_space<vmem>>[vector<16xi32>], vector<16xf32>,
        %parallel_loop3A_364 = arith.mulf %parallel_loop3A_318, %parallel_loop3A_257 : vector<16xf32>
        %parallel_loop3A_365 = arith.constant 208 : i32
        %parallel_loop3A_366 = tpu.memref_slice %arg17[%parallel_loop3A_365] : memref<32768xf32, #tpu.memory_space<vmem>> -> memref<32528xf32, #tpu.memory_space<vmem>>
        tpu.vector_store_idx %parallel_loop3A_366[%parallel_loop3A_276], %parallel_loop3A_364 {add = true} : memref<32528xf32, #tpu.memory_space<vmem>>[vector<16xi32>], vector<16xf32>,
        %parallel_loop3A_367 = arith.mulf %parallel_loop3A_321, %parallel_loop3A_257 : vector<16xf32>
        %parallel_loop3A_368 = arith.constant 224 : i32
        %parallel_loop3A_369 = tpu.memref_slice %arg17[%parallel_loop3A_368] : memref<32768xf32, #tpu.memory_space<vmem>> -> memref<32528xf32, #tpu.memory_space<vmem>>
        tpu.vector_store_idx %parallel_loop3A_369[%parallel_loop3A_276], %parallel_loop3A_367 {add = true} : memref<32528xf32, #tpu.memory_space<vmem>>[vector<16xi32>], vector<16xf32>,
        %parallel_loop3A_370 = arith.mulf %parallel_loop3A_324, %parallel_loop3A_257 : vector<16xf32>
        %parallel_loop3A_371 = arith.constant 240 : i32
        %parallel_loop3A_372 = tpu.memref_slice %arg17[%parallel_loop3A_371] : memref<32768xf32, #tpu.memory_space<vmem>> -> memref<32528xf32, #tpu.memory_space<vmem>>
        tpu.vector_store_idx %parallel_loop3A_372[%parallel_loop3A_276], %parallel_loop3A_370 {add = true} : memref<32528xf32, #tpu.memory_space<vmem>>[vector<16xi32>], vector<16xf32>,
      } {sc.loop_unroll_factor = 8 : i64, sc.parallel_access}
      %add3A_154 = arith.constant 2 : i32
      %add3A_155 = arith.addi %mul3A_132, %add3A_154 : i32
      %mul3A_156 = arith.constant 128 : i32
      %mul3A_157 = arith.muli %add3A_155, %mul3A_156 : i32
      %add3A_158 = arith.addi %shift_left3A_24, %mul3A_157 : i32
      %multiple_of3A_159 = tpu.assume_multiple %add3A_158, 8 : i32
      %dma_start3A_160 = tpu.memref_slice %arg4[%multiple_of3A_159] : memref<168676xi32, #tpu.memory_space<hbm>> -> memref<128xi32, #tpu.memory_space<hbm>>
      %dma_start3A_161 = tpu.memref_slice %arg4[%multiple_of3A_159] : memref<168676xi32, #tpu.memory_space<hbm>> -> memref<128xi32, #tpu.memory_space<hbm>>
      tpu.enqueue_dma source(%dma_start3A_161 : memref<128xi32, #tpu.memory_space<hbm>>) target(%arg11 : memref<128xi32, #tpu.memory_space<vmem>>) target_semaphore(%arg18 : memref<!tpu.dma_semaphore, #tpu.memory_space<semaphore_mem>>)
      %dma_start3A_162 = tpu.memref_slice %arg5[%multiple_of3A_159] : memref<168676xf32, #tpu.memory_space<hbm>> -> memref<128xf32, #tpu.memory_space<hbm>>
      %dma_start3A_163 = tpu.memref_slice %arg5[%multiple_of3A_159] : memref<168676xf32, #tpu.memory_space<hbm>> -> memref<128xf32, #tpu.memory_space<hbm>>
      tpu.enqueue_dma source(%dma_start3A_163 : memref<128xf32, #tpu.memory_space<hbm>>) target(%arg13 : memref<128xf32, #tpu.memory_space<vmem>>) target_semaphore(%arg18 : memref<!tpu.dma_semaphore, #tpu.memory_space<semaphore_mem>>)
      %dma_wait3A_164 = arith.constant 0 : i32
      %dma_wait3A_165 = tpu.memref_slice %arg3[%dma_wait3A_164] : memref<168676xi32, #tpu.memory_space<hbm>> -> memref<128xi32, #tpu.memory_space<hbm>>
      %dma_wait3A_166 = arith.constant 0 : i32
      %dma_wait3A_167 = tpu.memref_slice %arg3[%dma_wait3A_166] : memref<168676xi32, #tpu.memory_space<hbm>> -> memref<128xi32, #tpu.memory_space<hbm>>
      tpu.wait_dma2 semaphore(%arg20 : memref<!tpu.dma_semaphore, #tpu.memory_space<semaphore_mem>>) src(%dma_wait3A_167 : memref<128xi32, #tpu.memory_space<hbm>>) dst(%arg9 : memref<128xi32, #tpu.memory_space<vmem>>)
      %dma_start3A_168 = arith.constant 0 : i32
      %dma_start3A_169 = arith.constant 0 : i32
      %dma_start3A_170 = tpu.memref_slice %arg2[%dma_start3A_168, %dma_start3A_169] : memref<4096x256xf32, #tpu.memory_space<hbm>> -> memref<4096x256xf32, #tpu.memory_space<hbm>>
      tpu.enqueue_indirect_dma source(%dma_start3A_170 : memref<4096x256xf32, #tpu.memory_space<hbm>>) target(%arg15 : memref<128x256xf32, #tpu.memory_space<vmem>>) offsets(%arg9 : memref<128xi32, #tpu.memory_space<vmem>>) semaphore(%arg22 : memref<!tpu.dma_semaphore, #tpu.memory_space<semaphore_mem>>)
      %add3A_171 = arith.constant 4 : i32
      %add3A_172 = arith.addi %mul3A_132, %add3A_171 : i32
      %mul3A_173 = arith.constant 128 : i32
      %mul3A_174 = arith.muli %add3A_172, %mul3A_173 : i32
      %add3A_175 = arith.addi %shift_left3A_24, %mul3A_174 : i32
      %multiple_of3A_176 = tpu.assume_multiple %add3A_175, 8 : i32
      %dma_start3A_177 = tpu.memref_slice %arg3[%multiple_of3A_176] : memref<168676xi32, #tpu.memory_space<hbm>> -> memref<128xi32, #tpu.memory_space<hbm>>
      %dma_start3A_178 = tpu.memref_slice %arg3[%multiple_of3A_176] : memref<168676xi32, #tpu.memory_space<hbm>> -> memref<128xi32, #tpu.memory_space<hbm>>
      tpu.enqueue_dma source(%dma_start3A_178 : memref<128xi32, #tpu.memory_space<hbm>>) target(%arg9 : memref<128xi32, #tpu.memory_space<vmem>>) target_semaphore(%arg20 : memref<!tpu.dma_semaphore, #tpu.memory_space<semaphore_mem>>)
      %dma_wait3A_179 = arith.constant 0 : i32
      %dma_wait3A_180 = arith.constant 0 : i32
      %dma_wait3A_181 = tpu.memref_slice %arg2[%dma_wait3A_179, %dma_wait3A_180] : memref<4096x256xf32, #tpu.memory_space<hbm>> -> memref<128x256xf32, #tpu.memory_space<hbm>>
      %dma_wait3A_182 = arith.constant 0 : i32
      %dma_wait3A_183 = arith.constant 0 : i32
      %dma_wait3A_184 = tpu.memref_slice %arg2[%dma_wait3A_182, %dma_wait3A_183] : memref<4096x256xf32, #tpu.memory_space<hbm>> -> memref<128x256xf32, #tpu.memory_space<hbm>>
      tpu.wait_dma2 semaphore(%arg23 : memref<!tpu.dma_semaphore, #tpu.memory_space<semaphore_mem>>) src(%dma_wait3A_184 : memref<128x256xf32, #tpu.memory_space<hbm>>) dst(%arg16 : memref<128x256xf32, #tpu.memory_space<vmem>>)
      %dma_wait3A_185 = arith.constant 0 : i32
      %dma_wait3A_186 = tpu.memref_slice %arg4[%dma_wait3A_185] : memref<168676xi32, #tpu.memory_space<hbm>> -> memref<128xi32, #tpu.memory_space<hbm>>
      %dma_wait3A_187 = arith.constant 0 : i32
      %dma_wait3A_188 = tpu.memref_slice %arg4[%dma_wait3A_187] : memref<168676xi32, #tpu.memory_space<hbm>> -> memref<128xi32, #tpu.memory_space<hbm>>
      tpu.wait_dma2 semaphore(%arg19 : memref<!tpu.dma_semaphore, #tpu.memory_space<semaphore_mem>>) src(%dma_wait3A_188 : memref<128xi32, #tpu.memory_space<hbm>>) dst(%arg12 : memref<128xi32, #tpu.memory_space<vmem>>)
      %dma_wait3A_189 = arith.constant 0 : i32
      %dma_wait3A_190 = tpu.memref_slice %arg5[%dma_wait3A_189] : memref<168676xf32, #tpu.memory_space<hbm>> -> memref<128xf32, #tpu.memory_space<hbm>>
      %dma_wait3A_191 = arith.constant 0 : i32
      %dma_wait3A_192 = tpu.memref_slice %arg5[%dma_wait3A_191] : memref<168676xf32, #tpu.memory_space<hbm>> -> memref<128xf32, #tpu.memory_space<hbm>>
      tpu.wait_dma2 semaphore(%arg19 : memref<!tpu.dma_semaphore, #tpu.memory_space<semaphore_mem>>) src(%dma_wait3A_192 : memref<128xf32, #tpu.memory_space<hbm>>) dst(%arg14 : memref<128xf32, #tpu.memory_space<vmem>>)
      %add3A_193 = arith.constant 1 : i32
      %add3A_194 = arith.addi %mul3A_132, %add3A_193 : i32
      %mul3A_195 = arith.constant 128 : i32
      %mul3A_196 = arith.muli %add3A_194, %mul3A_195 : i32
      %add3A_197 = arith.addi %shift_left3A_24, %mul3A_196 : i32
      %multiple_of3A_198 = tpu.assume_multiple %add3A_197, 8 : i32
      %parallel_loop3A_199 = arith.constant 0 : i32
      %parallel_loop3A_200 = arith.constant 128 : i32
      %parallel_loop3A_201 = arith.constant 1 : i32
      scf.for %parallel_loop3A_227 = %parallel_loop3A_199 to %parallel_loop3A_200 step %parallel_loop3A_201  : i32 {
        %parallel_loop3A_228 = arith.addi %multiple_of3A_198, %parallel_loop3A_227 : i32
        %parallel_loop3A_229 = arith.cmpi sge, %parallel_loop3A_228, %reduce_min3A_10 : i32
        %parallel_loop3A_230 = arith.cmpi slt, %parallel_loop3A_228, %reduce_min3A_22 : i32
        %parallel_loop3A_231 = arith.andi %parallel_loop3A_229, %parallel_loop3A_230 : i1
        %parallel_loop3A_232 = arith.constant 1.000000e+00 : f32
        %parallel_loop3A_233 = arith.constant 0.000000e+00 : f32
        %parallel_loop3A_234 = arith.select %parallel_loop3A_231, %parallel_loop3A_232, %parallel_loop3A_233 : f32
        %parallel_loop3A_235 = arith.constant 4 : i32
        %parallel_loop3A_236 = arith.shrsi %parallel_loop3A_227, %parallel_loop3A_235 : i32
        %parallel_loop3A_237 = arith.constant 4 : i32
        %parallel_loop3A_238 = arith.shli %parallel_loop3A_236, %parallel_loop3A_237 : i32
        %parallel_loop3A_239 = arith.constant 15 : i32
        %parallel_loop3A_240 = arith.andi %parallel_loop3A_227, %parallel_loop3A_239 : i32
        %parallel_loop3A_241 = vector.broadcast %parallel_loop3A_240 : i32 to vector<16xi32>
        %parallel_loop3A_242 = arith.index_cast %parallel_loop3A_238 : i32 to index
        %parallel_loop3A_243 = tpu.vector_load %arg14[%parallel_loop3A_242] {strides = array<i32>} : memref<128xf32, #tpu.memory_space<vmem>>, vector<16xf32>,
        %parallel_loop3A_244 = arith.index_cast %parallel_loop3A_238 : i32 to index
        %parallel_loop3A_245 = tpu.vector_load %arg12[%parallel_loop3A_244] {strides = array<i32>} : memref<128xi32, #tpu.memory_space<vmem>>, vector<16xi32>,
        %parallel_loop3A_246 = arith.constant 0 : i32
        %parallel_loop3A_247 = vector.broadcast %parallel_loop3A_246 : i32 to vector<16xi32>
        %parallel_loop3A_248 = arith.cmpi slt, %parallel_loop3A_241, %parallel_loop3A_247 : vector<16xi32>
        %parallel_loop3A_249 = arith.constant 16 : i32
        %parallel_loop3A_250 = vector.broadcast %parallel_loop3A_249 : i32 to vector<16xi32>
        %parallel_loop3A_251 = arith.addi %parallel_loop3A_241, %parallel_loop3A_250 : vector<16xi32>
        %parallel_loop3A_252 = arith.select %parallel_loop3A_248, %parallel_loop3A_251, %parallel_loop3A_241 : vector<16xi1>, vector<16xi32>
        %parallel_loop3A_253 = vector.shape_cast %parallel_loop3A_252 : vector<16xi32> to vector<16x1xi32>
        %parallel_loop3A_254 = vector.shape_cast %parallel_loop3A_253 : vector<16x1xi32> to vector<16xi32>
        %parallel_loop3A_255 = tpu.dynamic_gather %parallel_loop3A_243[%parallel_loop3A_254] in [0] : vector<16xf32>, vector<16xi32> -> vector<16xf32>
        %parallel_loop3A_256 = vector.broadcast %parallel_loop3A_234 : f32 to vector<16xf32>
        %parallel_loop3A_257 = arith.mulf %parallel_loop3A_255, %parallel_loop3A_256 : vector<16xf32>
        %parallel_loop3A_258 = arith.constant 0 : i32
        %parallel_loop3A_259 = vector.broadcast %parallel_loop3A_258 : i32 to vector<16xi32>
        %parallel_loop3A_260 = arith.cmpi slt, %parallel_loop3A_241, %parallel_loop3A_259 : vector<16xi32>
        %parallel_loop3A_261 = arith.constant 16 : i32
        %parallel_loop3A_262 = vector.broadcast %parallel_loop3A_261 : i32 to vector<16xi32>
        %parallel_loop3A_263 = arith.addi %parallel_loop3A_241, %parallel_loop3A_262 : vector<16xi32>
        %parallel_loop3A_264 = arith.select %parallel_loop3A_260, %parallel_loop3A_263, %parallel_loop3A_241 : vector<16xi1>, vector<16xi32>
        %parallel_loop3A_265 = vector.shape_cast %parallel_loop3A_264 : vector<16xi32> to vector<16x1xi32>
        %parallel_loop3A_266 = vector.shape_cast %parallel_loop3A_265 : vector<16x1xi32> to vector<16xi32>
        %parallel_loop3A_267 = tpu.dynamic_gather %parallel_loop3A_245[%parallel_loop3A_266] in [0] : vector<16xi32>, vector<16xi32> -> vector<16xi32>
        %parallel_loop3A_268 = vector.broadcast %mul3A_33 : i32 to vector<16xi32>
        %parallel_loop3A_269 = arith.subi %parallel_loop3A_267, %parallel_loop3A_268 : vector<16xi32>
        %parallel_loop3A_270 = arith.constant 0 : i32
        %parallel_loop3A_271 = vector.broadcast %parallel_loop3A_270 : i32 to vector<16xi32>
        %parallel_loop3A_272 = arith.maxsi %parallel_loop3A_269, %parallel_loop3A_271 : vector<16xi32>
        %parallel_loop3A_273 = arith.constant 32512 : i32
        %parallel_loop3A_274 = vector.broadcast %parallel_loop3A_273 : i32 to vector<16xi32>
        %parallel_loop3A_275 = arith.minsi %parallel_loop3A_272, %parallel_loop3A_274 : vector<16xi32>
        %parallel_loop3A_276 = arith.addi %parallel_loop3A_275, %iota3A : vector<16xi32>
        %parallel_loop3A_277 = arith.index_cast %parallel_loop3A_227 : i32 to index
        %parallel_loop3A_278 = arith.constant 0 : index
        %parallel_loop3A_279 = tpu.vector_load %arg16[%parallel_loop3A_277, %parallel_loop3A_278] {strides = array<i32>} : memref<128x256xf32, #tpu.memory_space<vmem>>, vector<16xf32>,
        %parallel_loop3A_280 = arith.index_cast %parallel_loop3A_227 : i32 to index
        %parallel_loop3A_281 = arith.constant 16 : index
        %parallel_loop3A_282 = tpu.vector_load %arg16[%parallel_loop3A_280, %parallel_loop3A_281] {strides = array<i32>} : memref<128x256xf32, #tpu.memory_space<vmem>>, vector<16xf32>,
        %parallel_loop3A_283 = arith.index_cast %parallel_loop3A_227 : i32 to index
        %parallel_loop3A_284 = arith.constant 32 : index
        %parallel_loop3A_285 = tpu.vector_load %arg16[%parallel_loop3A_283, %parallel_loop3A_284] {strides = array<i32>} : memref<128x256xf32, #tpu.memory_space<vmem>>, vector<16xf32>,
        %parallel_loop3A_286 = arith.index_cast %parallel_loop3A_227 : i32 to index
        %parallel_loop3A_287 = arith.constant 48 : index
        %parallel_loop3A_288 = tpu.vector_load %arg16[%parallel_loop3A_286, %parallel_loop3A_287] {strides = array<i32>} : memref<128x256xf32, #tpu.memory_space<vmem>>, vector<16xf32>,
        %parallel_loop3A_289 = arith.index_cast %parallel_loop3A_227 : i32 to index
        %parallel_loop3A_290 = arith.constant 64 : index
        %parallel_loop3A_291 = tpu.vector_load %arg16[%parallel_loop3A_289, %parallel_loop3A_290] {strides = array<i32>} : memref<128x256xf32, #tpu.memory_space<vmem>>, vector<16xf32>,
        %parallel_loop3A_292 = arith.index_cast %parallel_loop3A_227 : i32 to index
        %parallel_loop3A_293 = arith.constant 80 : index
        %parallel_loop3A_294 = tpu.vector_load %arg16[%parallel_loop3A_292, %parallel_loop3A_293] {strides = array<i32>} : memref<128x256xf32, #tpu.memory_space<vmem>>, vector<16xf32>,
        %parallel_loop3A_295 = arith.index_cast %parallel_loop3A_227 : i32 to index
        %parallel_loop3A_296 = arith.constant 96 : index
        %parallel_loop3A_297 = tpu.vector_load %arg16[%parallel_loop3A_295, %parallel_loop3A_296] {strides = array<i32>} : memref<128x256xf32, #tpu.memory_space<vmem>>, vector<16xf32>,
        %parallel_loop3A_298 = arith.index_cast %parallel_loop3A_227 : i32 to index
        %parallel_loop3A_299 = arith.constant 112 : index
        %parallel_loop3A_300 = tpu.vector_load %arg16[%parallel_loop3A_298, %parallel_loop3A_299] {strides = array<i32>} : memref<128x256xf32, #tpu.memory_space<vmem>>, vector<16xf32>,
        %parallel_loop3A_301 = arith.index_cast %parallel_loop3A_227 : i32 to index
        %parallel_loop3A_302 = arith.constant 128 : index
        %parallel_loop3A_303 = tpu.vector_load %arg16[%parallel_loop3A_301, %parallel_loop3A_302] {strides = array<i32>} : memref<128x256xf32, #tpu.memory_space<vmem>>, vector<16xf32>,
        %parallel_loop3A_304 = arith.index_cast %parallel_loop3A_227 : i32 to index
        %parallel_loop3A_305 = arith.constant 144 : index
        %parallel_loop3A_306 = tpu.vector_load %arg16[%parallel_loop3A_304, %parallel_loop3A_305] {strides = array<i32>} : memref<128x256xf32, #tpu.memory_space<vmem>>, vector<16xf32>,
        %parallel_loop3A_307 = arith.index_cast %parallel_loop3A_227 : i32 to index
        %parallel_loop3A_308 = arith.constant 160 : index
        %parallel_loop3A_309 = tpu.vector_load %arg16[%parallel_loop3A_307, %parallel_loop3A_308] {strides = array<i32>} : memref<128x256xf32, #tpu.memory_space<vmem>>, vector<16xf32>,
        %parallel_loop3A_310 = arith.index_cast %parallel_loop3A_227 : i32 to index
        %parallel_loop3A_311 = arith.constant 176 : index
        %parallel_loop3A_312 = tpu.vector_load %arg16[%parallel_loop3A_310, %parallel_loop3A_311] {strides = array<i32>} : memref<128x256xf32, #tpu.memory_space<vmem>>, vector<16xf32>,
        %parallel_loop3A_313 = arith.index_cast %parallel_loop3A_227 : i32 to index
        %parallel_loop3A_314 = arith.constant 192 : index
        %parallel_loop3A_315 = tpu.vector_load %arg16[%parallel_loop3A_313, %parallel_loop3A_314] {strides = array<i32>} : memref<128x256xf32, #tpu.memory_space<vmem>>, vector<16xf32>,
        %parallel_loop3A_316 = arith.index_cast %parallel_loop3A_227 : i32 to index
        %parallel_loop3A_317 = arith.constant 208 : index
        %parallel_loop3A_318 = tpu.vector_load %arg16[%parallel_loop3A_316, %parallel_loop3A_317] {strides = array<i32>} : memref<128x256xf32, #tpu.memory_space<vmem>>, vector<16xf32>,
        %parallel_loop3A_319 = arith.index_cast %parallel_loop3A_227 : i32 to index
        %parallel_loop3A_320 = arith.constant 224 : index
        %parallel_loop3A_321 = tpu.vector_load %arg16[%parallel_loop3A_319, %parallel_loop3A_320] {strides = array<i32>} : memref<128x256xf32, #tpu.memory_space<vmem>>, vector<16xf32>,
        %parallel_loop3A_322 = arith.index_cast %parallel_loop3A_227 : i32 to index
        %parallel_loop3A_323 = arith.constant 240 : index
        %parallel_loop3A_324 = tpu.vector_load %arg16[%parallel_loop3A_322, %parallel_loop3A_323] {strides = array<i32>} : memref<128x256xf32, #tpu.memory_space<vmem>>, vector<16xf32>,
        %parallel_loop3A_325 = arith.mulf %parallel_loop3A_279, %parallel_loop3A_257 : vector<16xf32>
        %parallel_loop3A_326 = arith.constant 0 : i32
        %parallel_loop3A_327 = tpu.memref_slice %arg17[%parallel_loop3A_326] : memref<32768xf32, #tpu.memory_space<vmem>> -> memref<32528xf32, #tpu.memory_space<vmem>>
        tpu.vector_store_idx %parallel_loop3A_327[%parallel_loop3A_276], %parallel_loop3A_325 {add = true} : memref<32528xf32, #tpu.memory_space<vmem>>[vector<16xi32>], vector<16xf32>,
        %parallel_loop3A_328 = arith.mulf %parallel_loop3A_282, %parallel_loop3A_257 : vector<16xf32>
        %parallel_loop3A_329 = arith.constant 16 : i32
        %parallel_loop3A_330 = tpu.memref_slice %arg17[%parallel_loop3A_329] : memref<32768xf32, #tpu.memory_space<vmem>> -> memref<32528xf32, #tpu.memory_space<vmem>>
        tpu.vector_store_idx %parallel_loop3A_330[%parallel_loop3A_276], %parallel_loop3A_328 {add = true} : memref<32528xf32, #tpu.memory_space<vmem>>[vector<16xi32>], vector<16xf32>,
        %parallel_loop3A_331 = arith.mulf %parallel_loop3A_285, %parallel_loop3A_257 : vector<16xf32>
        %parallel_loop3A_332 = arith.constant 32 : i32
        %parallel_loop3A_333 = tpu.memref_slice %arg17[%parallel_loop3A_332] : memref<32768xf32, #tpu.memory_space<vmem>> -> memref<32528xf32, #tpu.memory_space<vmem>>
        tpu.vector_store_idx %parallel_loop3A_333[%parallel_loop3A_276], %parallel_loop3A_331 {add = true} : memref<32528xf32, #tpu.memory_space<vmem>>[vector<16xi32>], vector<16xf32>,
        %parallel_loop3A_334 = arith.mulf %parallel_loop3A_288, %parallel_loop3A_257 : vector<16xf32>
        %parallel_loop3A_335 = arith.constant 48 : i32
        %parallel_loop3A_336 = tpu.memref_slice %arg17[%parallel_loop3A_335] : memref<32768xf32, #tpu.memory_space<vmem>> -> memref<32528xf32, #tpu.memory_space<vmem>>
        tpu.vector_store_idx %parallel_loop3A_336[%parallel_loop3A_276], %parallel_loop3A_334 {add = true} : memref<32528xf32, #tpu.memory_space<vmem>>[vector<16xi32>], vector<16xf32>,
        %parallel_loop3A_337 = arith.mulf %parallel_loop3A_291, %parallel_loop3A_257 : vector<16xf32>
        %parallel_loop3A_338 = arith.constant 64 : i32
        %parallel_loop3A_339 = tpu.memref_slice %arg17[%parallel_loop3A_338] : memref<32768xf32, #tpu.memory_space<vmem>> -> memref<32528xf32, #tpu.memory_space<vmem>>
        tpu.vector_store_idx %parallel_loop3A_339[%parallel_loop3A_276], %parallel_loop3A_337 {add = true} : memref<32528xf32, #tpu.memory_space<vmem>>[vector<16xi32>], vector<16xf32>,
        %parallel_loop3A_340 = arith.mulf %parallel_loop3A_294, %parallel_loop3A_257 : vector<16xf32>
        %parallel_loop3A_341 = arith.constant 80 : i32
        %parallel_loop3A_342 = tpu.memref_slice %arg17[%parallel_loop3A_341] : memref<32768xf32, #tpu.memory_space<vmem>> -> memref<32528xf32, #tpu.memory_space<vmem>>
        tpu.vector_store_idx %parallel_loop3A_342[%parallel_loop3A_276], %parallel_loop3A_340 {add = true} : memref<32528xf32, #tpu.memory_space<vmem>>[vector<16xi32>], vector<16xf32>,
        %parallel_loop3A_343 = arith.mulf %parallel_loop3A_297, %parallel_loop3A_257 : vector<16xf32>
        %parallel_loop3A_344 = arith.constant 96 : i32
        %parallel_loop3A_345 = tpu.memref_slice %arg17[%parallel_loop3A_344] : memref<32768xf32, #tpu.memory_space<vmem>> -> memref<32528xf32, #tpu.memory_space<vmem>>
        tpu.vector_store_idx %parallel_loop3A_345[%parallel_loop3A_276], %parallel_loop3A_343 {add = true} : memref<32528xf32, #tpu.memory_space<vmem>>[vector<16xi32>], vector<16xf32>,
        %parallel_loop3A_346 = arith.mulf %parallel_loop3A_300, %parallel_loop3A_257 : vector<16xf32>
        %parallel_loop3A_347 = arith.constant 112 : i32
        %parallel_loop3A_348 = tpu.memref_slice %arg17[%parallel_loop3A_347] : memref<32768xf32, #tpu.memory_space<vmem>> -> memref<32528xf32, #tpu.memory_space<vmem>>
        tpu.vector_store_idx %parallel_loop3A_348[%parallel_loop3A_276], %parallel_loop3A_346 {add = true} : memref<32528xf32, #tpu.memory_space<vmem>>[vector<16xi32>], vector<16xf32>,
        %parallel_loop3A_349 = arith.mulf %parallel_loop3A_303, %parallel_loop3A_257 : vector<16xf32>
        %parallel_loop3A_350 = arith.constant 128 : i32
        %parallel_loop3A_351 = tpu.memref_slice %arg17[%parallel_loop3A_350] : memref<32768xf32, #tpu.memory_space<vmem>> -> memref<32528xf32, #tpu.memory_space<vmem>>
        tpu.vector_store_idx %parallel_loop3A_351[%parallel_loop3A_276], %parallel_loop3A_349 {add = true} : memref<32528xf32, #tpu.memory_space<vmem>>[vector<16xi32>], vector<16xf32>,
        %parallel_loop3A_352 = arith.mulf %parallel_loop3A_306, %parallel_loop3A_257 : vector<16xf32>
        %parallel_loop3A_353 = arith.constant 144 : i32
        %parallel_loop3A_354 = tpu.memref_slice %arg17[%parallel_loop3A_353] : memref<32768xf32, #tpu.memory_space<vmem>> -> memref<32528xf32, #tpu.memory_space<vmem>>
        tpu.vector_store_idx %parallel_loop3A_354[%parallel_loop3A_276], %parallel_loop3A_352 {add = true} : memref<32528xf32, #tpu.memory_space<vmem>>[vector<16xi32>], vector<16xf32>,
        %parallel_loop3A_355 = arith.mulf %parallel_loop3A_309, %parallel_loop3A_257 : vector<16xf32>
        %parallel_loop3A_356 = arith.constant 160 : i32
        %parallel_loop3A_357 = tpu.memref_slice %arg17[%parallel_loop3A_356] : memref<32768xf32, #tpu.memory_space<vmem>> -> memref<32528xf32, #tpu.memory_space<vmem>>
        tpu.vector_store_idx %parallel_loop3A_357[%parallel_loop3A_276], %parallel_loop3A_355 {add = true} : memref<32528xf32, #tpu.memory_space<vmem>>[vector<16xi32>], vector<16xf32>,
        %parallel_loop3A_358 = arith.mulf %parallel_loop3A_312, %parallel_loop3A_257 : vector<16xf32>
        %parallel_loop3A_359 = arith.constant 176 : i32
        %parallel_loop3A_360 = tpu.memref_slice %arg17[%parallel_loop3A_359] : memref<32768xf32, #tpu.memory_space<vmem>> -> memref<32528xf32, #tpu.memory_space<vmem>>
        tpu.vector_store_idx %parallel_loop3A_360[%parallel_loop3A_276], %parallel_loop3A_358 {add = true} : memref<32528xf32, #tpu.memory_space<vmem>>[vector<16xi32>], vector<16xf32>,
        %parallel_loop3A_361 = arith.mulf %parallel_loop3A_315, %parallel_loop3A_257 : vector<16xf32>
        %parallel_loop3A_362 = arith.constant 192 : i32
        %parallel_loop3A_363 = tpu.memref_slice %arg17[%parallel_loop3A_362] : memref<32768xf32, #tpu.memory_space<vmem>> -> memref<32528xf32, #tpu.memory_space<vmem>>
        tpu.vector_store_idx %parallel_loop3A_363[%parallel_loop3A_276], %parallel_loop3A_361 {add = true} : memref<32528xf32, #tpu.memory_space<vmem>>[vector<16xi32>], vector<16xf32>,
        %parallel_loop3A_364 = arith.mulf %parallel_loop3A_318, %parallel_loop3A_257 : vector<16xf32>
        %parallel_loop3A_365 = arith.constant 208 : i32
        %parallel_loop3A_366 = tpu.memref_slice %arg17[%parallel_loop3A_365] : memref<32768xf32, #tpu.memory_space<vmem>> -> memref<32528xf32, #tpu.memory_space<vmem>>
        tpu.vector_store_idx %parallel_loop3A_366[%parallel_loop3A_276], %parallel_loop3A_364 {add = true} : memref<32528xf32, #tpu.memory_space<vmem>>[vector<16xi32>], vector<16xf32>,
        %parallel_loop3A_367 = arith.mulf %parallel_loop3A_321, %parallel_loop3A_257 : vector<16xf32>
        %parallel_loop3A_368 = arith.constant 224 : i32
        %parallel_loop3A_369 = tpu.memref_slice %arg17[%parallel_loop3A_368] : memref<32768xf32, #tpu.memory_space<vmem>> -> memref<32528xf32, #tpu.memory_space<vmem>>
        tpu.vector_store_idx %parallel_loop3A_369[%parallel_loop3A_276], %parallel_loop3A_367 {add = true} : memref<32528xf32, #tpu.memory_space<vmem>>[vector<16xi32>], vector<16xf32>,
        %parallel_loop3A_370 = arith.mulf %parallel_loop3A_324, %parallel_loop3A_257 : vector<16xf32>
        %parallel_loop3A_371 = arith.constant 240 : i32
        %parallel_loop3A_372 = tpu.memref_slice %arg17[%parallel_loop3A_371] : memref<32768xf32, #tpu.memory_space<vmem>> -> memref<32528xf32, #tpu.memory_space<vmem>>
        tpu.vector_store_idx %parallel_loop3A_372[%parallel_loop3A_276], %parallel_loop3A_370 {add = true} : memref<32528xf32, #tpu.memory_space<vmem>>[vector<16xi32>], vector<16xf32>,
      } {sc.loop_unroll_factor = 8 : i64, sc.parallel_access}
      %add3A_202 = arith.constant 3 : i32
      %add3A_203 = arith.addi %mul3A_132, %add3A_202 : i32
      %mul3A_204 = arith.constant 128 : i32
      %mul3A_205 = arith.muli %add3A_203, %mul3A_204 : i32
      %add3A_206 = arith.addi %shift_left3A_24, %mul3A_205 : i32
      %multiple_of3A_207 = tpu.assume_multiple %add3A_206, 8 : i32
      %dma_start3A_208 = tpu.memref_slice %arg4[%multiple_of3A_207] : memref<168676xi32, #tpu.memory_space<hbm>> -> memref<128xi32, #tpu.memory_space<hbm>>
      %dma_start3A_209 = tpu.memref_slice %arg4[%multiple_of3A_207] : memref<168676xi32, #tpu.memory_space<hbm>> -> memref<128xi32, #tpu.memory_space<hbm>>
      tpu.enqueue_dma source(%dma_start3A_209 : memref<128xi32, #tpu.memory_space<hbm>>) target(%arg12 : memref<128xi32, #tpu.memory_space<vmem>>) target_semaphore(%arg19 : memref<!tpu.dma_semaphore, #tpu.memory_space<semaphore_mem>>)
      %dma_start3A_210 = tpu.memref_slice %arg5[%multiple_of3A_207] : memref<168676xf32, #tpu.memory_space<hbm>> -> memref<128xf32, #tpu.memory_space<hbm>>
      %dma_start3A_211 = tpu.memref_slice %arg5[%multiple_of3A_207] : memref<168676xf32, #tpu.memory_space<hbm>> -> memref<128xf32, #tpu.memory_space<hbm>>
      tpu.enqueue_dma source(%dma_start3A_211 : memref<128xf32, #tpu.memory_space<hbm>>) target(%arg14 : memref<128xf32, #tpu.memory_space<vmem>>) target_semaphore(%arg19 : memref<!tpu.dma_semaphore, #tpu.memory_space<semaphore_mem>>)
      %dma_wait3A_212 = arith.constant 0 : i32
      %dma_wait3A_213 = tpu.memref_slice %arg3[%dma_wait3A_212] : memref<168676xi32, #tpu.memory_space<hbm>> -> memref<128xi32, #tpu.memory_space<hbm>>
      %dma_wait3A_214 = arith.constant 0 : i32
      %dma_wait3A_215 = tpu.memref_slice %arg3[%dma_wait3A_214] : memref<168676xi32, #tpu.memory_space<hbm>> -> memref<128xi32, #tpu.memory_space<hbm>>
      tpu.wait_dma2 semaphore(%arg21 : memref<!tpu.dma_semaphore, #tpu.memory_space<semaphore_mem>>) src(%dma_wait3A_215 : memref<128xi32, #tpu.memory_space<hbm>>) dst(%arg10 : memref<128xi32, #tpu.memory_space<vmem>>)
      %dma_start3A_216 = arith.constant 0 : i32
      %dma_start3A_217 = arith.constant 0 : i32
      %dma_start3A_218 = tpu.memref_slice %arg2[%dma_start3A_216, %dma_start3A_217] : memref<4096x256xf32, #tpu.memory_space<hbm>> -> memref<4096x256xf32, #tpu.memory_space<hbm>>
      tpu.enqueue_indirect_dma source(%dma_start3A_218 : memref<4096x256xf32, #tpu.memory_space<hbm>>) target(%arg16 : memref<128x256xf32, #tpu.memory_space<vmem>>) offsets(%arg10 : memref<128xi32, #tpu.memory_space<vmem>>) semaphore(%arg23 : memref<!tpu.dma_semaphore, #tpu.memory_space<semaphore_mem>>)
      %add3A_219 = arith.constant 5 : i32
      %add3A_220 = arith.addi %mul3A_132, %add3A_219 : i32
      %mul3A_221 = arith.constant 128 : i32
      %mul3A_222 = arith.muli %add3A_220, %mul3A_221 : i32
      %add3A_223 = arith.addi %shift_left3A_24, %mul3A_222 : i32
      %multiple_of3A_224 = tpu.assume_multiple %add3A_223, 8 : i32
      %dma_start3A_225 = tpu.memref_slice %arg3[%multiple_of3A_224] : memref<168676xi32, #tpu.memory_space<hbm>> -> memref<128xi32, #tpu.memory_space<hbm>>
      %dma_start3A_226 = tpu.memref_slice %arg3[%multiple_of3A_224] : memref<168676xi32, #tpu.memory_space<hbm>> -> memref<128xi32, #tpu.memory_space<hbm>>
      tpu.enqueue_dma source(%dma_start3A_226 : memref<128xi32, #tpu.memory_space<hbm>>) target(%arg10 : memref<128xi32, #tpu.memory_space<vmem>>) target_semaphore(%arg21 : memref<!tpu.dma_semaphore, #tpu.memory_space<semaphore_mem>>)
    }
    %dma_wait3A_92 = arith.constant 0 : i32
    %dma_wait3A_93 = arith.constant 0 : i32
    %dma_wait3A_94 = tpu.memref_slice %arg2[%dma_wait3A_92, %dma_wait3A_93] : memref<4096x256xf32, #tpu.memory_space<hbm>> -> memref<128x256xf32, #tpu.memory_space<hbm>>
    %dma_wait3A_95 = arith.constant 0 : i32
    %dma_wait3A_96 = arith.constant 0 : i32
    %dma_wait3A_97 = tpu.memref_slice %arg2[%dma_wait3A_95, %dma_wait3A_96] : memref<4096x256xf32, #tpu.memory_space<hbm>> -> memref<128x256xf32, #tpu.memory_space<hbm>>
    tpu.wait_dma2 semaphore(%arg22 : memref<!tpu.dma_semaphore, #tpu.memory_space<semaphore_mem>>) src(%dma_wait3A_97 : memref<128x256xf32, #tpu.memory_space<hbm>>) dst(%arg15 : memref<128x256xf32, #tpu.memory_space<vmem>>)
    %dma_wait3A_98 = arith.constant 0 : i32
    %dma_wait3A_99 = arith.constant 0 : i32
    %dma_wait3A_100 = tpu.memref_slice %arg2[%dma_wait3A_98, %dma_wait3A_99] : memref<4096x256xf32, #tpu.memory_space<hbm>> -> memref<128x256xf32, #tpu.memory_space<hbm>>
    %dma_wait3A_101 = arith.constant 0 : i32
    %dma_wait3A_102 = arith.constant 0 : i32
    %dma_wait3A_103 = tpu.memref_slice %arg2[%dma_wait3A_101, %dma_wait3A_102] : memref<4096x256xf32, #tpu.memory_space<hbm>> -> memref<128x256xf32, #tpu.memory_space<hbm>>
    tpu.wait_dma2 semaphore(%arg23 : memref<!tpu.dma_semaphore, #tpu.memory_space<semaphore_mem>>) src(%dma_wait3A_103 : memref<128x256xf32, #tpu.memory_space<hbm>>) dst(%arg16 : memref<128x256xf32, #tpu.memory_space<vmem>>)
    %dma_wait3A_104 = arith.constant 0 : i32
    %dma_wait3A_105 = tpu.memref_slice %arg4[%dma_wait3A_104] : memref<168676xi32, #tpu.memory_space<hbm>> -> memref<128xi32, #tpu.memory_space<hbm>>
    %dma_wait3A_106 = arith.constant 0 : i32
    %dma_wait3A_107 = tpu.memref_slice %arg4[%dma_wait3A_106] : memref<168676xi32, #tpu.memory_space<hbm>> -> memref<128xi32, #tpu.memory_space<hbm>>
    tpu.wait_dma2 semaphore(%arg18 : memref<!tpu.dma_semaphore, #tpu.memory_space<semaphore_mem>>) src(%dma_wait3A_107 : memref<128xi32, #tpu.memory_space<hbm>>) dst(%arg11 : memref<128xi32, #tpu.memory_space<vmem>>)
    %dma_wait3A_108 = arith.constant 0 : i32
    %dma_wait3A_109 = tpu.memref_slice %arg5[%dma_wait3A_108] : memref<168676xf32, #tpu.memory_space<hbm>> -> memref<128xf32, #tpu.memory_space<hbm>>
    %dma_wait3A_110 = arith.constant 0 : i32
    %dma_wait3A_111 = tpu.memref_slice %arg5[%dma_wait3A_110] : memref<168676xf32, #tpu.memory_space<hbm>> -> memref<128xf32, #tpu.memory_space<hbm>>
    tpu.wait_dma2 semaphore(%arg18 : memref<!tpu.dma_semaphore, #tpu.memory_space<semaphore_mem>>) src(%dma_wait3A_111 : memref<128xf32, #tpu.memory_space<hbm>>) dst(%arg13 : memref<128xf32, #tpu.memory_space<vmem>>)
    %dma_wait3A_112 = arith.constant 0 : i32
    %dma_wait3A_113 = tpu.memref_slice %arg4[%dma_wait3A_112] : memref<168676xi32, #tpu.memory_space<hbm>> -> memref<128xi32, #tpu.memory_space<hbm>>
    %dma_wait3A_114 = arith.constant 0 : i32
    %dma_wait3A_115 = tpu.memref_slice %arg4[%dma_wait3A_114] : memref<168676xi32, #tpu.memory_space<hbm>> -> memref<128xi32, #tpu.memory_space<hbm>>
    tpu.wait_dma2 semaphore(%arg19 : memref<!tpu.dma_semaphore, #tpu.memory_space<semaphore_mem>>) src(%dma_wait3A_115 : memref<128xi32, #tpu.memory_space<hbm>>) dst(%arg12 : memref<128xi32, #tpu.memory_space<vmem>>)
    %dma_wait3A_116 = arith.constant 0 : i32
    %dma_wait3A_117 = tpu.memref_slice %arg5[%dma_wait3A_116] : memref<168676xf32, #tpu.memory_space<hbm>> -> memref<128xf32, #tpu.memory_space<hbm>>
    %dma_wait3A_118 = arith.constant 0 : i32
    %dma_wait3A_119 = tpu.memref_slice %arg5[%dma_wait3A_118] : memref<168676xf32, #tpu.memory_space<hbm>> -> memref<128xf32, #tpu.memory_space<hbm>>
    tpu.wait_dma2 semaphore(%arg19 : memref<!tpu.dma_semaphore, #tpu.memory_space<semaphore_mem>>) src(%dma_wait3A_119 : memref<128xf32, #tpu.memory_space<hbm>>) dst(%arg14 : memref<128xf32, #tpu.memory_space<vmem>>)
    %dma_wait3A_120 = arith.constant 0 : i32
    %dma_wait3A_121 = tpu.memref_slice %arg3[%dma_wait3A_120] : memref<168676xi32, #tpu.memory_space<hbm>> -> memref<128xi32, #tpu.memory_space<hbm>>
    %dma_wait3A_122 = arith.constant 0 : i32
    %dma_wait3A_123 = tpu.memref_slice %arg3[%dma_wait3A_122] : memref<168676xi32, #tpu.memory_space<hbm>> -> memref<128xi32, #tpu.memory_space<hbm>>
    tpu.wait_dma2 semaphore(%arg20 : memref<!tpu.dma_semaphore, #tpu.memory_space<semaphore_mem>>) src(%dma_wait3A_123 : memref<128xi32, #tpu.memory_space<hbm>>) dst(%arg9 : memref<128xi32, #tpu.memory_space<vmem>>)
    %dma_wait3A_124 = arith.constant 0 : i32
    %dma_wait3A_125 = tpu.memref_slice %arg3[%dma_wait3A_124] : memref<168676xi32, #tpu.memory_space<hbm>> -> memref<128xi32, #tpu.memory_space<hbm>>
    %dma_wait3A_126 = arith.constant 0 : i32
    %dma_wait3A_127 = tpu.memref_slice %arg3[%dma_wait3A_126] : memref<168676xi32, #tpu.memory_space<hbm>> -> memref<128xi32, #tpu.memory_space<hbm>>
    tpu.wait_dma2 semaphore(%arg21 : memref<!tpu.dma_semaphore, #tpu.memory_space<semaphore_mem>>) src(%dma_wait3A_127 : memref<128xi32, #tpu.memory_space<hbm>>) dst(%arg10 : memref<128xi32, #tpu.memory_space<vmem>>)
    %mul3A_128 = arith.constant 256 : i32
    %mul3A_129 = arith.muli %mul3A_2, %mul3A_128 : i32
    "tpu.region"() ({
      %run_scoped3A = tpu.sem_alloc : memref<!tpu.dma_semaphore, #tpu.memory_space<semaphore_mem>>
      %dma_start3A_130 = tpu.memref_slice %arg7[%mul3A_129] : memref<1048576xf32, #tpu.memory_space<hbm>> -> memref<32768xf32, #tpu.memory_space<hbm>>
      %dma_start3A_131 = tpu.memref_slice %arg7[%mul3A_129] : memref<1048576xf32, #tpu.memory_space<hbm>> -> memref<32768xf32, #tpu.memory_space<hbm>>
      tpu.enqueue_dma source(%arg17 : memref<32768xf32, #tpu.memory_space<vmem>>) target(%dma_start3A_131 : memref<32768xf32, #tpu.memory_space<hbm>>) target_semaphore(%run_scoped3A : memref<!tpu.dma_semaphore, #tpu.memory_space<semaphore_mem>>)
      %dma_wait3A_132 = tpu.memref_slice %arg7[%mul3A_129] : memref<1048576xf32, #tpu.memory_space<hbm>> -> memref<32768xf32, #tpu.memory_space<hbm>>
      %dma_wait3A_133 = tpu.memref_slice %arg7[%mul3A_129] : memref<1048576xf32, #tpu.memory_space<hbm>> -> memref<32768xf32, #tpu.memory_space<hbm>>
      tpu.wait_dma2 semaphore(%run_scoped3A : memref<!tpu.dma_semaphore, #tpu.memory_space<semaphore_mem>>) src(%arg17 : memref<32768xf32, #tpu.memory_space<vmem>>) dst(%dma_wait3A_133 : memref<32768xf32, #tpu.memory_space<hbm>>)
      tpu.yield
    }) : () -> ()
    return
  }
}

</mosaic_0001>

<sc_bundles>
// kernel: kernel.3.cloned.1.call-start
scs
__scs_entry_jumppad:
0x0: {  	(pc) =	sbr.rel $0x88, $3  }
0x1: {  	(tag) =	ssettag $0x0;
	lr =	simm.s32 $0x1  }
0x2: {  	[smem:$0x3F9C] =	sst lr;
	_ =	strace $0xD0000000  }
0x3: {  	_ = 	snop  }
0x4: {  	_ = 	snop  }
0x5: {  	_ = 	snop  }
0x6: {  	_ = 	snop  }
0x7: {  	_ = 	snop  }
__scs_overlays_trampoline_lowered:
0x8: {  	[smem:$0x3FAB] =	sst s0  }
0x9: {  	[smem:$0x3FAC] =	sst s1  }
0xa: {  	[smem:$0x3FAD] =	sst s2  }
0xb: {  	[smem:$0x3FAE] =	sst s3  }
0xc: {  	[smem:$0x3FAF] =	sst s4  }
0xd: {  	[smem:$0x3FB0] =	sst s5  }
0xe: {  	[smem:$0x3FB1] =	sst s6  }
0xf: {  	[smem:$0x3FB2] =	sst s7  }
0x10: {  	[smem:$0x3FB3] =	sst s8  }
0x11: {  	[smem:$0x3FB4] =	sst s9;
	s0 =	simm.s32 @!p0 $0x0  }
0x12: {  	s1 =	sld [smem:$0x3F9A];
	s0 =	simm.s32 @p0 $0x1  }
0x13: {  	[smem:$0x3FB5] =	sst s0;
	s0 =	simm.s32 @!p1 $0x0  }
0x14: {  	s2 =	sld [smem:$0x3F99];
	s0 =	simm.s32 @p1 $0x1  }
0x15: {  	[smem:$0x3FB6] =	sst s0;
	s0 =	simm.s32 @!p2 $0x0  }
0x16: {  	s3 =	sld [smem:$0x3FDB];
	s0 =	simm.s32 @p2 $0x1  }
0x17: {  	s4 =	simm.s32 $0x1BF5;
	[smem:$0x3FB8] =	sst s0  }
0x18: {  	s0 =	sld [smem:$0x3F9B];
	_ =	swait.ge [sflag:s4], $0x0  }
0x19: {  	s7 =	sld [smem:$0x3F9C]  }
0x1a: {  	s8 =	sadd.s32 $0xFFFFE003, lr  }
0x1b: {  	s9 =	sadd.s32 $0xFFFFFEF7, lr;
	s5 =	simm.s32 $0xFFFFFFFF;
	p2 =	slt.u32 s8, $0xFFFFF086  }
0x1c: {  	p1 =	slt.u32 s9, $0xF7A;
	s5 =	simm.s32 @!p2 $0x0  }
0x1d: {  	s5 =	simm.s32 @p1 $0x1;
	p0 =	seq.s32 s7, s2  }
0x1e: {  	s7 =	smul.u32 @!p0 $0xF7A, s2;
	p2 =	seq.s32 @!p0 s5, $0x0  }
0x1f: {  	s9 =	smul.u32 $0xF7A, s1;
	s8 =	simm.s32 @!p0 $0x1BF5;
	p2 =	por !p2, p0  }
0x20: {  	[sflag:s8] =	ssyncset.s32 @!p0 $0xFFFFF086;
	s6 =	sadd.s32 @!p0 s3, s7;
	s7 =	simm.s32 @!p0 $0x108  }
0x21: {  	s3 =	sadd.s32 s3, s9;
	s6 =	sadd.s32 @!p0 $0x88, s6;
	s7 =	simm.s32 @p2 $0x1082  }
0x22: {  	[simem:s7], [sflag:s8] =	dma.local @!p0 [hbm:s6], $0xF7A  }
0x23: {  	s9 =	sor.u32 $0xD0000000, s2;
	s6 =	simm.s32 $0x108;
	_ =	swait.ge @!p0 [sflag:s8], $0x0  }
0x24: {  	s3 =	sadd.s32 $0x88, s3;
	s6 =	simm.s32 @!p1 $0x1082;
	[sflag:s4] =	ssyncset.s32 $0xFFFFF086  }
0x25: {  	[simem:s6], [sflag:s4] =	dma.local [hbm:s3], $0xF7A  }
0x26: {  	[smem:$0x3F9C] =	sst s1;
	(tag) =	ssettag s2;
	_ =	strace s9  }
0x27: {  	s1 =	sld [smem:$0x3FAC]  }
0x28: {  	s2 =	sld [smem:$0x3FAD]  }
0x29: {  	s4 =	sld [smem:$0x3FAF]  }
0x2a: {  	p0 =	seq.s32 s5, $0x0;
	s5 =	sld [smem:$0x3FB0]  }
0x2b: {  	s6 =	sld [smem:$0x3FB1]  }
0x2c: {  	s7 =	sld [smem:$0x3FB2]  }
0x2d: {  	s3 =	simm.s32 $0x108;
	s8 =	sld [smem:$0x3FB3]  }
0x2e: {  	s3 =	simm.s32 @!p0 $0x1082;
	s9 =	sld [smem:$0x3FB4]  }
0x2f: {  	lr =	sadd.s32 s0, s3;
	s0 =	sld [smem:$0x3FAB]  }
0x30: {  	s3 =	sld [smem:$0x3FAE]  }
0x31: {  	[smem:$0x3FB7] =	sst s10  }
0x32: {  	s10 =	sld [smem:$0x3FB5];
	_ =	sdelay $0x3  }
0x33: {  	p0 =	seq.s32 s10, $0x1;
	s10 =	sld [smem:$0x3FB7];
	_ =	sdelay $0x3  }
0x34: {  	[smem:$0x3FB7] =	sst s10  }
0x35: {  	s10 =	sld [smem:$0x3FB6];
	_ =	sdelay $0x3  }
0x36: {  	p1 =	seq.s32 s10, $0x1;
	s10 =	sld [smem:$0x3FB7];
	_ =	sdelay $0x3  }
0x37: {  	[smem:$0x3FB7] =	sst s10  }
0x38: {  	s10 =	sld [smem:$0x3FB8]  }
0x39: {  	_ = 	snop;
	(pc) =	sbr.ind lr, $3  }
0x3a: {  	_ = 	snop  }
0x3b: {  	_ = 	snop  }
0x3c: {  	p2 =	seq.s32 s10, $0x1;
	s10 =	sld [smem:$0x3FB7]  }
0x3d: {  	_ =	shalt  }
0x3e: {  	_ =	shalt  }
0x3f: {  	_ =	shalt  }
0x40: {  	_ =	shalt  }
0x41: {  	_ =	shalt  }
0x42: {  	_ =	shalt  }
0x43: {  	_ =	shalt  }
0x44: {  	_ =	shalt  }
0x45: {  	_ =	shalt  }
0x46: {  	_ =	shalt  }
0x47: {  	_ =	shalt  }
0x48: {  	_ =	shalt  }
0x49: {  	_ =	shalt  }
0x4a: {  	_ =	shalt  }
0x4b: {  	_ =	shalt  }
0x4c: {  	_ =	shalt  }
0x4d: {  	_ =	shalt  }
0x4e: {  	_ =	shalt  }
0x4f: {  	_ =	shalt  }
0x50: {  	_ =	shalt  }
0x51: {  	_ =	shalt  }
0x52: {  	_ =	shalt  }
0x53: {  	_ =	shalt  }
0x54: {  	_ =	shalt  }
0x55: {  	_ =	shalt  }
0x56: {  	_ =	shalt  }
0x57: {  	_ =	shalt  }
0x58: {  	_ =	shalt  }
0x59: {  	_ =	shalt  }
0x5a: {  	_ =	shalt  }
0x5b: {  	_ =	shalt  }
0x5c: {  	_ =	shalt  }
0x5d: {  	_ =	shalt  }
0x5e: {  	_ =	shalt  }
0x5f: {  	_ =	shalt  }
0x60: {  	_ =	shalt  }
0x61: {  	_ =	shalt  }
0x62: {  	_ =	shalt  }
0x63: {  	_ =	shalt  }
0x64: {  	_ =	shalt  }
0x65: {  	_ =	shalt  }
0x66: {  	_ =	shalt  }
0x67: {  	_ =	shalt  }
0x68: {  	_ =	shalt  }
0x69: {  	_ =	shalt  }
0x6a: {  	_ =	shalt  }
0x6b: {  	_ =	shalt  }
0x6c: {  	_ =	shalt  }
0x6d: {  	_ =	shalt  }
0x6e: {  	_ =	shalt  }
0x6f: {  	_ =	shalt  }
0x70: {  	_ =	shalt  }
0x71: {  	_ =	shalt  }
0x72: {  	_ =	shalt  }
0x73: {  	_ =	shalt  }
0x74: {  	_ =	shalt  }
0x75: {  	_ =	shalt  }
0x76: {  	_ =	shalt  }
0x77: {  	_ =	shalt  }
0x78: {  	_ =	shalt  }
0x79: {  	_ =	shalt  }
0x7a: {  	_ =	shalt  }
0x7b: {  	_ =	shalt  }
0x7c: {  	_ =	shalt  }
0x7d: {  	_ =	shalt  }
0x7e: {  	_ =	shalt  }
0x7f: {  	_ =	shalt  }
0x80: {  	_ =	shalt  }
0x81: {  	_ =	shalt  }
0x82: {  	_ =	shalt  }
0x83: {  	_ =	shalt  }
0x84: {  	_ =	shalt  }
0x85: {  	_ =	shalt  }
0x86: {  	_ =	shalt  }
0x87: {  	_ =	shalt  }
.Lfunc_end0:
.L_simem_size_0:
called_computation_lowered:
.L_overlay_start_0:
0x88: {  	s2 =	sld [smem:$0x3FD9]  }
0x89: {  	s3 =	sld [smem:$0x3FFE];
	_ =	sdelay $0x1  }
0x8a: {  	s1 =	srdreg.scid  }
0x8b: {  	s0 =	sand.u32 $0x1, s1  }
0x8c: {  	s17 =	sshll.u32 s0, $0xA;
	s2 =	sadd.s32 s3, s2  }
0x8d: {  	s2 =	sadd.s32 s2, s17  }
0x8e: {  	[smem:$0x3FC3] =	sst s2  }
0x8f: {  	_ = 	snop  }
0x90: {  	s2 =	sld [smem:$0x3FD0];
	(tm) =	ssettm $0x1  }
0x91: {  	s18 =	sld [smem:$0x3FFB];
	_ =	sdelay $0x3  }
0x92: {  	_ =	strace s18  }
0x93: {  	s3 =	sld [smem:$0x3FFC];
	_ =	sdelay $0x3  }
0x94: {  	_ =	strace s3  }
0x95: {  	s3 =	sld [smem:$0x3FFD];
	_ =	sdelay $0x3  }
0x96: {  	_ =	strace s3  }
0x97: {  	_ =	strace $0x8FFFFFFF  }
0x98: {  	s19 =	sld [smem:$0x3FDB];
	_ =	sdelay $0x1  }
0x99: {  	s4 =	simm.s32 $_scs_section_size  }
0x9a: {  	s5 =	simm.s32 $_size__tile_overlayer_lowered;
	s6 =	simm.s32 $_tile_overlayer_lowered  }
0x9b: {  	s22 =	simm.s32 $0x1BFF;
	s21 =	sshll.u32 s6, $0x1;
	s3 =	sadd.s32 s4, s19  }
0x9c: {  	s7 =	simm.s32 $0x0;
	s20 =	sshll.u32 s5, $0x1;
	s5 =	sadd.s32 s21, s3  }
0x9d: {  	[timem:s7], [sflag:s22] =	dma.local [hbm:s5], s20  }
0x9e: {  	_ =	swait.ge [sflag:s22], s20  }
0x9f: {  	s4 =	ssub.s32 $0x0, s20;
	[sflag:s22] =	ssyncset.done $0x0  }
0xa0: {  	[sflag:s22] =	ssyncadd.s32 s4;
	_ =	sdelay $0x1  }
0xa1: {  	s23 =	simm.s32 $0x1B8B  }
0xa2: {  	_ =	swait.ge [sflag:s23], $0x1  }
0xa3: {  	[sflag:s23] =	ssyncset.done $0x0  }
0xa4: {  	s25 =	simm.s32 $0x1B8E;
	s24 =	sld [smem:$0x3FFE];
	[sflag:s23] =	ssyncadd.s32 $0xFFFFFFFF  }
0xa5: {  	s26 =	simm.s32 $execute0_lowered;
	[smem:$0x3FD2] =	sst s25  }
0xa6: {  	s5 =	sshll.u32 s26, $0x1;
	_ =	strace $0x80000046;
	[dreg:$0x1] =	wrdreg $0xFFFFFFFF  }
0xa7: {  	s28 =	simm.s32 $_size_execute0_lowered;
	s3 =	sadd.s32 s3, s5;
	[dreg:$0x0] =	wrdreg $0x0  }
0xa8: {  	s5 =	sshll.u32 s28, $0x1;
	[dreg:$0x2] =	wrdreg s3  }
0xa9: {  	[dreg:$0x3] =	wrdreg s5  }
0xaa: {  	[dreg:$0x4] =	wrdreg $0xC0  }
0xab: {  	_ =	task [dreg:s7], $0x5FFFF  }
0xac: {  	[dreg:$0x1] =	wrdreg $0xFFFFFFFF  }
0xad: {  	[dreg:$0x0] =	wrdreg $0x60  }
0xae: {  	[dreg:$0x2] =	wrdreg s2  }
0xaf: {  	[dreg:$0x3] =	wrdreg s24  }
0xb0: {  	[dreg:$0x4] =	wrdreg $0x9  }
0xb1: {  	_ =	task.clear_ibuf [dreg:s7], $0x5FFFF;
	_ =	strace $0x90000046  }
0xb2: {  	s29 =	simm.s32 $0x9;
	_ =	strace $0x80000048  }
0xb3: {  	_ =	swait.ge [sflag:s29], $0x1  }
0xb4: {  	[sflag:s29] =	ssyncadd.s32 $0xFFFFFFFF  }
0xb5: {  	_ =	strace $0x90000048  }
0xb6: {  	_ =	sfence  }
0xb7: {  	s30 =	sld [smem:$0x0];
	_ =	sdelay $0x2  }
0xb8: {  	s31 =	sshll.u32 s1, $0xD;
	s1 =	sshrl.u32 s1, $0x2  }
0xb9: {  	s3 =	sand.u32 $0x4000, s31;
	s1 =	sadd.s32 s1, s30  }
0xba: {  	s0 =	sor.u32 s3, s0;
	s1 =	sshll.u32 s1, $0x11  }
0xbb: {  	s0 =	sor.u32 s1, s0  }
0xbc: {  	s0 =	sadd.s32 $0x8F2B, s0  }
0xbd: {  	[sflag:s0] =	ssyncadd.remote.s32 $0x1  }
0xbe: {  	_ =	sfence.sel $0xFFFF  }
0xbf: {  	[dreg:$0x0] =	wrdreg $0xFFFFFFFF;
	(pc) =	sbr.abs _section_cstart, $3  }
0xc0: {  	[dreg:$0x1] =	wrdreg $0xFFFFFFFF  }
0xc1: {  	_ =	task.clear_ibuf [dreg:s7], $0x2FFFF;
	_ =	strace $0x9FFFFFFF  }
0xc2: {  	(tm) =	ssettm $0x7FFFFFFF  }
0xc3: {  	_ =	shalt  }
tec
execute0_lowered:
.L_overlay_start_1:
0x0: {  	(tag) =	ssettag $0x1  }
0x1: {  	s1 =	rddreg [dreg:$0x0]  }
0x2: {  	s0 =	rddreg [dreg:$0x1];
	s3 =	simm.s32 $0x0;
	s2 =	srdreg.scid  }
0x3: {  	s4 =	stileid.u32;
	s10 =	simm.s32 $0x103C0;
	s11 =	simm.s32 $0x103D0  }
0x4: {  	s14 =	simm.s32 $0x103E0;
	s15 =	simm.s32 $0x103F0;
	s16 =	simm.s32 $0x10400  }
0x5: {  	s17 =	simm.s32 $0x10410;
	s19 =	simm.s32 $0x10420;
	s20 =	simm.s32 $0x10430  }
0x6: {  	s21 =	simm.s32 $0x10440;
	s22 =	simm.s32 $0x10450;
	s23 =	simm.s32 $0x10460  }
0x7: {  	[smem:$0x7FF] =	sst s3;
	s2 =	sand.u32 $0x1, s2;
	s25 =	sadd.s32 $0x5C00, s0  }
0x8: {  	s26 =	sadd.s32 $0x800, s0;
	_ =	strace $0x80000047;
	[dreg:$0x3] =	wrdreg s25  }
0x9: {  	s5 =	sshll.u32 s4, $0x1;
	s28 =	sadd.s32 $0xB400, s0;
	[dreg:$0x4] =	wrdreg s26  }
0xa: {  	s24 =	simm.s32 $0x10470;
	s5 =	sor.u32 s2, s5;
	[dreg:$0x5] =	wrdreg s28  }
0xb: {  	s2 =	ssub.s32 $0x2, s2;
	s26 =	simm.s32 $0x2;
	s6 =	sshll.u32 s5, $0x4  }
0xc: {  	s7 =	sshll.u32 s5, $0xC;
	s8 =	sshrl.u32 s2, $0x1;
	s5 =	sshll.u32 s5, $0xF  }
0xd: {  	s6 =	sadd.s32 s6, s0;
	s0 =	sadd.s32 s7, s0;
	s2 =	ssub.s32 s2, s8  }
.Ltmp0:
0xe: {  	s7 =	simm.s32 $0x103A0;
	s29 =	sadd.s32 $0xB000, s6;
	(pc) =	sbr.rel .LBB2_1-.Ltmp0, $4  }
0xf: {  	s8 =	simm.s32 $0x103B0;
	s30 =	sadd.s32 $0xB010, s6;
	[dreg:$0x6] =	wrdreg s29  }
0x10: {  	v1 =	vlaneseq.u32;
	v0 =	vmov s5;
	s5 =	simm.s32 $0x0;
	s0 =	sadd.s32 $0x10800, s0;
	[dreg:$0x7] =	wrdreg s30  }
0x11: {  	v2 =	vimm.f32 $0.0e+00;
	vm0 =	vmmov $0xffff;
	v4 =	vshrl.u32 v1, $0x3;
	s31 =	smax.u32 s2, $0x1;
	s6 =	simm.s32 $0x7;
	[dreg:$0x8] =	wrdreg s0  }
0x12: {  	v3 =	vand.u32 $0x7, v1;
	v5 =	vor.u32 $0x8, v1;
	v4 =	vmul.u32 $0x8, v4;
	s2 =	simm.s32 $0x10390;
	[dreg:$0x9] =	wrdreg s31;
	s0 =	simm.s32 $0x10380  }
.LBB2_10:
0x13: {  	s4 =	simm.s32 $0x5  }
0x14: {  	_ =	swait.ge [sflag:s4], $0x8000  }
0x15: {  	[sflag:s4] =	ssyncset.done $0x0  }
0x16: {  	s18 =	simm.s32 $0x6;
	[sflag:s4] =	ssyncadd.s32 $0xFFFF8000  }
0x17: {  	_ =	swait.ge [sflag:s18], $0x8000  }
0x18: {  	[sflag:s18] =	ssyncset.done $0x0  }
0x19: {  	s25 =	simm.s32 $0x1;
	[sflag:s18] =	ssyncadd.s32 $0xFFFF8000  }
0x1a: {  	_ =	swait.ge [sflag:s25], $0x80  }
0x1b: {  	[sflag:s25] =	ssyncset.done $0x0  }
0x1c: {  	[sflag:s25] =	ssyncadd.s32 $0xFFFFFF80  }
0x1d: {  	_ =	swait.ge [sflag:s25], $0x80  }
0x1e: {  	[sflag:s25] =	ssyncset.done $0x0  }
0x1f: {  	[sflag:s25] =	ssyncadd.s32 $0xFFFFFF80  }
0x20: {  	_ =	swait.ge [sflag:s26], $0x80  }
0x21: {  	[sflag:s26] =	ssyncset.done $0x0  }
0x22: {  	[sflag:s26] =	ssyncadd.s32 $0xFFFFFF80  }
0x23: {  	_ =	swait.ge [sflag:s26], $0x80  }
0x24: {  	[sflag:s26] =	ssyncset.done $0x0  }
0x25: {  	s28 =	simm.s32 $0x3;
	[sflag:s26] =	ssyncadd.s32 $0xFFFFFF80  }
0x26: {  	_ =	swait.ge [sflag:s28], $0x80  }
0x27: {  	[sflag:s28] =	ssyncset.done $0x0  }
0x28: {  	s29 =	simm.s32 $0x4;
	[sflag:s28] =	ssyncadd.s32 $0xFFFFFF80  }
0x29: {  	_ =	swait.ge [sflag:s29], $0x80  }
0x2a: {  	[sflag:s29] =	ssyncset.done $0x0  }
0x2b: {  	s6 =	simm.s32 $0x7;
	s30 =	rddreg [dreg:$0x8];
	[sflag:s29] =	ssyncadd.s32 $0xFFFFFF80  }
0x2c: {  	[hbm4b:s30+s3] =	stream.linear.scatter [tilespmem:s0], [sflag:$0x7], $0x8000, $0x38;
	[tilespmem:$0x18380] =	vst v63  }
0x2d: {  	_ =	swait.ge [sflag:s6], $0x8000  }
0x2e: {  	s5 =	rddreg [dreg:$0xa]  }
0x2f: {  	s31 =	rddreg [dreg:$0x9];
	s5 =	sadd.s32 $0x1, s5  }
0x30: {  	p0 =	sne.s32 s5, s31  }
.Ltmp1:
0x31: {  	_ = 	snop;
	(pc) =	sbr.rel @!p0 .LBB2_11-.Ltmp1, $3  }
0x32: {  	_ =	sdelay $0x1  }
0x33: {  	[sflag:s6] =	ssyncset.done $0x0  }
0x34: {  	[sflag:s6] =	ssyncadd.s32 $0xFFFF8000  }
.LBB2_1:
0x35: {  	[dreg:$0xa] =	wrdreg s5  }
0x36: {  	s4 =	rddreg [dreg:$0x6]  }
0x37: {  	[tilespmem:s3], [sflag:$0x7] =	stream.linear.gather [hbm4b:s4+s3], $0x10, $0x38;
	[tilespmem:$0x18380] =	vst v63  }
0x38: {  	_ =	swait.ge [sflag:s6], $0x10  }
0x39: {  	[sflag:s6] =	ssyncset.done $0x0  }
0x3a: {  	s31 =	rddreg [dreg:$0x7];
	[sflag:s6] =	ssyncadd.s32 $0xFFFFFFF0  }
0x3b: {  	v6 =	vld [tilespmem:$0x0];
	[tilespmem:s3], [sflag:$0x7] =	stream.linear.gather [hbm4b:s31+s3], $0x10, $0x38  }
0x3c: {  	_ =	swait.ge [sflag:s6], $0x10  }
0x3d: {  	[sflag:s6] =	ssyncset.done $0x0  }
0x3e: {  	[sflag:s6] =	ssyncadd.s32 $0xFFFFFFF0;
	s6 =	simm.s32 $0x10580  }
0x3f: {  	v7 =	vld [tilespmem:$0x0];
	[tilespmem:s6+$0xFFFFFE00] =	vst v2  }
0x40: {  	[tilespmem:s6+$0x1F0] =	vst v2  }
0x41: {  	[tilespmem:s6+$0x1E0] =	vst v2  }
0x42: {  	[tilespmem:s6+$0x1D0] =	vst v2  }
0x43: {  	[tilespmem:s6+$0x1C0] =	vst v2  }
0x44: {  	[tilespmem:s6+$0x1B0] =	vst v2  }
0x45: {  	[tilespmem:s6+$0x1A0] =	vst v2  }
0x46: {  	[tilespmem:s6+$0x190] =	vst v2  }
0x47: {  	[tilespmem:s6+$0x180] =	vst v2  }
0x48: {  	[tilespmem:s6+$0x170] =	vst v2  }
0x49: {  	[tilespmem:s6+$0x160] =	vst v2  }
0x4a: {  	[tilespmem:s6+$0x150] =	vst v2  }
0x4b: {  	[tilespmem:s6+$0x140] =	vst v2  }
0x4c: {  	[tilespmem:s6+$0x130] =	vst v2  }
0x4d: {  	[tilespmem:s6+$0x120] =	vst v2  }
0x4e: {  	[tilespmem:s6+$0x110] =	vst v2  }
0x4f: {  	[tilespmem:s6+$0x100] =	vst v2  }
0x50: {  	[tilespmem:s6+$0xF0] =	vst v2  }
0x51: {  	[tilespmem:s6+$0xE0] =	vst v2  }
0x52: {  	[tilespmem:s6+$0xD0] =	vst v2  }
0x53: {  	[tilespmem:s6+$0xC0] =	vst v2  }
0x54: {  	[tilespmem:s6+$0xB0] =	vst v2  }
0x55: {  	[tilespmem:s6+$0xA0] =	vst v2  }
0x56: {  	[tilespmem:s6+$0x90] =	vst v2  }
0x57: {  	[tilespmem:s6+$0x80] =	vst v2  }
0x58: {  	[tilespmem:s6+$0x70] =	vst v2  }
0x59: {  	[tilespmem:s6+$0x60] =	vst v2  }
0x5a: {  	[tilespmem:s6+$0x50] =	vst v2  }
0x5b: {  	[tilespmem:s6+$0x40] =	vst v2  }
0x5c: {  	[tilespmem:s6+$0x30] =	vst v2  }
0x5d: {  	[tilespmem:s6+$0x20] =	vst v2  }
0x5e: {  	[tilespmem:s6+$0x10] =	vst v2  }
0x5f: {  	[tilespmem:s6+$0x0] =	vst v2  }
0x60: {  	[tilespmem:s6+$0xFFFFFFF0] =	vst v2  }
0x61: {  	[tilespmem:s6+$0xFFFFFFE0] =	vst v2  }
0x62: {  	[tilespmem:s6+$0xFFFFFFD0] =	vst v2  }
0x63: {  	[tilespmem:s6+$0xFFFFFFC0] =	vst v2  }
0x64: {  	[tilespmem:s6+$0xFFFFFFB0] =	vst v2  }
0x65: {  	[tilespmem:s6+$0xFFFFFFA0] =	vst v2  }
0x66: {  	[tilespmem:s6+$0xFFFFFF90] =	vst v2  }
0x67: {  	[tilespmem:s6+$0xFFFFFF80] =	vst v2  }
0x68: {  	[tilespmem:s6+$0xFFFFFF70] =	vst v2  }
0x69: {  	[tilespmem:s6+$0xFFFFFF60] =	vst v2  }
0x6a: {  	[tilespmem:s6+$0xFFFFFF50] =	vst v2  }
0x6b: {  	[tilespmem:s6+$0xFFFFFF40] =	vst v2  }
0x6c: {  	[tilespmem:s6+$0xFFFFFF30] =	vst v2  }
0x6d: {  	[tilespmem:s6+$0xFFFFFF20] =	vst v2  }
0x6e: {  	[tilespmem:s6+$0xFFFFFF10] =	vst v2  }
0x6f: {  	[tilespmem:s6+$0xFFFFFF00] =	vst v2  }
0x70: {  	[tilespmem:s6+$0xFFFFFEF0] =	vst v2  }
0x71: {  	[tilespmem:s6+$0xFFFFFEE0] =	vst v2  }
0x72: {  	[tilespmem:s6+$0xFFFFFED0] =	vst v2  }
0x73: {  	[tilespmem:s6+$0xFFFFFEC0] =	vst v2  }
0x74: {  	[tilespmem:s6+$0xFFFFFEB0] =	vst v2  }
0x75: {  	[tilespmem:s6+$0xFFFFFEA0] =	vst v2  }
0x76: {  	[tilespmem:s6+$0xFFFFFE90] =	vst v2  }
0x77: {  	[tilespmem:s6+$0xFFFFFE80] =	vst v2  }
0x78: {  	[tilespmem:s6+$0xFFFFFE70] =	vst v2  }
0x79: {  	[tilespmem:s6+$0xFFFFFE60] =	vst v2  }
0x7a: {  	[tilespmem:s6+$0xFFFFFE50] =	vst v2  }
0x7b: {  	[tilespmem:s6+$0xFFFFFE40] =	vst v2  }
0x7c: {  	[tilespmem:s6+$0xFFFFFE30] =	vst v2  }
0x7d: {  	s5 =	simm.s32 $0x0;
	[tilespmem:s6+$0xFFFFFE20] =	vst v2  }
.LBB2_2:
0x7e: {  	s5 =	sadd.s32 $0x4, s5;
	[tilespmem:s6+$0xFFFFFE10] =	vst v2;
	s6 =	sadd.s32 $0x400, s6  }
0x7f: {  	[tilespmem:s6+$0xFFFFFE00] =	vst v2;
	p0 =	slt.u32 s5, $0x7C  }
0x80: {  	[tilespmem:s6+$0x1F0] =	vst v2  }
0x81: {  	[tilespmem:s6+$0x1E0] =	vst v2  }
0x82: {  	[tilespmem:s6+$0x1D0] =	vst v2  }
0x83: {  	[tilespmem:s6+$0x1C0] =	vst v2  }
0x84: {  	[tilespmem:s6+$0x1B0] =	vst v2  }
0x85: {  	[tilespmem:s6+$0x1A0] =	vst v2  }
0x86: {  	[tilespmem:s6+$0x190] =	vst v2  }
0x87: {  	[tilespmem:s6+$0x180] =	vst v2  }
0x88: {  	[tilespmem:s6+$0x170] =	vst v2  }
0x89: {  	[tilespmem:s6+$0x160] =	vst v2  }
0x8a: {  	[tilespmem:s6+$0x150] =	vst v2  }
0x8b: {  	[tilespmem:s6+$0x140] =	vst v2  }
0x8c: {  	[tilespmem:s6+$0x130] =	vst v2  }
0x8d: {  	[tilespmem:s6+$0x120] =	vst v2  }
0x8e: {  	[tilespmem:s6+$0x110] =	vst v2  }
0x8f: {  	[tilespmem:s6+$0x100] =	vst v2  }
0x90: {  	[tilespmem:s6+$0xF0] =	vst v2  }
0x91: {  	[tilespmem:s6+$0xE0] =	vst v2  }
0x92: {  	[tilespmem:s6+$0xD0] =	vst v2  }
0x93: {  	[tilespmem:s6+$0xC0] =	vst v2  }
0x94: {  	[tilespmem:s6+$0xB0] =	vst v2  }
0x95: {  	[tilespmem:s6+$0xA0] =	vst v2  }
0x96: {  	[tilespmem:s6+$0x90] =	vst v2  }
0x97: {  	[tilespmem:s6+$0x80] =	vst v2  }
0x98: {  	[tilespmem:s6+$0x70] =	vst v2  }
0x99: {  	[tilespmem:s6+$0x60] =	vst v2  }
0x9a: {  	[tilespmem:s6+$0x50] =	vst v2  }
0x9b: {  	[tilespmem:s6+$0x40] =	vst v2  }
0x9c: {  	[tilespmem:s6+$0x30] =	vst v2  }
0x9d: {  	[tilespmem:s6+$0x20] =	vst v2  }
0x9e: {  	[tilespmem:s6+$0x10] =	vst v2  }
0x9f: {  	[tilespmem:s6+$0x0] =	vst v2  }
0xa0: {  	[tilespmem:s6+$0xFFFFFFF0] =	vst v2  }
0xa1: {  	[tilespmem:s6+$0xFFFFFFE0] =	vst v2  }
0xa2: {  	[tilespmem:s6+$0xFFFFFFD0] =	vst v2  }
0xa3: {  	[tilespmem:s6+$0xFFFFFFC0] =	vst v2  }
0xa4: {  	[tilespmem:s6+$0xFFFFFFB0] =	vst v2  }
0xa5: {  	[tilespmem:s6+$0xFFFFFFA0] =	vst v2  }
0xa6: {  	[tilespmem:s6+$0xFFFFFF90] =	vst v2  }
0xa7: {  	[tilespmem:s6+$0xFFFFFF80] =	vst v2  }
0xa8: {  	[tilespmem:s6+$0xFFFFFF70] =	vst v2  }
0xa9: {  	[tilespmem:s6+$0xFFFFFF60] =	vst v2  }
0xaa: {  	[tilespmem:s6+$0xFFFFFF50] =	vst v2  }
0xab: {  	[tilespmem:s6+$0xFFFFFF40] =	vst v2  }
0xac: {  	[tilespmem:s6+$0xFFFFFF30] =	vst v2  }
0xad: {  	[tilespmem:s6+$0xFFFFFF20] =	vst v2  }
0xae: {  	[tilespmem:s6+$0xFFFFFF10] =	vst v2  }
0xaf: {  	[tilespmem:s6+$0xFFFFFF00] =	vst v2  }
0xb0: {  	[tilespmem:s6+$0xFFFFFEF0] =	vst v2  }
0xb1: {  	[tilespmem:s6+$0xFFFFFEE0] =	vst v2  }
0xb2: {  	[tilespmem:s6+$0xFFFFFED0] =	vst v2  }
0xb3: {  	[tilespmem:s6+$0xFFFFFEC0] =	vst v2  }
0xb4: {  	[tilespmem:s6+$0xFFFFFEB0] =	vst v2  }
0xb5: {  	[tilespmem:s6+$0xFFFFFEA0] =	vst v2  }
0xb6: {  	[tilespmem:s6+$0xFFFFFE90] =	vst v2  }
0xb7: {  	[tilespmem:s6+$0xFFFFFE80] =	vst v2  }
0xb8: {  	[tilespmem:s6+$0xFFFFFE70] =	vst v2  }
.Ltmp2:
0xb9: {  	[tilespmem:s6+$0xFFFFFE60] =	vst v2;
	(pc) =	sbr.rel @p0 .LBB2_2-.Ltmp2, $4  }
0xba: {  	[tilespmem:s6+$0xFFFFFE50] =	vst v2  }
0xbb: {  	[tilespmem:s6+$0xFFFFFE40] =	vst v2  }
0xbc: {  	[tilespmem:s6+$0xFFFFFE30] =	vst v2  }
0xbd: {  	[tilespmem:s6+$0xFFFFFE20] =	vst v2  }
0xbe: {  	v6 =	vxor.u32 $0x80000000, v6  }
0xbf: {  	(xrf0) =	vmin.scan.msk.u32 $0xffff, v6;
	_ =	sdelay $0x5  }
0xc0: {  	v6, _, _ =	vpop (xrf0)  }
0xc1: {  	(v2sf) =	vpush v6, $0xF;
	_ =	sdelay $0x7  }
0xc2: {  	v6 =	vxor.u32 $0x80000000, v7  }
0xc3: {  	(xrf0) =	vmin.scan.msk.u32 $0xffff, v6;
	_ =	sdelay $0x5  }
0xc4: {  	v6, _, _ =	vpop (xrf0);
	s5 =	spop (v2sf)  }
0xc5: {  	[tilespmem:s6+$0xFFFFFE10] =	vst v2;
	(v2sf) =	vpush v6, $0xF;
	s28 =	sxor.u32 $0x80000000, s5  }
0xc6: {  	s4 =	rddreg [dreg:$0x3];
	s30 =	sadd.s32 $0x80000080, s5;
	s9 =	sshrl.u32 s28, $0x3  }
0xc7: {  	s25 =	simm.s32 $0x80;
	s12 =	sshrl.u32 s30, $0x3;
	s18 =	sadd.s32 s4, s9  }
0xc8: {  	[tilespmem:s25], [sflag:$0x3] =	stream.linear.gather [hbm4b:s18+s3], $0x80, $0x38;
	[tilespmem:$0x18380] =	vst v63  }
0xc9: {  	s13 =	rddreg [dreg:$0x4];
	s30 =	simm.s32 $0x100;
	s6 =	sadd.s32 s4, s12  }
0xca: {  	[tilespmem:s30], [sflag:$0x4] =	stream.linear.gather [hbm4b:s6+s3], $0x80, $0x38;
	[tilespmem:$0x18380] =	vst v63  }
0xcb: {  	s31 =	sadd.s32 s13, s9;
	s18 =	simm.s32 $0x180  }
0xcc: {  	[tilespmem:s18], [sflag:$0x1] =	stream.linear.gather [hbm4b:s31+s3], $0x80, $0x38;
	[tilespmem:$0x18380] =	vst v63  }
0xcd: {  	s18 =	rddreg [dreg:$0x5]  }
0xce: {  	s31 =	simm.s32 $0x280;
	s9 =	sadd.s32 s18, s9  }
0xcf: {  	[tilespmem:s31], [sflag:$0x1] =	stream.linear.gather [hbm4b:s9+s3], $0x80, $0x38;
	[tilespmem:$0x18380] =	vst v63  }
0xd0: {  	s13 =	sadd.s32 s13, s12;
	s31 =	simm.s32 $0x200  }
0xd1: {  	[tilespmem:s31], [sflag:$0x2] =	stream.linear.gather [hbm4b:s13+s3], $0x80, $0x38;
	[tilespmem:$0x18380] =	vst v63  }
0xd2: {  	s12 =	sadd.s32 s18, s12;
	s13 =	simm.s32 $0x300  }
0xd3: {  	[tilespmem:s13], [sflag:$0x2] =	stream.linear.gather [hbm4b:s12+s3], $0x80, $0x38;
	[tilespmem:$0x18380] =	vst v63  }
0xd4: {  	s18 =	simm.s32 $0x3;
	s6 =	spop (v2sf)  }
0xd5: {  	_ =	swait.ge [sflag:s18], $0x80  }
0xd6: {  	[sflag:s18] =	ssyncset.done $0x0  }
0xd7: {  	[sflag:s18] =	ssyncadd.s32 $0xFFFFFF80  }
0xd8: {  	v6 =	vld [tilespmem:$0x80];
	_ =	sdelay $0x4  }
0xd9: {  	v7 =	vshll.u32 v6, $0x1  }
0xda: {  	v6 =	vand.u32 $0x7, v6;
	v7 =	vand.u32 $0xFFFFFFF0, v7  }
0xdb: {  	v6 =	vor.u32 v6, v7  }
0xdc: {  	v7 =	vperm.xlane v6, v3;
	_ =	sdelay $0x1  }
0xdd: {  	v6 =	vperm.xlane v6, v5;
	v7 =	vadd.s32 v4, v7;
	_ =	sdelay $0x1  }
0xde: {  	v6 =	vadd.s32 v4, v6;
	_ =	sdelay $0x1  }
0xdf: {  	s31 =	simm.s32 $0x380  }
0xe0: {  	[tilespmem:s31], [sflag:$0x5] =	stream.indirect_vreg.gather [hbm4b:s1+s3], $0x80, v7, vm0, $0xb8;
	[tilespmem:$0x18380] =	vst v63  }
0xe1: {  	s12 =	simm.s32 $0xB80  }
0xe2: {  	[tilespmem:s12], [sflag:$0x5] =	stream.indirect_vreg.gather [hbm4b:s1+s3], $0x80, v6, vm0, $0xb8;
	[tilespmem:$0x18380] =	vst v63  }
0xe3: {  	v6 =	vld [tilespmem:$0x90];
	_ =	sdelay $0x4  }
0xe4: {  	v7 =	vshll.u32 v6, $0x1  }
0xe5: {  	v6 =	vand.u32 $0x7, v6;
	v7 =	vand.u32 $0xFFFFFFF0, v7  }
0xe6: {  	v6 =	vor.u32 v6, v7  }
0xe7: {  	v7 =	vperm.xlane v6, v3;
	_ =	sdelay $0x1  }
0xe8: {  	v6 =	vperm.xlane v6, v5;
	v7 =	vadd.s32 v4, v7;
	_ =	sdelay $0x1  }
0xe9: {  	v6 =	vadd.s32 v4, v6;
	_ =	sdelay $0x1  }
0xea: {  	s13 =	simm.s32 $0x1380  }
0xeb: {  	[tilespmem:s13], [sflag:$0x5] =	stream.indirect_vreg.gather [hbm4b:s1+s3], $0x80, v7, vm0, $0xb8;
	[tilespmem:$0x18380] =	vst v63  }
0xec: {  	s18 =	simm.s32 $0x1B80  }
0xed: {  	[tilespmem:s18], [sflag:$0x5] =	stream.indirect_vreg.gather [hbm4b:s1+s3], $0x80, v6, vm0, $0xb8;
	[tilespmem:$0x18380] =	vst v63  }
0xee: {  	v6 =	vld [tilespmem:$0xA0];
	_ =	sdelay $0x4  }
0xef: {  	v7 =	vshll.u32 v6, $0x1  }
0xf0: {  	v6 =	vand.u32 $0x7, v6;
	v7 =	vand.u32 $0xFFFFFFF0, v7  }
0xf1: {  	v6 =	vor.u32 v6, v7  }
0xf2: {  	v7 =	vperm.xlane v6, v3;
	_ =	sdelay $0x1  }
0xf3: {  	v6 =	vperm.xlane v6, v5;
	v7 =	vadd.s32 v4, v7;
	_ =	sdelay $0x1  }
0xf4: {  	v6 =	vadd.s32 v4, v6;
	_ =	sdelay $0x1  }
0xf5: {  	s31 =	simm.s32 $0x2380  }
0xf6: {  	[tilespmem:s31], [sflag:$0x5] =	stream.indirect_vreg.gather [hbm4b:s1+s3], $0x80, v7, vm0, $0xb8;
	[tilespmem:$0x18380] =	vst v63  }
0xf7: {  	s12 =	simm.s32 $0x2B80  }
0xf8: {  	[tilespmem:s12], [sflag:$0x5] =	stream.indirect_vreg.gather [hbm4b:s1+s3], $0x80, v6, vm0, $0xb8;
	[tilespmem:$0x18380] =	vst v63  }
0xf9: {  	v6 =	vld [tilespmem:$0xB0];
	_ =	sdelay $0x4  }
0xfa: {  	v7 =	vshll.u32 v6, $0x1  }
0xfb: {  	v6 =	vand.u32 $0x7, v6;
	v7 =	vand.u32 $0xFFFFFFF0, v7  }
0xfc: {  	v6 =	vor.u32 v6, v7  }
0xfd: {  	v7 =	vperm.xlane v6, v3;
	_ =	sdelay $0x1  }
0xfe: {  	v6 =	vperm.xlane v6, v5;
	v7 =	vadd.s32 v4, v7;
	_ =	sdelay $0x1  }
0xff: {  	v6 =	vadd.s32 v4, v6;
	_ =	sdelay $0x1  }
0x100: {  	s13 =	simm.s32 $0x3380  }
0x101: {  	[tilespmem:s13], [sflag:$0x5] =	stream.indirect_vreg.gather [hbm4b:s1+s3], $0x80, v7, vm0, $0xb8;
	[tilespmem:$0x18380] =	vst v63  }
0x102: {  	s18 =	simm.s32 $0x3B80  }
0x103: {  	[tilespmem:s18], [sflag:$0x5] =	stream.indirect_vreg.gather [hbm4b:s1+s3], $0x80, v6, vm0, $0xb8;
	[tilespmem:$0x18380] =	vst v63  }
0x104: {  	v6 =	vld [tilespmem:$0xC0];
	_ =	sdelay $0x4  }
0x105: {  	v7 =	vshll.u32 v6, $0x1  }
0x106: {  	v6 =	vand.u32 $0x7, v6;
	v7 =	vand.u32 $0xFFFFFFF0, v7  }
0x107: {  	v6 =	vor.u32 v6, v7  }
0x108: {  	v7 =	vperm.xlane v6, v3;
	_ =	sdelay $0x1  }
0x109: {  	v6 =	vperm.xlane v6, v5;
	v7 =	vadd.s32 v4, v7;
	_ =	sdelay $0x1  }
0x10a: {  	v6 =	vadd.s32 v4, v6;
	_ =	sdelay $0x1  }
0x10b: {  	s31 =	simm.s32 $0x4380  }
0x10c: {  	[tilespmem:s31], [sflag:$0x5] =	stream.indirect_vreg.gather [hbm4b:s1+s3], $0x80, v7, vm0, $0xb8;
	[tilespmem:$0x18380] =	vst v63  }
0x10d: {  	s12 =	simm.s32 $0x4B80  }
0x10e: {  	[tilespmem:s12], [sflag:$0x5] =	stream.indirect_vreg.gather [hbm4b:s1+s3], $0x80, v6, vm0, $0xb8;
	[tilespmem:$0x18380] =	vst v63  }
0x10f: {  	v6 =	vld [tilespmem:$0xD0];
	_ =	sdelay $0x4  }
0x110: {  	v7 =	vshll.u32 v6, $0x1  }
0x111: {  	v6 =	vand.u32 $0x7, v6;
	v7 =	vand.u32 $0xFFFFFFF0, v7  }
0x112: {  	v6 =	vor.u32 v6, v7  }
0x113: {  	v7 =	vperm.xlane v6, v3;
	_ =	sdelay $0x1  }
0x114: {  	v6 =	vperm.xlane v6, v5;
	v7 =	vadd.s32 v4, v7;
	_ =	sdelay $0x1  }
0x115: {  	v6 =	vadd.s32 v4, v6;
	_ =	sdelay $0x1  }
0x116: {  	s13 =	simm.s32 $0x5380  }
0x117: {  	[tilespmem:s13], [sflag:$0x5] =	stream.indirect_vreg.gather [hbm4b:s1+s3], $0x80, v7, vm0, $0xb8;
	[tilespmem:$0x18380] =	vst v63  }
0x118: {  	s18 =	simm.s32 $0x5B80  }
0x119: {  	[tilespmem:s18], [sflag:$0x5] =	stream.indirect_vreg.gather [hbm4b:s1+s3], $0x80, v6, vm0, $0xb8;
	[tilespmem:$0x18380] =	vst v63  }
0x11a: {  	v6 =	vld [tilespmem:$0xE0];
	_ =	sdelay $0x4  }
0x11b: {  	v7 =	vshll.u32 v6, $0x1  }
0x11c: {  	v6 =	vand.u32 $0x7, v6;
	v7 =	vand.u32 $0xFFFFFFF0, v7  }
0x11d: {  	v6 =	vor.u32 v6, v7  }
0x11e: {  	v7 =	vperm.xlane v6, v3;
	_ =	sdelay $0x1  }
0x11f: {  	v6 =	vperm.xlane v6, v5;
	v7 =	vadd.s32 v4, v7;
	_ =	sdelay $0x1  }
0x120: {  	v6 =	vadd.s32 v4, v6;
	_ =	sdelay $0x1  }
0x121: {  	s31 =	simm.s32 $0x6380  }
0x122: {  	[tilespmem:s31], [sflag:$0x5] =	stream.indirect_vreg.gather [hbm4b:s1+s3], $0x80, v7, vm0, $0xb8;
	[tilespmem:$0x18380] =	vst v63  }
0x123: {  	s12 =	simm.s32 $0x6B80  }
0x124: {  	[tilespmem:s12], [sflag:$0x5] =	stream.indirect_vreg.gather [hbm4b:s1+s3], $0x80, v6, vm0, $0xb8;
	[tilespmem:$0x18380] =	vst v63  }
0x125: {  	v6 =	vld [tilespmem:$0xF0];
	_ =	sdelay $0x4  }
0x126: {  	v7 =	vshll.u32 v6, $0x1  }
0x127: {  	v6 =	vand.u32 $0x7, v6;
	v7 =	vand.u32 $0xFFFFFFF0, v7  }
0x128: {  	v6 =	vor.u32 v6, v7  }
0x129: {  	v7 =	vperm.xlane v6, v3;
	_ =	sdelay $0x1  }
0x12a: {  	v6 =	vperm.xlane v6, v5;
	v7 =	vadd.s32 v4, v7;
	_ =	sdelay $0x1  }
0x12b: {  	v6 =	vadd.s32 v4, v6;
	_ =	sdelay $0x1  }
0x12c: {  	s13 =	simm.s32 $0x7380;
	s31 =	sadd.s32 $0x80000100, s5  }
0x12d: {  	[tilespmem:s13], [sflag:$0x5] =	stream.indirect_vreg.gather [hbm4b:s1+s3], $0x80, v7, vm0, $0xb8;
	[tilespmem:$0x18380] =	vst v63  }
0x12e: {  	s18 =	simm.s32 $0x7B80;
	s9 =	sshrl.u32 s31, $0x3  }
0x12f: {  	[tilespmem:s18], [sflag:$0x5] =	stream.indirect_vreg.gather [hbm4b:s1+s3], $0x80, v6, vm0, $0xb8;
	[tilespmem:$0x18380] =	vst v63  }
0x130: {  	[dreg:$0xb] =	wrdreg s31;
	s9 =	sadd.s32 s4, s9;
	s12 =	simm.s32 $0x4  }
0x131: {  	[tilespmem:s25], [sflag:$0x3] =	stream.linear.gather [hbm4b:s9+s3], $0x80, $0x38;
	[tilespmem:$0x18380] =	vst v63  }
0x132: {  	_ =	swait.ge [sflag:s12], $0x80  }
0x133: {  	[sflag:s12] =	ssyncset.done $0x0  }
0x134: {  	[sflag:s12] =	ssyncadd.s32 $0xFFFFFF80  }
0x135: {  	v6 =	vld [tilespmem:$0x100];
	_ =	sdelay $0x4  }
0x136: {  	v7 =	vshll.u32 v6, $0x1  }
0x137: {  	v6 =	vand.u32 $0x7, v6;
	v7 =	vand.u32 $0xFFFFFFF0, v7  }
0x138: {  	v6 =	vor.u32 v6, v7  }
0x139: {  	v7 =	vperm.xlane v6, v3;
	_ =	sdelay $0x1  }
0x13a: {  	v6 =	vperm.xlane v6, v5;
	v7 =	vadd.s32 v4, v7;
	_ =	sdelay $0x1  }
0x13b: {  	v6 =	vadd.s32 v4, v6;
	_ =	sdelay $0x1  }
0x13c: {  	s13 =	simm.s32 $0x8380  }
0x13d: {  	[tilespmem:s13], [sflag:$0x6] =	stream.indirect_vreg.gather [hbm4b:s1+s3], $0x80, v7, vm0, $0xb8;
	[tilespmem:$0x18380] =	vst v63  }
0x13e: {  	s18 =	simm.s32 $0x8B80  }
0x13f: {  	[tilespmem:s18], [sflag:$0x6] =	stream.indirect_vreg.gather [hbm4b:s1+s3], $0x80, v6, vm0, $0xb8;
	[tilespmem:$0x18380] =	vst v63  }
0x140: {  	v6 =	vld [tilespmem:$0x110];
	_ =	sdelay $0x4  }
0x141: {  	v7 =	vshll.u32 v6, $0x1  }
0x142: {  	v6 =	vand.u32 $0x7, v6;
	v7 =	vand.u32 $0xFFFFFFF0, v7  }
0x143: {  	v6 =	vor.u32 v6, v7  }
0x144: {  	v7 =	vperm.xlane v6, v3;
	_ =	sdelay $0x1  }
0x145: {  	v6 =	vperm.xlane v6, v5;
	v7 =	vadd.s32 v4, v7;
	_ =	sdelay $0x1  }
0x146: {  	v6 =	vadd.s32 v4, v6;
	_ =	sdelay $0x1  }
0x147: {  	s25 =	simm.s32 $0x9380  }
0x148: {  	[tilespmem:s25], [sflag:$0x6] =	stream.indirect_vreg.gather [hbm4b:s1+s3], $0x80, v7, vm0, $0xb8;
	[tilespmem:$0x18380] =	vst v63  }
0x149: {  	s31 =	simm.s32 $0x9B80  }
0x14a: {  	[tilespmem:s31], [sflag:$0x6] =	stream.indirect_vreg.gather [hbm4b:s1+s3], $0x80, v6, vm0, $0xb8;
	[tilespmem:$0x18380] =	vst v63  }
0x14b: {  	v6 =	vld [tilespmem:$0x120];
	_ =	sdelay $0x4  }
0x14c: {  	v7 =	vshll.u32 v6, $0x1  }
0x14d: {  	v6 =	vand.u32 $0x7, v6;
	v7 =	vand.u32 $0xFFFFFFF0, v7  }
0x14e: {  	v6 =	vor.u32 v6, v7  }
0x14f: {  	v7 =	vperm.xlane v6, v3;
	_ =	sdelay $0x1  }
0x150: {  	v6 =	vperm.xlane v6, v5;
	v7 =	vadd.s32 v4, v7;
	_ =	sdelay $0x1  }
0x151: {  	v6 =	vadd.s32 v4, v6;
	_ =	sdelay $0x1  }
0x152: {  	s12 =	simm.s32 $0xA380  }
0x153: {  	[tilespmem:s12], [sflag:$0x6] =	stream.indirect_vreg.gather [hbm4b:s1+s3], $0x80, v7, vm0, $0xb8;
	[tilespmem:$0x18380] =	vst v63  }
0x154: {  	s13 =	simm.s32 $0xAB80  }
0x155: {  	[tilespmem:s13], [sflag:$0x6] =	stream.indirect_vreg.gather [hbm4b:s1+s3], $0x80, v6, vm0, $0xb8;
	[tilespmem:$0x18380] =	vst v63  }
0x156: {  	v6 =	vld [tilespmem:$0x130];
	_ =	sdelay $0x4  }
0x157: {  	v7 =	vshll.u32 v6, $0x1  }
0x158: {  	v6 =	vand.u32 $0x7, v6;
	v7 =	vand.u32 $0xFFFFFFF0, v7  }
0x159: {  	v6 =	vor.u32 v6, v7  }
0x15a: {  	v7 =	vperm.xlane v6, v3;
	_ =	sdelay $0x1  }
0x15b: {  	v6 =	vperm.xlane v6, v5;
	v7 =	vadd.s32 v4, v7;
	_ =	sdelay $0x1  }
0x15c: {  	v6 =	vadd.s32 v4, v6;
	_ =	sdelay $0x1  }
0x15d: {  	s18 =	simm.s32 $0xB380  }
0x15e: {  	[tilespmem:s18], [sflag:$0x6] =	stream.indirect_vreg.gather [hbm4b:s1+s3], $0x80, v7, vm0, $0xb8;
	[tilespmem:$0x18380] =	vst v63  }
0x15f: {  	s25 =	simm.s32 $0xBB80  }
0x160: {  	[tilespmem:s25], [sflag:$0x6] =	stream.indirect_vreg.gather [hbm4b:s1+s3], $0x80, v6, vm0, $0xb8;
	[tilespmem:$0x18380] =	vst v63  }
0x161: {  	v6 =	vld [tilespmem:$0x140];
	_ =	sdelay $0x4  }
0x162: {  	v7 =	vshll.u32 v6, $0x1  }
0x163: {  	v6 =	vand.u32 $0x7, v6;
	v7 =	vand.u32 $0xFFFFFFF0, v7  }
0x164: {  	v6 =	vor.u32 v6, v7  }
0x165: {  	v7 =	vperm.xlane v6, v3;
	_ =	sdelay $0x1  }
0x166: {  	v6 =	vperm.xlane v6, v5;
	v7 =	vadd.s32 v4, v7;
	_ =	sdelay $0x1  }
0x167: {  	v6 =	vadd.s32 v4, v6;
	_ =	sdelay $0x1  }
0x168: {  	s31 =	simm.s32 $0xC380  }
0x169: {  	[tilespmem:s31], [sflag:$0x6] =	stream.indirect_vreg.gather [hbm4b:s1+s3], $0x80, v7, vm0, $0xb8;
	[tilespmem:$0x18380] =	vst v63  }
0x16a: {  	s12 =	simm.s32 $0xCB80  }
0x16b: {  	[tilespmem:s12], [sflag:$0x6] =	stream.indirect_vreg.gather [hbm4b:s1+s3], $0x80, v6, vm0, $0xb8;
	[tilespmem:$0x18380] =	vst v63  }
0x16c: {  	v6 =	vld [tilespmem:$0x150];
	_ =	sdelay $0x4  }
0x16d: {  	v7 =	vshll.u32 v6, $0x1  }
0x16e: {  	v6 =	vand.u32 $0x7, v6;
	v7 =	vand.u32 $0xFFFFFFF0, v7  }
0x16f: {  	v6 =	vor.u32 v6, v7  }
0x170: {  	v7 =	vperm.xlane v6, v3;
	_ =	sdelay $0x1  }
0x171: {  	v6 =	vperm.xlane v6, v5;
	v7 =	vadd.s32 v4, v7;
	_ =	sdelay $0x1  }
0x172: {  	v6 =	vadd.s32 v4, v6;
	_ =	sdelay $0x1  }
0x173: {  	s13 =	simm.s32 $0xD380  }
0x174: {  	[tilespmem:s13], [sflag:$0x6] =	stream.indirect_vreg.gather [hbm4b:s1+s3], $0x80, v7, vm0, $0xb8;
	[tilespmem:$0x18380] =	vst v63  }
0x175: {  	s18 =	simm.s32 $0xDB80  }
0x176: {  	[tilespmem:s18], [sflag:$0x6] =	stream.indirect_vreg.gather [hbm4b:s1+s3], $0x80, v6, vm0, $0xb8;
	[tilespmem:$0x18380] =	vst v63  }
0x177: {  	v6 =	vld [tilespmem:$0x160];
	_ =	sdelay $0x4  }
0x178: {  	v7 =	vshll.u32 v6, $0x1  }
0x179: {  	v6 =	vand.u32 $0x7, v6;
	v7 =	vand.u32 $0xFFFFFFF0, v7  }
0x17a: {  	v6 =	vor.u32 v6, v7  }
0x17b: {  	v7 =	vperm.xlane v6, v3;
	_ =	sdelay $0x1  }
0x17c: {  	v6 =	vperm.xlane v6, v5;
	v7 =	vadd.s32 v4, v7;
	_ =	sdelay $0x1  }
0x17d: {  	v6 =	vadd.s32 v4, v6;
	_ =	sdelay $0x1  }
0x17e: {  	s25 =	simm.s32 $0xE380  }
0x17f: {  	[tilespmem:s25], [sflag:$0x6] =	stream.indirect_vreg.gather [hbm4b:s1+s3], $0x80, v7, vm0, $0xb8;
	[tilespmem:$0x18380] =	vst v63  }
0x180: {  	s31 =	simm.s32 $0xEB80  }
0x181: {  	[tilespmem:s31], [sflag:$0x6] =	stream.indirect_vreg.gather [hbm4b:s1+s3], $0x80, v6, vm0, $0xb8;
	[tilespmem:$0x18380] =	vst v63  }
0x182: {  	v6 =	vld [tilespmem:$0x170];
	_ =	sdelay $0x4  }
0x183: {  	v7 =	vshll.u32 v6, $0x1  }
0x184: {  	v6 =	vand.u32 $0x7, v6;
	v7 =	vand.u32 $0xFFFFFFF0, v7  }
0x185: {  	v6 =	vor.u32 v6, v7  }
0x186: {  	v7 =	vperm.xlane v6, v3;
	_ =	sdelay $0x1  }
0x187: {  	v6 =	vperm.xlane v6, v5;
	v7 =	vadd.s32 v4, v7;
	_ =	sdelay $0x1  }
0x188: {  	v6 =	vadd.s32 v4, v6;
	_ =	sdelay $0x1  }
0x189: {  	s12 =	simm.s32 $0xF380;
	s18 =	sadd.s32 $0x80000180, s5  }
0x18a: {  	[tilespmem:s12], [sflag:$0x6] =	stream.indirect_vreg.gather [hbm4b:s1+s3], $0x80, v7, vm0, $0xb8;
	[tilespmem:$0x18380] =	vst v63  }
0x18b: {  	s13 =	simm.s32 $0xFB80;
	s9 =	sshrl.u32 s18, $0x3  }
0x18c: {  	[tilespmem:s13], [sflag:$0x6] =	stream.indirect_vreg.gather [hbm4b:s1+s3], $0x80, v6, vm0, $0xb8;
	[tilespmem:$0x18380] =	vst v63  }
0x18d: {  	s29 =	sand.u32 $0xFFFFFFF8, s28;
	s25 =	sadd.s32 s4, s9;
	s13 =	sxor.u32 $0x80000000, s6  }
0x18e: {  	[tilespmem:s30], [sflag:$0x4] =	stream.linear.gather [hbm4b:s25+s3], $0x80, $0x38;
	[tilespmem:$0x18380] =	vst v63  }
0x18f: {  	s30 =	ssub.s32 s13, s29  }
0x190: {  	s6 =	sadd.s32 $0x7F, s30  }
0x191: {  	s6 =	sshra.s32 s6, $0x7  }
0x192: {  	s6 =	sadd.s32 $0x1, s6  }
0x193: {  	s31 =	sshra.s32 s6, $0x1  }
0x194: {  	p0 =	slt.s32 s31, $0x1  }
.Ltmp3:
0x195: {  	_ = 	snop;
	(pc) =	sbr.rel @p0 .LBB2_10-.Ltmp3, $3  }
0x196: {  	_ =	sdelay $0x1  }
0x197: {  	[dreg:$0xc] =	wrdreg s18  }
0x198: {  	[dreg:$0xd] =	wrdreg s31  }
0x199: {  	s4 =	sadd.s32 $0x80000200, s5  }
0x19a: {  	s31 =	sadd.s32 $0x80000280, s5;
	[dreg:$0xe] =	wrdreg s4  }
0x19b: {  	s12 =	simm.s32 $0x0;
	[dreg:$0xf] =	wrdreg s31  }
.LBB2_5:
0x19c: {  	s4 =	simm.s32 $0x5  }
0x19d: {  	_ =	swait.ge [sflag:s4], $0x8000  }
0x19e: {  	[sflag:s4] =	ssyncset.done $0x0  }
0x19f: {  	s31 =	simm.s32 $0x1;
	[sflag:s4] =	ssyncadd.s32 $0xFFFF8000  }
0x1a0: {  	_ =	swait.ge [sflag:s31], $0x80  }
0x1a1: {  	[sflag:s31] =	ssyncset.done $0x0  }
0x1a2: {  	[sflag:s31] =	ssyncadd.s32 $0xFFFFFF80  }
0x1a3: {  	_ =	swait.ge [sflag:s31], $0x80  }
0x1a4: {  	s30 =	sshll.u32 s12, $0x8;
	[sflag:s31] =	ssyncset.done $0x0  }
0x1a5: {  	s18 =	simm.s32 $0xFFFFFFF8;
	s25 =	simm.s32 $0x780;
	[sflag:s31] =	ssyncadd.s32 $0xFFFFFF80  }
.LBB2_6:
0x1a6: {  	v8 =	vld [tilespmem:s25+$0xFFFFFC00]  }
0x1a7: {  	v9 =	vld [tilespmem:s25+$0xFFFFFC10]  }
0x1a8: {  	v10 =	vld [tilespmem:s25+$0xFFFFFC20]  }
0x1a9: {  	v11 =	vld [tilespmem:s25+$0xFFFFFC30]  }
0x1aa: {  	v13 =	vld [tilespmem:s25+$0xFFFFFC40]  }
0x1ab: {  	v15 =	vld [tilespmem:s25+$0xFFFFFC50]  }
0x1ac: {  	v16 =	vld [tilespmem:s25+$0xFFFFFC60]  }
0x1ad: {  	v17 =	vld [tilespmem:s25+$0xFFFFFC70]  }
0x1ae: {  	v18 =	vld [tilespmem:s25+$0x0]  }
0x1af: {  	v19 =	vld [tilespmem:s25+$0x10]  }
0x1b0: {  	v20 =	vld [tilespmem:s25+$0x20]  }
0x1b1: {  	s9 =	sadd.s32 $0x8, s18;
	v21 =	vld [tilespmem:s25+$0x30]  }
0x1b2: {  	v22 =	vld [tilespmem:s25+$0x40];
	s6 =	sand.u32 $0x70, s9  }
0x1b3: {  	v6 =	vld [tilespmem:s6+$0x280]  }
0x1b4: {  	v7 =	vld [tilespmem:s6+$0x180]  }
0x1b5: {  	v23 =	vld [tilespmem:s25+$0x50];
	s5 =	sand.u32 $0x8, s9  }
0x1b6: {  	v24 =	vld [tilespmem:s25+$0x60];
	v12 =	vmov s5;
	s5 =	sadd.s32 s18, s29  }
0x1b7: {  	v25 =	vld [tilespmem:s25+$0x70];
	s4 =	sadd.s32 $0x8, s5  }
0x1b8: {  	s31 =	simm.f32 $1.000000000e+00;
	v30 =	vld [tilespmem:s25+$0xFFFFFC80];
	p0 =	slt.s32 s4, s13  }
0x1b9: {  	v31 =	vld [tilespmem:s25+$0xFFFFFC90];
	p1 =	sge.s32 s4, s28;
	s31 =	simm.s32 @!p0 $0x0;
	v14 =	vperm.xlane v7, v12;
	v12 =	vperm.xlane v6, v12  }
0x1ba: {  	v32 =	vld [tilespmem:s25+$0xFFFFFCA0];
	s31 =	simm.s32 @!p1 $0x0  }
0x1bb: {  	v33 =	vld [tilespmem:s25+$0xFFFFFCB0];
	v12 =	vmul.f32 s31, v12  }
0x1bc: {  	v35 =	vld [tilespmem:s25+$0xFFFFFCC0]  }
0x1bd: {  	v37 =	vld [tilespmem:s25+$0xFFFFFCD0];
	v8 =	vmul.f32 v8, v12  }
0x1be: {  	v38 =	vld [tilespmem:s25+$0xFFFFFCE0];
	v9 =	vmul.f32 v9, v12;
	v62 =	vmul.f32 v10, v12  }
0x1bf: {  	v39 =	vld [tilespmem:s25+$0xFFFFFCF0];
	v63 =	vmul.f32 v11, v12;
	v13 =	vmul.f32 v13, v12  }
0x1c0: {  	v40 =	vld [tilespmem:s25+$0x80];
	v15 =	vmul.f32 v15, v12;
	v16 =	vmul.f32 v16, v12  }
0x1c1: {  	v41 =	vld [tilespmem:s25+$0x90];
	s31 =	sadd.s32 $0x9, s18;
	v17 =	vmul.f32 v17, v12;
	v18 =	vmul.f32 v18, v12  }
0x1c2: {  	v42 =	vld [tilespmem:s25+$0xA0];
	s4 =	sand.u32 $0x9, s31;
	v19 =	vmul.f32 v19, v12;
	v20 =	vmul.f32 v20, v12  }
0x1c3: {  	v43 =	vld [tilespmem:s25+$0xB0];
	v21 =	vmul.f32 v21, v12;
	v26 =	vmul.f32 v22, v12;
	v34 =	vmov s4;
	s4 =	sadd.s32 $0x9, s5  }
0x1c4: {  	v44 =	vld [tilespmem:s25+$0xC0];
	s31 =	simm.f32 $1.000000000e+00;
	v27 =	vmul.f32 v23, v12;
	v28 =	vmul.f32 v24, v12;
	p0 =	slt.s32 s4, s13  }
0x1c5: {  	v45 =	vld [tilespmem:s25+$0xD0];
	v29 =	vmul.f32 v25, v12;
	p1 =	sge.s32 s4, s28;
	v12 =	vperm.xlane v6, v34;
	s31 =	simm.s32 @!p0 $0x0  }
0x1c6: {  	v46 =	vld [tilespmem:s25+$0xE0];
	s31 =	simm.s32 @!p1 $0x0  }
0x1c7: {  	v47 =	vld [tilespmem:s25+$0xF0];
	v12 =	vmul.f32 s31, v12  }
0x1c8: {  	v36 =	vperm.xlane v7, v34;
	v34 =	vld [tilespmem:s25+$0xFFFFFD60]  }
0x1c9: {  	v14 =	vsub.s32 v14, v0;
	v49 =	vmul.f32 v33, v12;
	v33 =	vld [tilespmem:s25+$0xFFFFFD50]  }
0x1ca: {  	vm1 =	vgt.s32 v14, $0x0;
	v50 =	vmul.f32 v35, v12;
	v35 =	vld [tilespmem:s25+$0xFFFFFD70]  }
0x1cb: {  	v14 =	vnsel vm1, $0x0, v14;
	v51 =	vmul.f32 v37, v12;
	v37 =	vld [tilespmem:s25+$0x110]  }
0x1cc: {  	v14 =	vmin.u32 v14, $0x7F00;
	v52 =	vmul.f32 v38, v12;
	v38 =	vld [tilespmem:s25+$0x120]  }
0x1cd: {  	v14 =	vadd.s32 v1, v14;
	v53 =	vmul.f32 v39, v12;
	v39 =	vld [tilespmem:s25+$0x130]  }
0x1ce: {  	v54 =	vmul.f32 v40, v12;
	v40 =	vld [tilespmem:s25+$0x140]  }
0x1cf: {  	v55 =	vmul.f32 v41, v12;
	v41 =	vld [tilespmem:s25+$0x150]  }
0x1d0: {  	v56 =	vmul.f32 v42, v12;
	v42 =	vld [tilespmem:s25+$0x160]  }
0x1d1: {  	v48 =	vmul.f32 v32, v12;
	v57 =	vmul.f32 v43, v12;
	v43 =	vld [tilespmem:s25+$0x170]  }
0x1d2: {  	s31 =	sadd.s32 $0xA, s18;
	v58 =	vmul.f32 v44, v12;
	v59 =	vmul.f32 v45, v12;
	[tilespmem:v14+s0+$0x0] =	vst.idx.add.f32.msk $0xffff, v8  }
0x1d3: {  	s4 =	sand.u32 $0xA, s31;
	v60 =	vmul.f32 v46, v12;
	v61 =	vmul.f32 v47, v12;
	[tilespmem:v14+s2+$0x0] =	vst.idx.add.f32.msk $0xffff, v9  }
0x1d4: {  	v8 =	vmul.f32 v30, v12;
	v30 =	vmov s4;
	v9 =	vmul.f32 v31, v12;
	v31 =	vld [tilespmem:s25+$0xFFFFFD40]  }
0x1d5: {  	v32 =	vperm.xlane v7, v30;
	v12 =	vperm.xlane v6, v30;
	v30 =	vld [tilespmem:s25+$0xFFFFFDF0]  }
0x1d6: {  	[tilespmem:v14+s7+$0x0] =	vst.idx.add.f32.msk $0xffff, v62  }
0x1d7: {  	v62 =	vld [tilespmem:s25+$0xFFFFFD00]  }
0x1d8: {  	[tilespmem:v14+s8+$0x0] =	vst.idx.add.f32.msk $0xffff, v63  }
0x1d9: {  	[tilespmem:v14+s10+$0x0] =	vst.idx.add.f32.msk $0xffff, v13  }
0x1da: {  	[tilespmem:v14+s11+$0x0] =	vst.idx.add.f32.msk $0xffff, v15  }
0x1db: {  	[tilespmem:v14+s14+$0x0] =	vst.idx.add.f32.msk $0xffff, v16  }
0x1dc: {  	[tilespmem:v14+s15+$0x0] =	vst.idx.add.f32.msk $0xffff, v17  }
0x1dd: {  	[tilespmem:v14+s16+$0x0] =	vst.idx.add.f32.msk $0xffff, v18  }
0x1de: {  	[tilespmem:v14+s17+$0x0] =	vst.idx.add.f32.msk $0xffff, v19  }
0x1df: {  	[tilespmem:v14+s19+$0x0] =	vst.idx.add.f32.msk $0xffff, v20  }
0x1e0: {  	[tilespmem:v14+s20+$0x0] =	vst.idx.add.f32.msk $0xffff, v21  }
0x1e1: {  	[tilespmem:v14+s21+$0x0] =	vst.idx.add.f32.msk $0xffff, v26  }
0x1e2: {  	s4 =	sadd.s32 $0xA, s5;
	[tilespmem:v14+s22+$0x0] =	vst.idx.add.f32.msk $0xffff, v27  }
0x1e3: {  	s31 =	simm.f32 $1.000000000e+00;
	p0 =	slt.s32 s4, s13;
	[tilespmem:v14+s23+$0x0] =	vst.idx.add.f32.msk $0xffff, v28  }
0x1e4: {  	p1 =	sge.s32 s4, s28;
	s31 =	simm.s32 @!p0 $0x0;
	[tilespmem:v14+s24+$0x0] =	vst.idx.add.f32.msk $0xffff, v29;
	v14 =	vsub.s32 v36, v0  }
0x1e5: {  	v63 =	vld [tilespmem:s25+$0xFFFFFD10];
	s31 =	simm.s32 @!p1 $0x0;
	vm1 =	vgt.s32 v14, $0x0  }
0x1e6: {  	v12 =	vmul.f32 s31, v12;
	v28 =	vld [tilespmem:s25+$0xFFFFFD20];
	v14 =	vnsel vm1, $0x0, v14  }
0x1e7: {  	v29 =	vld [tilespmem:s25+$0xFFFFFD30];
	v14 =	vmin.u32 v14, $0x7F00  }
0x1e8: {  	v46 =	vmul.f32 v31, v12;
	v31 =	vld [tilespmem:s25+$0x180];
	v14 =	vadd.s32 v1, v14  }
0x1e9: {  	v47 =	vmul.f32 v33, v12;
	v33 =	vld [tilespmem:s25+$0x1A0]  }
0x1ea: {  	v36 =	vld [tilespmem:s25+$0x100]  }
0x1eb: {  	v44 =	vmul.f32 v28, v12;
	v28 =	vld [tilespmem:s25+$0xFFFFFDD0]  }
0x1ec: {  	v45 =	vmul.f32 v29, v12;
	v29 =	vld [tilespmem:s25+$0xFFFFFDE0]  }
0x1ed: {  	[tilespmem:v14+s0+$0x0] =	vst.idx.add.f32.msk $0xffff, v8  }
0x1ee: {  	[tilespmem:v14+s2+$0x0] =	vst.idx.add.f32.msk $0xffff, v9  }
0x1ef: {  	v9 =	vmul.f32 v63, v12;
	v63 =	vld [tilespmem:s25+$0xFFFFFDC0]  }
0x1f0: {  	[tilespmem:v14+s7+$0x0] =	vst.idx.add.f32.msk $0xffff, v48  }
0x1f1: {  	v48 =	vmul.f32 v34, v12;
	v34 =	vld [tilespmem:s25+$0x1B0]  }
0x1f2: {  	[tilespmem:v14+s8+$0x0] =	vst.idx.add.f32.msk $0xffff, v49  }
0x1f3: {  	v49 =	vmul.f32 v35, v12;
	v35 =	vld [tilespmem:s25+$0x1C0]  }
0x1f4: {  	[tilespmem:v14+s10+$0x0] =	vst.idx.add.f32.msk $0xffff, v50  }
0x1f5: {  	v50 =	vmul.f32 v36, v12;
	v36 =	vld [tilespmem:s25+$0x1D0]  }
0x1f6: {  	[tilespmem:v14+s11+$0x0] =	vst.idx.add.f32.msk $0xffff, v51  }
0x1f7: {  	v51 =	vmul.f32 v37, v12;
	v37 =	vld [tilespmem:s25+$0x1E0]  }
0x1f8: {  	[tilespmem:v14+s14+$0x0] =	vst.idx.add.f32.msk $0xffff, v52  }
0x1f9: {  	s31 =	sadd.s32 $0xB, s18;
	v52 =	vmul.f32 v38, v12;
	v38 =	vld [tilespmem:s25+$0x1F0]  }
0x1fa: {  	s4 =	sand.u32 $0xB, s31;
	[tilespmem:v14+s15+$0x0] =	vst.idx.add.f32.msk $0xffff, v53  }
0x1fb: {  	v8 =	vmul.f32 v62, v12;
	v62 =	vmov s4;
	[tilespmem:v14+s16+$0x0] =	vst.idx.add.f32.msk $0xffff, v54  }
0x1fc: {  	v27 =	vperm.xlane v7, v62;
	[tilespmem:v14+s17+$0x0] =	vst.idx.add.f32.msk $0xffff, v55  }
0x1fd: {  	v53 =	vmul.f32 v39, v12;
	v54 =	vmul.f32 v40, v12;
	[tilespmem:v14+s19+$0x0] =	vst.idx.add.f32.msk $0xffff, v56  }
0x1fe: {  	v55 =	vmul.f32 v41, v12;
	v56 =	vmul.f32 v42, v12;
	[tilespmem:v14+s20+$0x0] =	vst.idx.add.f32.msk $0xffff, v57  }
0x1ff: {  	v57 =	vmul.f32 v43, v12;
	v12 =	vperm.xlane v6, v62;
	v62 =	vld [tilespmem:s25+$0xFFFFFE70]  }
0x200: {  	[tilespmem:v14+s21+$0x0] =	vst.idx.add.f32.msk $0xffff, v58  }
0x201: {  	v58 =	vld [tilespmem:s25+$0xFFFFFD80]  }
0x202: {  	[tilespmem:v14+s22+$0x0] =	vst.idx.add.f32.msk $0xffff, v59  }
0x203: {  	s4 =	sadd.s32 $0xB, s5;
	v59 =	vld [tilespmem:s25+$0xFFFFFD90]  }
0x204: {  	s31 =	simm.f32 $1.000000000e+00;
	p0 =	slt.s32 s4, s13;
	[tilespmem:v14+s23+$0x0] =	vst.idx.add.f32.msk $0xffff, v60  }
0x205: {  	p1 =	sge.s32 s4, s28;
	s31 =	simm.s32 @!p0 $0x0;
	[tilespmem:v14+s24+$0x0] =	vst.idx.add.f32.msk $0xffff, v61;
	v14 =	vsub.s32 v32, v0  }
0x206: {  	s31 =	simm.s32 @!p1 $0x0;
	v60 =	vld [tilespmem:s25+$0xFFFFFDA0];
	vm1 =	vgt.s32 v14, $0x0  }
0x207: {  	v12 =	vmul.f32 s31, v12;
	v61 =	vld [tilespmem:s25+$0xFFFFFDB0];
	v14 =	vnsel vm1, $0x0, v14  }
0x208: {  	v32 =	vld [tilespmem:s25+$0x190];
	v14 =	vmin.u32 v14, $0x7F00  }
0x209: {  	v41 =	vmul.f32 v63, v12;
	v63 =	vld [tilespmem:s25+$0x200];
	v14 =	vadd.s32 v1, v14  }
0x20a: {  	v42 =	vmul.f32 v28, v12;
	v28 =	vld [tilespmem:s25+$0x210]  }
0x20b: {  	v43 =	vmul.f32 v29, v12;
	v29 =	vld [tilespmem:s25+$0x220]  }
0x20c: {  	v39 =	vmul.f32 v60, v12;
	v60 =	vld [tilespmem:s25+$0xFFFFFE50]  }
0x20d: {  	v40 =	vmul.f32 v61, v12;
	v61 =	vld [tilespmem:s25+$0xFFFFFE60]  }
0x20e: {  	[tilespmem:v14+s0+$0x0] =	vst.idx.add.f32.msk $0xffff, v8  }
0x20f: {  	v8 =	vmul.f32 v58, v12;
	v58 =	vld [tilespmem:s25+$0xFFFFFE40]  }
0x210: {  	[tilespmem:v14+s2+$0x0] =	vst.idx.add.f32.msk $0xffff, v9  }
0x211: {  	[tilespmem:v14+s7+$0x0] =	vst.idx.add.f32.msk $0xffff, v44  }
0x212: {  	v44 =	vmul.f32 v30, v12;
	v30 =	vld [tilespmem:s25+$0x230]  }
0x213: {  	[tilespmem:v14+s8+$0x0] =	vst.idx.add.f32.msk $0xffff, v45  }
0x214: {  	v45 =	vmul.f32 v31, v12;
	v31 =	vld [tilespmem:s25+$0x240]  }
0x215: {  	[tilespmem:v14+s10+$0x0] =	vst.idx.add.f32.msk $0xffff, v46  }
0x216: {  	v46 =	vmul.f32 v32, v12;
	v32 =	vld [tilespmem:s25+$0x250]  }
0x217: {  	[tilespmem:v14+s11+$0x0] =	vst.idx.add.f32.msk $0xffff, v47  }
0x218: {  	v47 =	vmul.f32 v33, v12;
	v33 =	vld [tilespmem:s25+$0x260]  }
0x219: {  	[tilespmem:v14+s14+$0x0] =	vst.idx.add.f32.msk $0xffff, v48  }
0x21a: {  	v48 =	vmul.f32 v34, v12;
	v34 =	vld [tilespmem:s25+$0x270]  }
0x21b: {  	[tilespmem:v14+s15+$0x0] =	vst.idx.add.f32.msk $0xffff, v49  }
0x21c: {  	[tilespmem:v14+s16+$0x0] =	vst.idx.add.f32.msk $0xffff, v50  }
0x21d: {  	[tilespmem:v14+s17+$0x0] =	vst.idx.add.f32.msk $0xffff, v51  }
0x21e: {  	[tilespmem:v14+s19+$0x0] =	vst.idx.add.f32.msk $0xffff, v52  }
0x21f: {  	[tilespmem:v14+s20+$0x0] =	vst.idx.add.f32.msk $0xffff, v53  }
0x220: {  	[tilespmem:v14+s21+$0x0] =	vst.idx.add.f32.msk $0xffff, v54  }
0x221: {  	s31 =	sadd.s32 $0xC, s18;
	[tilespmem:v14+s22+$0x0] =	vst.idx.add.f32.msk $0xffff, v55  }
0x222: {  	s4 =	sand.u32 $0xC, s31;
	v9 =	vmul.f32 v59, v12;
	[tilespmem:v14+s23+$0x0] =	vst.idx.add.f32.msk $0xffff, v56  }
0x223: {  	v49 =	vmul.f32 v35, v12;
	[tilespmem:v14+s24+$0x0] =	vst.idx.add.f32.msk $0xffff, v57;
	v14 =	vsub.s32 v27, v0;
	v57 =	vmov s4;
	s4 =	sadd.s32 $0xC, s5  }
0x224: {  	s31 =	simm.f32 $1.000000000e+00;
	v50 =	vmul.f32 v36, v12;
	v51 =	vmul.f32 v37, v12;
	v56 =	vld [tilespmem:s25+$0xFFFFFE30];
	vm1 =	vgt.s32 v14, $0x0;
	p0 =	slt.s32 s4, s13  }
0x225: {  	v52 =	vmul.f32 v38, v12;
	v53 =	vld [tilespmem:s25+$0xFFFFFE00];
	p1 =	sge.s32 s4, s28;
	v12 =	vperm.xlane v6, v57;
	v14 =	vnsel vm1, $0x0, v14;
	s31 =	simm.s32 @!p0 $0x0  }
0x226: {  	v54 =	vld [tilespmem:s25+$0xFFFFFE10];
	v14 =	vmin.u32 v14, $0x7F00;
	s31 =	simm.s32 @!p1 $0x0  }
0x227: {  	v55 =	vld [tilespmem:s25+$0xFFFFFE20];
	v14 =	vadd.s32 v1, v14;
	v12 =	vmul.f32 s31, v12  }
0x228: {  	v59 =	vperm.xlane v7, v57;
	v57 =	vld [tilespmem:s25+$0xFFFFFEE0]  }
0x229: {  	v36 =	vmul.f32 v56, v12;
	v56 =	vld [tilespmem:s25+$0xFFFFFED0]  }
0x22a: {  	v37 =	vmul.f32 v58, v12;
	v58 =	vld [tilespmem:s25+$0xFFFFFEF0]  }
0x22b: {  	v38 =	vmul.f32 v60, v12;
	v60 =	vld [tilespmem:s25+$0x290]  }
0x22c: {  	[tilespmem:v14+s0+$0x0] =	vst.idx.add.f32.msk $0xffff, v8  }
0x22d: {  	[tilespmem:v14+s2+$0x0] =	vst.idx.add.f32.msk $0xffff, v9  }
0x22e: {  	v9 =	vmul.f32 v54, v12;
	v54 =	vld [tilespmem:s25+$0xFFFFFEC0]  }
0x22f: {  	[tilespmem:v14+s7+$0x0] =	vst.idx.add.f32.msk $0xffff, v39  }
0x230: {  	v39 =	vmul.f32 v61, v12;
	v61 =	vld [tilespmem:s25+$0x2A0]  }
0x231: {  	[tilespmem:v14+s8+$0x0] =	vst.idx.add.f32.msk $0xffff, v40  }
0x232: {  	v40 =	vmul.f32 v62, v12;
	v62 =	vld [tilespmem:s25+$0x2B0]  }
0x233: {  	[tilespmem:v14+s10+$0x0] =	vst.idx.add.f32.msk $0xffff, v41  }
0x234: {  	v41 =	vmul.f32 v63, v12;
	v63 =	vld [tilespmem:s25+$0x2C0]  }
0x235: {  	[tilespmem:v14+s11+$0x0] =	vst.idx.add.f32.msk $0xffff, v42  }
0x236: {  	v42 =	vmul.f32 v28, v12;
	v28 =	vld [tilespmem:s25+$0x2D0]  }
0x237: {  	[tilespmem:v14+s14+$0x0] =	vst.idx.add.f32.msk $0xffff, v43  }
0x238: {  	v43 =	vmul.f32 v29, v12;
	v29 =	vld [tilespmem:s25+$0x2E0]  }
0x239: {  	[tilespmem:v14+s15+$0x0] =	vst.idx.add.f32.msk $0xffff, v44  }
0x23a: {  	s31 =	sadd.s32 $0xD, s18;
	v44 =	vmul.f32 v30, v12;
	v30 =	vld [tilespmem:s25+$0x2F0]  }
0x23b: {  	s4 =	sand.u32 $0xD, s31;
	[tilespmem:v14+s16+$0x0] =	vst.idx.add.f32.msk $0xffff, v45  }
0x23c: {  	v35 =	vmul.f32 v55, v12;
	v8 =	vmul.f32 v53, v12;
	v53 =	vmov s4;
	[tilespmem:v14+s17+$0x0] =	vst.idx.add.f32.msk $0xffff, v46  }
0x23d: {  	v55 =	vperm.xlane v7, v53;
	v45 =	vmul.f32 v31, v12;
	[tilespmem:v14+s19+$0x0] =	vst.idx.add.f32.msk $0xffff, v47  }
0x23e: {  	v46 =	vmul.f32 v32, v12;
	v47 =	vmul.f32 v33, v12;
	[tilespmem:v14+s20+$0x0] =	vst.idx.add.f32.msk $0xffff, v48  }
0x23f: {  	v48 =	vmul.f32 v34, v12;
	v12 =	vperm.xlane v6, v53;
	v53 =	vld [tilespmem:s25+$0xFFFFFF70]  }
0x240: {  	[tilespmem:v14+s21+$0x0] =	vst.idx.add.f32.msk $0xffff, v49  }
0x241: {  	v49 =	vld [tilespmem:s25+$0xFFFFFE80]  }
0x242: {  	[tilespmem:v14+s22+$0x0] =	vst.idx.add.f32.msk $0xffff, v50  }
0x243: {  	s4 =	sadd.s32 $0xD, s5;
	[tilespmem:v14+s23+$0x0] =	vst.idx.add.f32.msk $0xffff, v51  }
0x244: {  	s31 =	simm.f32 $1.000000000e+00;
	p0 =	slt.s32 s4, s13;
	[tilespmem:v14+s24+$0x0] =	vst.idx.add.f32.msk $0xffff, v52;
	v14 =	vsub.s32 v59, v0  }
0x245: {  	p1 =	sge.s32 s4, s28;
	s31 =	simm.s32 @!p0 $0x0;
	v50 =	vld [tilespmem:s25+$0xFFFFFE90];
	vm1 =	vgt.s32 v14, $0x0  }
0x246: {  	s31 =	simm.s32 @!p1 $0x0;
	v51 =	vld [tilespmem:s25+$0xFFFFFEA0];
	v14 =	vnsel vm1, $0x0, v14  }
0x247: {  	v12 =	vmul.f32 s31, v12;
	v52 =	vld [tilespmem:s25+$0xFFFFFEB0];
	v14 =	vmin.u32 v14, $0x7F00  }
0x248: {  	v59 =	vld [tilespmem:s25+$0x280];
	v14 =	vadd.s32 v1, v14  }
0x249: {  	v33 =	vmul.f32 v54, v12;
	v54 =	vld [tilespmem:s25+$0x300]  }
0x24a: {  	v34 =	vmul.f32 v56, v12;
	v56 =	vld [tilespmem:s25+$0x320]  }
0x24b: {  	v31 =	vmul.f32 v51, v12;
	v51 =	vld [tilespmem:s25+$0xFFFFFF50]  }
0x24c: {  	v32 =	vmul.f32 v52, v12;
	v52 =	vld [tilespmem:s25+$0xFFFFFF60]  }
0x24d: {  	s31 =	sadd.s32 $0xE, s18;
	[tilespmem:v14+s0+$0x0] =	vst.idx.add.f32.msk $0xffff, v8  }
0x24e: {  	s4 =	sand.u32 $0xE, s31;
	[tilespmem:v14+s2+$0x0] =	vst.idx.add.f32.msk $0xffff, v9  }
0x24f: {  	v8 =	vmul.f32 v49, v12;
	v49 =	vmov s4;
	v9 =	vmul.f32 v50, v12;
	v50 =	vld [tilespmem:s25+$0xFFFFFF40]  }
0x250: {  	v7 =	vperm.xlane v7, v49;
	v6 =	vperm.xlane v6, v49;
	v49 =	vld [tilespmem:s25+$0x3E0]  }
0x251: {  	[tilespmem:v14+s7+$0x0] =	vst.idx.add.f32.msk $0xffff, v35  }
0x252: {  	v35 =	vmul.f32 v57, v12;
	v57 =	vld [tilespmem:s25+$0x330]  }
0x253: {  	[tilespmem:v14+s8+$0x0] =	vst.idx.add.f32.msk $0xffff, v36  }
0x254: {  	v36 =	vmul.f32 v58, v12;
	v58 =	vld [tilespmem:s25+$0x340]  }
0x255: {  	[tilespmem:v14+s10+$0x0] =	vst.idx.add.f32.msk $0xffff, v37  }
0x256: {  	v37 =	vmul.f32 v59, v12;
	v59 =	vld [tilespmem:s25+$0x350]  }
0x257: {  	[tilespmem:v14+s11+$0x0] =	vst.idx.add.f32.msk $0xffff, v38  }
0x258: {  	v38 =	vmul.f32 v60, v12;
	v60 =	vld [tilespmem:s25+$0x360]  }
0x259: {  	[tilespmem:v14+s14+$0x0] =	vst.idx.add.f32.msk $0xffff, v39  }
0x25a: {  	v39 =	vmul.f32 v61, v12;
	v61 =	vld [tilespmem:s25+$0x370]  }
0x25b: {  	[tilespmem:v14+s15+$0x0] =	vst.idx.add.f32.msk $0xffff, v40  }
0x25c: {  	[tilespmem:v14+s16+$0x0] =	vst.idx.add.f32.msk $0xffff, v41  }
0x25d: {  	[tilespmem:v14+s17+$0x0] =	vst.idx.add.f32.msk $0xffff, v42  }
0x25e: {  	s4 =	sadd.s32 $0xE, s5;
	[tilespmem:v14+s19+$0x0] =	vst.idx.add.f32.msk $0xffff, v43  }
0x25f: {  	s31 =	simm.f32 $1.000000000e+00;
	p0 =	slt.s32 s4, s13;
	[tilespmem:v14+s20+$0x0] =	vst.idx.add.f32.msk $0xffff, v44  }
0x260: {  	p1 =	sge.s32 s4, s28;
	s31 =	simm.s32 @!p0 $0x0;
	[tilespmem:v14+s21+$0x0] =	vst.idx.add.f32.msk $0xffff, v45  }
0x261: {  	s31 =	simm.s32 @!p1 $0x0;
	[tilespmem:v14+s22+$0x0] =	vst.idx.add.f32.msk $0xffff, v46  }
0x262: {  	v6 =	vmul.f32 s31, v6;
	[tilespmem:v14+s23+$0x0] =	vst.idx.add.f32.msk $0xffff, v47  }
0x263: {  	[tilespmem:v14+s24+$0x0] =	vst.idx.add.f32.msk $0xffff, v48;
	v14 =	vsub.s32 v55, v0  }
0x264: {  	v13 =	vmul.f32 v50, v6;
	v50 =	vld [tilespmem:s25+$0x3F0];
	vm1 =	vgt.s32 v14, $0x0  }
0x265: {  	v47 =	vld [tilespmem:s25+$0xFFFFFF20];
	v14 =	vnsel vm1, $0x0, v14  }
0x266: {  	v48 =	vld [tilespmem:s25+$0xFFFFFF30];
	v14 =	vmin.u32 v14, $0x7F00  }
0x267: {  	v45 =	vld [tilespmem:s25+$0xFFFFFF00];
	v14 =	vadd.s32 v1, v14  }
0x268: {  	v7 =	vsub.s32 v7, v0;
	v46 =	vld [tilespmem:s25+$0xFFFFFF10]  }
0x269: {  	v55 =	vld [tilespmem:s25+$0x310];
	vm1 =	vgt.s32 v7, $0x0  }
0x26a: {  	v40 =	vmul.f32 v62, v12;
	v7 =	vnsel vm1, $0x0, v7;
	v62 =	vmul.f32 v47, v6;
	v47 =	vld [tilespmem:s25+$0x3C0]  }
0x26b: {  	v41 =	vmul.f32 v63, v12;
	v7 =	vmin.u32 v7, $0x7F00;
	v63 =	vmul.f32 v48, v6;
	v48 =	vld [tilespmem:s25+$0x3D0]  }
0x26c: {  	v7 =	vadd.s32 v1, v7;
	[tilespmem:v14+s0+$0x0] =	vst.idx.add.f32.msk $0xffff, v8  }
0x26d: {  	v8 =	vmul.f32 v45, v6;
	v45 =	vld [tilespmem:s25+$0x3A0]  }
0x26e: {  	[tilespmem:v14+s2+$0x0] =	vst.idx.add.f32.msk $0xffff, v9  }
0x26f: {  	v9 =	vmul.f32 v46, v6;
	v46 =	vld [tilespmem:s25+$0x3B0]  }
0x270: {  	[tilespmem:v14+s7+$0x0] =	vst.idx.add.f32.msk $0xffff, v31  }
0x271: {  	[tilespmem:v7+s0+$0x0] =	vst.idx.add.f32.msk $0xffff, v8  }
0x272: {  	[tilespmem:v14+s8+$0x0] =	vst.idx.add.f32.msk $0xffff, v32  }
0x273: {  	[tilespmem:v7+s2+$0x0] =	vst.idx.add.f32.msk $0xffff, v9  }
0x274: {  	[tilespmem:v14+s10+$0x0] =	vst.idx.add.f32.msk $0xffff, v33  }
0x275: {  	[tilespmem:v7+s7+$0x0] =	vst.idx.add.f32.msk $0xffff, v62  }
0x276: {  	[tilespmem:v14+s11+$0x0] =	vst.idx.add.f32.msk $0xffff, v34  }
0x277: {  	[tilespmem:v7+s8+$0x0] =	vst.idx.add.f32.msk $0xffff, v63  }
0x278: {  	v34 =	vld [tilespmem:s25+$0xFFFFFF80]  }
0x279: {  	[tilespmem:v14+s14+$0x0] =	vst.idx.add.f32.msk $0xffff, v35  }
0x27a: {  	[tilespmem:v7+s10+$0x0] =	vst.idx.add.f32.msk $0xffff, v13  }
0x27b: {  	v24 =	vmul.f32 v51, v6;
	v35 =	vld [tilespmem:s25+$0xFFFFFF90]  }
0x27c: {  	[tilespmem:v14+s15+$0x0] =	vst.idx.add.f32.msk $0xffff, v36  }
0x27d: {  	[tilespmem:v7+s11+$0x0] =	vst.idx.add.f32.msk $0xffff, v24  }
0x27e: {  	v25 =	vmul.f32 v52, v6;
	v36 =	vld [tilespmem:s25+$0xFFFFFFA0]  }
0x27f: {  	v26 =	vmul.f32 v53, v6;
	[tilespmem:v14+s16+$0x0] =	vst.idx.add.f32.msk $0xffff, v37  }
0x280: {  	v27 =	vmul.f32 v54, v6;
	[tilespmem:v7+s14+$0x0] =	vst.idx.add.f32.msk $0xffff, v25  }
0x281: {  	v42 =	vmul.f32 v28, v12;
	v28 =	vmul.f32 v55, v6;
	[tilespmem:v7+s15+$0x0] =	vst.idx.add.f32.msk $0xffff, v26  }
0x282: {  	v43 =	vmul.f32 v29, v12;
	v29 =	vmul.f32 v56, v6;
	[tilespmem:v7+s16+$0x0] =	vst.idx.add.f32.msk $0xffff, v27  }
0x283: {  	v44 =	vmul.f32 v30, v12;
	v30 =	vmul.f32 v57, v6;
	[tilespmem:v7+s17+$0x0] =	vst.idx.add.f32.msk $0xffff, v28  }
0x284: {  	v31 =	vmul.f32 v58, v6;
	[tilespmem:v7+s19+$0x0] =	vst.idx.add.f32.msk $0xffff, v29  }
0x285: {  	v32 =	vmul.f32 v59, v6;
	[tilespmem:v7+s20+$0x0] =	vst.idx.add.f32.msk $0xffff, v30  }
0x286: {  	v33 =	vmul.f32 v60, v6;
	[tilespmem:v7+s21+$0x0] =	vst.idx.add.f32.msk $0xffff, v31  }
0x287: {  	v6 =	vmul.f32 v61, v6;
	[tilespmem:v7+s22+$0x0] =	vst.idx.add.f32.msk $0xffff, v32  }
0x288: {  	[tilespmem:v7+s23+$0x0] =	vst.idx.add.f32.msk $0xffff, v33  }
0x289: {  	[tilespmem:v7+s24+$0x0] =	vst.idx.add.f32.msk $0xffff, v6  }
0x28a: {  	v7 =	vld [tilespmem:s6+$0x180]  }
0x28b: {  	v37 =	vld [tilespmem:s25+$0xFFFFFFB0]  }
0x28c: {  	s18 =	sadd.s32 $0xFFFFFFFF, s18;
	[tilespmem:v14+s17+$0x0] =	vst.idx.add.f32.msk $0xffff, v38  }
0x28d: {  	s4 =	sand.u32 $0xF, s18;
	[tilespmem:v14+s19+$0x0] =	vst.idx.add.f32.msk $0xffff, v39  }
0x28e: {  	v38 =	vmov s4;
	v39 =	vld [tilespmem:s25+$0xFFFFFFC0]  }
0x28f: {  	v6 =	vld [tilespmem:s6+$0x280];
	v7 =	vperm.xlane v7, v38  }
0x290: {  	[tilespmem:v14+s20+$0x0] =	vst.idx.add.f32.msk $0xffff, v40  }
0x291: {  	v40 =	vld [tilespmem:s25+$0xFFFFFFD0];
	v7 =	vsub.s32 v7, v0  }
0x292: {  	s31 =	sadd.s32 $0xF, s5;
	[tilespmem:v14+s21+$0x0] =	vst.idx.add.f32.msk $0xffff, v41;
	vm1 =	vgt.s32 v7, $0x0  }
0x293: {  	s5 =	simm.f32 $1.000000000e+00;
	p0 =	slt.s32 s31, s13;
	v41 =	vld [tilespmem:s25+$0xFFFFFFE0];
	v7 =	vnsel vm1, $0x0, v7  }
0x294: {  	p1 =	sge.s32 s31, s28;
	s5 =	simm.s32 @!p0 $0x0;
	[tilespmem:v14+s22+$0x0] =	vst.idx.add.f32.msk $0xffff, v42;
	v6 =	vperm.xlane v6, v38;
	v7 =	vmin.u32 v7, $0x7F00  }
0x295: {  	s5 =	simm.s32 @!p1 $0x0;
	v42 =	vld [tilespmem:s25+$0xFFFFFFF0];
	v7 =	vadd.s32 v1, v7  }
0x296: {  	[tilespmem:v14+s23+$0x0] =	vst.idx.add.f32.msk $0xffff, v43;
	v6 =	vmul.f32 s5, v6  }
0x297: {  	v43 =	vld [tilespmem:s25+$0x380]  }
0x298: {  	[tilespmem:v14+s24+$0x0] =	vst.idx.add.f32.msk $0xffff, v44;
	v8 =	vmul.f32 v34, v6  }
0x299: {  	v44 =	vld [tilespmem:s25+$0x390];
	v9 =	vmul.f32 v35, v6  }
0x29a: {  	v51 =	vmul.f32 v36, v6;
	[tilespmem:v7+s0+$0x0] =	vst.idx.add.f32.msk $0xffff, v8  }
0x29b: {  	v52 =	vmul.f32 v37, v6;
	[tilespmem:v7+s2+$0x0] =	vst.idx.add.f32.msk $0xffff, v9  }
0x29c: {  	v53 =	vmul.f32 v39, v6;
	[tilespmem:v7+s7+$0x0] =	vst.idx.add.f32.msk $0xffff, v51  }
0x29d: {  	v54 =	vmul.f32 v40, v6;
	[tilespmem:v7+s8+$0x0] =	vst.idx.add.f32.msk $0xffff, v52  }
0x29e: {  	v55 =	vmul.f32 v41, v6;
	[tilespmem:v7+s10+$0x0] =	vst.idx.add.f32.msk $0xffff, v53  }
0x29f: {  	v56 =	vmul.f32 v42, v6;
	[tilespmem:v7+s11+$0x0] =	vst.idx.add.f32.msk $0xffff, v54  }
0x2a0: {  	v57 =	vmul.f32 v43, v6;
	[tilespmem:v7+s14+$0x0] =	vst.idx.add.f32.msk $0xffff, v55  }
0x2a1: {  	v58 =	vmul.f32 v44, v6;
	[tilespmem:v7+s15+$0x0] =	vst.idx.add.f32.msk $0xffff, v56  }
0x2a2: {  	v59 =	vmul.f32 v45, v6;
	[tilespmem:v7+s16+$0x0] =	vst.idx.add.f32.msk $0xffff, v57  }
0x2a3: {  	v60 =	vmul.f32 v46, v6;
	[tilespmem:v7+s17+$0x0] =	vst.idx.add.f32.msk $0xffff, v58  }
0x2a4: {  	p0 =	slt.u32 s9, $0x78;
	v61 =	vmul.f32 v47, v6;
	[tilespmem:v7+s19+$0x0] =	vst.idx.add.f32.msk $0xffff, v59  }
.Ltmp4:
0x2a5: {  	v62 =	vmul.f32 v48, v6;
	[tilespmem:v7+s20+$0x0] =	vst.idx.add.f32.msk $0xffff, v60;
	(pc) =	sbr.rel @p0 .LBB2_6-.Ltmp4, $4  }
0x2a6: {  	v63 =	vmul.f32 v49, v6;
	[tilespmem:v7+s21+$0x0] =	vst.idx.add.f32.msk $0xffff, v61  }
0x2a7: {  	v6 =	vmul.f32 v50, v6;
	[tilespmem:v7+s22+$0x0] =	vst.idx.add.f32.msk $0xffff, v62  }
0x2a8: {  	[tilespmem:v7+s23+$0x0] =	vst.idx.add.f32.msk $0xffff, v63  }
0x2a9: {  	s18 =	smov.u32 s9;
	s25 =	sadd.s32 $0x800, s25;
	[tilespmem:v7+s24+$0x0] =	vst.idx.add.f32.msk $0xffff, v6  }
0x2aa: {  	s4 =	rddreg [dreg:$0xb]  }
0x2ab: {  	s4 =	sadd.s32 s30, s4  }
0x2ac: {  	s5 =	rddreg [dreg:$0x4];
	s4 =	sshrl.u32 s4, $0x3  }
0x2ad: {  	s6 =	simm.s32 $0x180;
	s5 =	sadd.s32 s5, s4  }
0x2ae: {  	[tilespmem:s6], [sflag:$0x1] =	stream.linear.gather [hbm4b:s5+s3], $0x80, $0x38;
	[tilespmem:$0x18380] =	vst v63  }
0x2af: {  	s6 =	rddreg [dreg:$0x5]  }
0x2b0: {  	s9 =	simm.s32 $0x280;
	s18 =	simm.s32 $0x3;
	s4 =	sadd.s32 s6, s4  }
0x2b1: {  	[tilespmem:s9], [sflag:$0x1] =	stream.linear.gather [hbm4b:s4+s3], $0x80, $0x38;
	[tilespmem:$0x18380] =	vst v63  }
0x2b2: {  	_ =	swait.ge [sflag:s18], $0x80  }
0x2b3: {  	[sflag:s18] =	ssyncset.done $0x0  }
0x2b4: {  	[sflag:s18] =	ssyncadd.s32 $0xFFFFFF80  }
0x2b5: {  	v6 =	vld [tilespmem:$0x80];
	_ =	sdelay $0x4  }
0x2b6: {  	v7 =	vshll.u32 v6, $0x1  }
0x2b7: {  	v6 =	vand.u32 $0x7, v6;
	v7 =	vand.u32 $0xFFFFFFF0, v7  }
0x2b8: {  	v6 =	vor.u32 v6, v7  }
0x2b9: {  	v7 =	vperm.xlane v6, v3;
	_ =	sdelay $0x1  }
0x2ba: {  	v6 =	vperm.xlane v6, v5;
	v7 =	vadd.s32 v4, v7;
	_ =	sdelay $0x1  }
0x2bb: {  	v6 =	vadd.s32 v4, v6;
	_ =	sdelay $0x1  }
0x2bc: {  	s25 =	simm.s32 $0x380  }
0x2bd: {  	[tilespmem:s25], [sflag:$0x5] =	stream.indirect_vreg.gather [hbm4b:s1+s3], $0x80, v7, vm0, $0xb8;
	[tilespmem:$0x18380] =	vst v63  }
0x2be: {  	s31 =	simm.s32 $0xB80  }
0x2bf: {  	[tilespmem:s31], [sflag:$0x5] =	stream.indirect_vreg.gather [hbm4b:s1+s3], $0x80, v6, vm0, $0xb8;
	[tilespmem:$0x18380] =	vst v63  }
0x2c0: {  	v6 =	vld [tilespmem:$0x90];
	_ =	sdelay $0x4  }
0x2c1: {  	v7 =	vshll.u32 v6, $0x1  }
0x2c2: {  	v6 =	vand.u32 $0x7, v6;
	v7 =	vand.u32 $0xFFFFFFF0, v7  }
0x2c3: {  	v6 =	vor.u32 v6, v7  }
0x2c4: {  	v7 =	vperm.xlane v6, v3;
	_ =	sdelay $0x1  }
0x2c5: {  	v6 =	vperm.xlane v6, v5;
	v7 =	vadd.s32 v4, v7;
	_ =	sdelay $0x1  }
0x2c6: {  	v6 =	vadd.s32 v4, v6;
	_ =	sdelay $0x1  }
0x2c7: {  	s5 =	simm.s32 $0x1380  }
0x2c8: {  	[tilespmem:s5], [sflag:$0x5] =	stream.indirect_vreg.gather [hbm4b:s1+s3], $0x80, v7, vm0, $0xb8;
	[tilespmem:$0x18380] =	vst v63  }
0x2c9: {  	s6 =	simm.s32 $0x1B80  }
0x2ca: {  	[tilespmem:s6], [sflag:$0x5] =	stream.indirect_vreg.gather [hbm4b:s1+s3], $0x80, v6, vm0, $0xb8;
	[tilespmem:$0x18380] =	vst v63  }
0x2cb: {  	v6 =	vld [tilespmem:$0xA0];
	_ =	sdelay $0x4  }
0x2cc: {  	v7 =	vshll.u32 v6, $0x1  }
0x2cd: {  	v6 =	vand.u32 $0x7, v6;
	v7 =	vand.u32 $0xFFFFFFF0, v7  }
0x2ce: {  	v6 =	vor.u32 v6, v7  }
0x2cf: {  	v7 =	vperm.xlane v6, v3;
	_ =	sdelay $0x1  }
0x2d0: {  	v6 =	vperm.xlane v6, v5;
	v7 =	vadd.s32 v4, v7;
	_ =	sdelay $0x1  }
0x2d1: {  	v6 =	vadd.s32 v4, v6;
	_ =	sdelay $0x1  }
0x2d2: {  	s9 =	simm.s32 $0x2380  }
0x2d3: {  	[tilespmem:s9], [sflag:$0x5] =	stream.indirect_vreg.gather [hbm4b:s1+s3], $0x80, v7, vm0, $0xb8;
	[tilespmem:$0x18380] =	vst v63  }
0x2d4: {  	s18 =	simm.s32 $0x2B80  }
0x2d5: {  	[tilespmem:s18], [sflag:$0x5] =	stream.indirect_vreg.gather [hbm4b:s1+s3], $0x80, v6, vm0, $0xb8;
	[tilespmem:$0x18380] =	vst v63  }
0x2d6: {  	v6 =	vld [tilespmem:$0xB0];
	_ =	sdelay $0x4  }
0x2d7: {  	v7 =	vshll.u32 v6, $0x1  }
0x2d8: {  	v6 =	vand.u32 $0x7, v6;
	v7 =	vand.u32 $0xFFFFFFF0, v7  }
0x2d9: {  	v6 =	vor.u32 v6, v7  }
0x2da: {  	v7 =	vperm.xlane v6, v3;
	_ =	sdelay $0x1  }
0x2db: {  	v6 =	vperm.xlane v6, v5;
	v7 =	vadd.s32 v4, v7;
	_ =	sdelay $0x1  }
0x2dc: {  	v6 =	vadd.s32 v4, v6;
	_ =	sdelay $0x1  }
0x2dd: {  	s25 =	simm.s32 $0x3380  }
0x2de: {  	[tilespmem:s25], [sflag:$0x5] =	stream.indirect_vreg.gather [hbm4b:s1+s3], $0x80, v7, vm0, $0xb8;
	[tilespmem:$0x18380] =	vst v63  }
0x2df: {  	s31 =	simm.s32 $0x3B80  }
0x2e0: {  	[tilespmem:s31], [sflag:$0x5] =	stream.indirect_vreg.gather [hbm4b:s1+s3], $0x80, v6, vm0, $0xb8;
	[tilespmem:$0x18380] =	vst v63  }
0x2e1: {  	v6 =	vld [tilespmem:$0xC0];
	_ =	sdelay $0x4  }
0x2e2: {  	v7 =	vshll.u32 v6, $0x1  }
0x2e3: {  	v6 =	vand.u32 $0x7, v6;
	v7 =	vand.u32 $0xFFFFFFF0, v7  }
0x2e4: {  	v6 =	vor.u32 v6, v7  }
0x2e5: {  	v7 =	vperm.xlane v6, v3;
	_ =	sdelay $0x1  }
0x2e6: {  	v6 =	vperm.xlane v6, v5;
	v7 =	vadd.s32 v4, v7;
	_ =	sdelay $0x1  }
0x2e7: {  	v6 =	vadd.s32 v4, v6;
	_ =	sdelay $0x1  }
0x2e8: {  	s5 =	simm.s32 $0x4380  }
0x2e9: {  	[tilespmem:s5], [sflag:$0x5] =	stream.indirect_vreg.gather [hbm4b:s1+s3], $0x80, v7, vm0, $0xb8;
	[tilespmem:$0x18380] =	vst v63  }
0x2ea: {  	s6 =	simm.s32 $0x4B80  }
0x2eb: {  	[tilespmem:s6], [sflag:$0x5] =	stream.indirect_vreg.gather [hbm4b:s1+s3], $0x80, v6, vm0, $0xb8;
	[tilespmem:$0x18380] =	vst v63  }
0x2ec: {  	v6 =	vld [tilespmem:$0xD0];
	_ =	sdelay $0x4  }
0x2ed: {  	v7 =	vshll.u32 v6, $0x1  }
0x2ee: {  	v6 =	vand.u32 $0x7, v6;
	v7 =	vand.u32 $0xFFFFFFF0, v7  }
0x2ef: {  	v6 =	vor.u32 v6, v7  }
0x2f0: {  	v7 =	vperm.xlane v6, v3;
	_ =	sdelay $0x1  }
0x2f1: {  	v6 =	vperm.xlane v6, v5;
	v7 =	vadd.s32 v4, v7;
	_ =	sdelay $0x1  }
0x2f2: {  	v6 =	vadd.s32 v4, v6;
	_ =	sdelay $0x1  }
0x2f3: {  	s9 =	simm.s32 $0x5380  }
0x2f4: {  	[tilespmem:s9], [sflag:$0x5] =	stream.indirect_vreg.gather [hbm4b:s1+s3], $0x80, v7, vm0, $0xb8;
	[tilespmem:$0x18380] =	vst v63  }
0x2f5: {  	s18 =	simm.s32 $0x5B80  }
0x2f6: {  	[tilespmem:s18], [sflag:$0x5] =	stream.indirect_vreg.gather [hbm4b:s1+s3], $0x80, v6, vm0, $0xb8;
	[tilespmem:$0x18380] =	vst v63  }
0x2f7: {  	v6 =	vld [tilespmem:$0xE0];
	_ =	sdelay $0x4  }
0x2f8: {  	v7 =	vshll.u32 v6, $0x1  }
0x2f9: {  	v6 =	vand.u32 $0x7, v6;
	v7 =	vand.u32 $0xFFFFFFF0, v7  }
0x2fa: {  	v6 =	vor.u32 v6, v7  }
0x2fb: {  	v7 =	vperm.xlane v6, v3;
	_ =	sdelay $0x1  }
0x2fc: {  	v6 =	vperm.xlane v6, v5;
	v7 =	vadd.s32 v4, v7;
	_ =	sdelay $0x1  }
0x2fd: {  	v6 =	vadd.s32 v4, v6;
	_ =	sdelay $0x1  }
0x2fe: {  	s25 =	simm.s32 $0x6380  }
0x2ff: {  	[tilespmem:s25], [sflag:$0x5] =	stream.indirect_vreg.gather [hbm4b:s1+s3], $0x80, v7, vm0, $0xb8;
	[tilespmem:$0x18380] =	vst v63  }
0x300: {  	s31 =	simm.s32 $0x6B80  }
0x301: {  	[tilespmem:s31], [sflag:$0x5] =	stream.indirect_vreg.gather [hbm4b:s1+s3], $0x80, v6, vm0, $0xb8;
	[tilespmem:$0x18380] =	vst v63  }
0x302: {  	v6 =	vld [tilespmem:$0xF0];
	_ =	sdelay $0x4  }
0x303: {  	v7 =	vshll.u32 v6, $0x1  }
0x304: {  	v6 =	vand.u32 $0x7, v6;
	v7 =	vand.u32 $0xFFFFFFF0, v7  }
0x305: {  	v6 =	vor.u32 v6, v7  }
0x306: {  	v7 =	vperm.xlane v6, v3;
	_ =	sdelay $0x1  }
0x307: {  	v6 =	vperm.xlane v6, v5;
	v7 =	vadd.s32 v4, v7;
	_ =	sdelay $0x1  }
0x308: {  	v6 =	vadd.s32 v4, v6  }
0x309: {  	s9 =	rddreg [dreg:$0xe]  }
0x30a: {  	s5 =	simm.s32 $0x7380;
	s4 =	sadd.s32 s30, s9  }
0x30b: {  	[tilespmem:s5], [sflag:$0x5] =	stream.indirect_vreg.gather [hbm4b:s1+s3], $0x80, v7, vm0, $0xb8;
	[tilespmem:$0x18380] =	vst v63  }
0x30c: {  	s6 =	simm.s32 $0x7B80;
	s4 =	sshrl.u32 s4, $0x3;
	s18 =	rddreg [dreg:$0x3]  }
0x30d: {  	[tilespmem:s6], [sflag:$0x5] =	stream.indirect_vreg.gather [hbm4b:s1+s3], $0x80, v6, vm0, $0xb8;
	[tilespmem:$0x18380] =	vst v63  }
0x30e: {  	s4 =	sadd.s32 s18, s4;
	s25 =	simm.s32 $0x80;
	s31 =	simm.s32 $0x6  }
0x30f: {  	[tilespmem:s25], [sflag:$0x3] =	stream.linear.gather [hbm4b:s4+s3], $0x80, $0x38;
	[tilespmem:$0x18380] =	vst v63  }
0x310: {  	_ =	swait.ge [sflag:s31], $0x8000  }
0x311: {  	[sflag:s31] =	ssyncset.done $0x0  }
0x312: {  	[sflag:s31] =	ssyncadd.s32 $0xFFFF8000  }
0x313: {  	_ =	swait.ge [sflag:s26], $0x80  }
0x314: {  	[sflag:s26] =	ssyncset.done $0x0  }
0x315: {  	[sflag:s26] =	ssyncadd.s32 $0xFFFFFF80  }
0x316: {  	_ =	swait.ge [sflag:s26], $0x80  }
0x317: {  	[sflag:s26] =	ssyncset.done $0x0  }
0x318: {  	s9 =	simm.s32 $0xFFFFFFF8;
	s25 =	simm.s32 $0x8780;
	[sflag:s26] =	ssyncadd.s32 $0xFFFFFF80  }
.LBB2_8:
0x319: {  	v8 =	vld [tilespmem:s25+$0xFFFFFC00]  }
0x31a: {  	v9 =	vld [tilespmem:s25+$0xFFFFFC10]  }
0x31b: {  	v10 =	vld [tilespmem:s25+$0xFFFFFC20]  }
0x31c: {  	v11 =	vld [tilespmem:s25+$0xFFFFFC30]  }
0x31d: {  	v13 =	vld [tilespmem:s25+$0xFFFFFC40]  }
0x31e: {  	v15 =	vld [tilespmem:s25+$0xFFFFFC50]  }
0x31f: {  	v16 =	vld [tilespmem:s25+$0xFFFFFC60]  }
0x320: {  	v17 =	vld [tilespmem:s25+$0xFFFFFC70]  }
0x321: {  	v18 =	vld [tilespmem:s25+$0x0]  }
0x322: {  	v19 =	vld [tilespmem:s25+$0x10]  }
0x323: {  	v20 =	vld [tilespmem:s25+$0x20]  }
0x324: {  	s18 =	sadd.s32 $0x8, s9;
	v21 =	vld [tilespmem:s25+$0x30]  }
0x325: {  	v22 =	vld [tilespmem:s25+$0x40];
	s6 =	sand.u32 $0x70, s18  }
0x326: {  	v6 =	vld [tilespmem:s6+$0x300]  }
0x327: {  	v7 =	vld [tilespmem:s6+$0x200]  }
0x328: {  	v23 =	vld [tilespmem:s25+$0x50]  }
0x329: {  	s5 =	sadd.s32 s9, s29;
	v24 =	vld [tilespmem:s25+$0x60];
	s4 =	sand.u32 $0x8, s18  }
0x32a: {  	v25 =	vld [tilespmem:s25+$0x70];
	v12 =	vmov s4;
	s4 =	sadd.s32 $0x88, s5  }
0x32b: {  	s31 =	simm.f32 $1.000000000e+00;
	v30 =	vld [tilespmem:s25+$0xFFFFFC80];
	p0 =	slt.s32 s4, s13  }
0x32c: {  	v31 =	vld [tilespmem:s25+$0xFFFFFC90];
	p1 =	sge.s32 s4, s28;
	s31 =	simm.s32 @!p0 $0x0;
	v14 =	vperm.xlane v7, v12;
	v12 =	vperm.xlane v6, v12  }
0x32d: {  	v32 =	vld [tilespmem:s25+$0xFFFFFCA0];
	s31 =	simm.s32 @!p1 $0x0  }
0x32e: {  	v33 =	vld [tilespmem:s25+$0xFFFFFCB0];
	v12 =	vmul.f32 s31, v12  }
0x32f: {  	v35 =	vld [tilespmem:s25+$0xFFFFFCC0]  }
0x330: {  	v37 =	vld [tilespmem:s25+$0xFFFFFCD0];
	v8 =	vmul.f32 v8, v12  }
0x331: {  	v38 =	vld [tilespmem:s25+$0xFFFFFCE0];
	v9 =	vmul.f32 v9, v12;
	v62 =	vmul.f32 v10, v12  }
0x332: {  	v39 =	vld [tilespmem:s25+$0xFFFFFCF0];
	v63 =	vmul.f32 v11, v12;
	v13 =	vmul.f32 v13, v12  }
0x333: {  	v40 =	vld [tilespmem:s25+$0x80];
	v15 =	vmul.f32 v15, v12;
	v16 =	vmul.f32 v16, v12  }
0x334: {  	v41 =	vld [tilespmem:s25+$0x90];
	s31 =	sadd.s32 $0x9, s9;
	v17 =	vmul.f32 v17, v12;
	v18 =	vmul.f32 v18, v12  }
0x335: {  	v42 =	vld [tilespmem:s25+$0xA0];
	s4 =	sand.u32 $0x9, s31;
	v19 =	vmul.f32 v19, v12;
	v20 =	vmul.f32 v20, v12  }
0x336: {  	v43 =	vld [tilespmem:s25+$0xB0];
	v21 =	vmul.f32 v21, v12;
	v26 =	vmul.f32 v22, v12;
	v34 =	vmov s4;
	s4 =	sadd.s32 $0x89, s5  }
0x337: {  	v44 =	vld [tilespmem:s25+$0xC0];
	s31 =	simm.f32 $1.000000000e+00;
	v27 =	vmul.f32 v23, v12;
	v28 =	vmul.f32 v24, v12;
	p0 =	slt.s32 s4, s13  }
0x338: {  	v45 =	vld [tilespmem:s25+$0xD0];
	v29 =	vmul.f32 v25, v12;
	p1 =	sge.s32 s4, s28;
	v12 =	vperm.xlane v6, v34;
	s31 =	simm.s32 @!p0 $0x0  }
0x339: {  	v46 =	vld [tilespmem:s25+$0xE0];
	s31 =	simm.s32 @!p1 $0x0  }
0x33a: {  	v47 =	vld [tilespmem:s25+$0xF0];
	v12 =	vmul.f32 s31, v12  }
0x33b: {  	v36 =	vperm.xlane v7, v34;
	v34 =	vld [tilespmem:s25+$0xFFFFFD60]  }
0x33c: {  	v14 =	vsub.s32 v14, v0;
	v49 =	vmul.f32 v33, v12;
	v33 =	vld [tilespmem:s25+$0xFFFFFD50]  }
0x33d: {  	vm1 =	vgt.s32 v14, $0x0;
	v50 =	vmul.f32 v35, v12;
	v35 =	vld [tilespmem:s25+$0xFFFFFD70]  }
0x33e: {  	v14 =	vnsel vm1, $0x0, v14;
	v51 =	vmul.f32 v37, v12;
	v37 =	vld [tilespmem:s25+$0x110]  }
0x33f: {  	v14 =	vmin.u32 v14, $0x7F00;
	v52 =	vmul.f32 v38, v12;
	v38 =	vld [tilespmem:s25+$0x120]  }
0x340: {  	v14 =	vadd.s32 v1, v14;
	v53 =	vmul.f32 v39, v12;
	v39 =	vld [tilespmem:s25+$0x130]  }
0x341: {  	v54 =	vmul.f32 v40, v12;
	v40 =	vld [tilespmem:s25+$0x140]  }
0x342: {  	v55 =	vmul.f32 v41, v12;
	v41 =	vld [tilespmem:s25+$0x150]  }
0x343: {  	v56 =	vmul.f32 v42, v12;
	v42 =	vld [tilespmem:s25+$0x160]  }
0x344: {  	v48 =	vmul.f32 v32, v12;
	v57 =	vmul.f32 v43, v12;
	v43 =	vld [tilespmem:s25+$0x170]  }
0x345: {  	s31 =	sadd.s32 $0xA, s9;
	v58 =	vmul.f32 v44, v12;
	v59 =	vmul.f32 v45, v12;
	[tilespmem:v14+s0+$0x0] =	vst.idx.add.f32.msk $0xffff, v8  }
0x346: {  	s4 =	sand.u32 $0xA, s31;
	v60 =	vmul.f32 v46, v12;
	v61 =	vmul.f32 v47, v12;
	[tilespmem:v14+s2+$0x0] =	vst.idx.add.f32.msk $0xffff, v9  }
0x347: {  	v8 =	vmul.f32 v30, v12;
	v30 =	vmov s4;
	v9 =	vmul.f32 v31, v12;
	v31 =	vld [tilespmem:s25+$0xFFFFFD40]  }
0x348: {  	v32 =	vperm.xlane v7, v30;
	v12 =	vperm.xlane v6, v30;
	v30 =	vld [tilespmem:s25+$0xFFFFFDF0]  }
0x349: {  	[tilespmem:v14+s7+$0x0] =	vst.idx.add.f32.msk $0xffff, v62  }
0x34a: {  	v62 =	vld [tilespmem:s25+$0xFFFFFD00]  }
0x34b: {  	[tilespmem:v14+s8+$0x0] =	vst.idx.add.f32.msk $0xffff, v63  }
0x34c: {  	[tilespmem:v14+s10+$0x0] =	vst.idx.add.f32.msk $0xffff, v13  }
0x34d: {  	[tilespmem:v14+s11+$0x0] =	vst.idx.add.f32.msk $0xffff, v15  }
0x34e: {  	[tilespmem:v14+s14+$0x0] =	vst.idx.add.f32.msk $0xffff, v16  }
0x34f: {  	[tilespmem:v14+s15+$0x0] =	vst.idx.add.f32.msk $0xffff, v17  }
0x350: {  	[tilespmem:v14+s16+$0x0] =	vst.idx.add.f32.msk $0xffff, v18  }
0x351: {  	[tilespmem:v14+s17+$0x0] =	vst.idx.add.f32.msk $0xffff, v19  }
0x352: {  	[tilespmem:v14+s19+$0x0] =	vst.idx.add.f32.msk $0xffff, v20  }
0x353: {  	[tilespmem:v14+s20+$0x0] =	vst.idx.add.f32.msk $0xffff, v21  }
0x354: {  	[tilespmem:v14+s21+$0x0] =	vst.idx.add.f32.msk $0xffff, v26  }
0x355: {  	s4 =	sadd.s32 $0x8A, s5;
	[tilespmem:v14+s22+$0x0] =	vst.idx.add.f32.msk $0xffff, v27  }
0x356: {  	s31 =	simm.f32 $1.000000000e+00;
	p0 =	slt.s32 s4, s13;
	[tilespmem:v14+s23+$0x0] =	vst.idx.add.f32.msk $0xffff, v28  }
0x357: {  	p1 =	sge.s32 s4, s28;
	s31 =	simm.s32 @!p0 $0x0;
	[tilespmem:v14+s24+$0x0] =	vst.idx.add.f32.msk $0xffff, v29;
	v14 =	vsub.s32 v36, v0  }
0x358: {  	v63 =	vld [tilespmem:s25+$0xFFFFFD10];
	s31 =	simm.s32 @!p1 $0x0;
	vm1 =	vgt.s32 v14, $0x0  }
0x359: {  	v12 =	vmul.f32 s31, v12;
	v28 =	vld [tilespmem:s25+$0xFFFFFD20];
	v14 =	vnsel vm1, $0x0, v14  }
0x35a: {  	v29 =	vld [tilespmem:s25+$0xFFFFFD30];
	v14 =	vmin.u32 v14, $0x7F00  }
0x35b: {  	v46 =	vmul.f32 v31, v12;
	v31 =	vld [tilespmem:s25+$0x180];
	v14 =	vadd.s32 v1, v14  }
0x35c: {  	v47 =	vmul.f32 v33, v12;
	v33 =	vld [tilespmem:s25+$0x1A0]  }
0x35d: {  	v36 =	vld [tilespmem:s25+$0x100]  }
0x35e: {  	v44 =	vmul.f32 v28, v12;
	v28 =	vld [tilespmem:s25+$0xFFFFFDD0]  }
0x35f: {  	v45 =	vmul.f32 v29, v12;
	v29 =	vld [tilespmem:s25+$0xFFFFFDE0]  }
0x360: {  	[tilespmem:v14+s0+$0x0] =	vst.idx.add.f32.msk $0xffff, v8  }
0x361: {  	[tilespmem:v14+s2+$0x0] =	vst.idx.add.f32.msk $0xffff, v9  }
0x362: {  	v9 =	vmul.f32 v63, v12;
	v63 =	vld [tilespmem:s25+$0xFFFFFDC0]  }
0x363: {  	[tilespmem:v14+s7+$0x0] =	vst.idx.add.f32.msk $0xffff, v48  }
0x364: {  	v48 =	vmul.f32 v34, v12;
	v34 =	vld [tilespmem:s25+$0x1B0]  }
0x365: {  	[tilespmem:v14+s8+$0x0] =	vst.idx.add.f32.msk $0xffff, v49  }
0x366: {  	v49 =	vmul.f32 v35, v12;
	v35 =	vld [tilespmem:s25+$0x1C0]  }
0x367: {  	[tilespmem:v14+s10+$0x0] =	vst.idx.add.f32.msk $0xffff, v50  }
0x368: {  	v50 =	vmul.f32 v36, v12;
	v36 =	vld [tilespmem:s25+$0x1D0]  }
0x369: {  	[tilespmem:v14+s11+$0x0] =	vst.idx.add.f32.msk $0xffff, v51  }
0x36a: {  	v51 =	vmul.f32 v37, v12;
	v37 =	vld [tilespmem:s25+$0x1E0]  }
0x36b: {  	[tilespmem:v14+s14+$0x0] =	vst.idx.add.f32.msk $0xffff, v52  }
0x36c: {  	s31 =	sadd.s32 $0xB, s9;
	v52 =	vmul.f32 v38, v12;
	v38 =	vld [tilespmem:s25+$0x1F0]  }
0x36d: {  	s4 =	sand.u32 $0xB, s31;
	[tilespmem:v14+s15+$0x0] =	vst.idx.add.f32.msk $0xffff, v53  }
0x36e: {  	v8 =	vmul.f32 v62, v12;
	v62 =	vmov s4;
	[tilespmem:v14+s16+$0x0] =	vst.idx.add.f32.msk $0xffff, v54  }
0x36f: {  	v27 =	vperm.xlane v7, v62;
	[tilespmem:v14+s17+$0x0] =	vst.idx.add.f32.msk $0xffff, v55  }
0x370: {  	v53 =	vmul.f32 v39, v12;
	v54 =	vmul.f32 v40, v12;
	[tilespmem:v14+s19+$0x0] =	vst.idx.add.f32.msk $0xffff, v56  }
0x371: {  	v55 =	vmul.f32 v41, v12;
	v56 =	vmul.f32 v42, v12;
	[tilespmem:v14+s20+$0x0] =	vst.idx.add.f32.msk $0xffff, v57  }
0x372: {  	v57 =	vmul.f32 v43, v12;
	v12 =	vperm.xlane v6, v62;
	v62 =	vld [tilespmem:s25+$0xFFFFFE70]  }
0x373: {  	[tilespmem:v14+s21+$0x0] =	vst.idx.add.f32.msk $0xffff, v58  }
0x374: {  	v58 =	vld [tilespmem:s25+$0xFFFFFD80]  }
0x375: {  	[tilespmem:v14+s22+$0x0] =	vst.idx.add.f32.msk $0xffff, v59  }
0x376: {  	s4 =	sadd.s32 $0x8B, s5;
	v59 =	vld [tilespmem:s25+$0xFFFFFD90]  }
0x377: {  	s31 =	simm.f32 $1.000000000e+00;
	p0 =	slt.s32 s4, s13;
	[tilespmem:v14+s23+$0x0] =	vst.idx.add.f32.msk $0xffff, v60  }
0x378: {  	p1 =	sge.s32 s4, s28;
	s31 =	simm.s32 @!p0 $0x0;
	[tilespmem:v14+s24+$0x0] =	vst.idx.add.f32.msk $0xffff, v61;
	v14 =	vsub.s32 v32, v0  }
0x379: {  	s31 =	simm.s32 @!p1 $0x0;
	v60 =	vld [tilespmem:s25+$0xFFFFFDA0];
	vm1 =	vgt.s32 v14, $0x0  }
0x37a: {  	v12 =	vmul.f32 s31, v12;
	v61 =	vld [tilespmem:s25+$0xFFFFFDB0];
	v14 =	vnsel vm1, $0x0, v14  }
0x37b: {  	v32 =	vld [tilespmem:s25+$0x190];
	v14 =	vmin.u32 v14, $0x7F00  }
0x37c: {  	v41 =	vmul.f32 v63, v12;
	v63 =	vld [tilespmem:s25+$0x200];
	v14 =	vadd.s32 v1, v14  }
0x37d: {  	v42 =	vmul.f32 v28, v12;
	v28 =	vld [tilespmem:s25+$0x210]  }
0x37e: {  	v43 =	vmul.f32 v29, v12;
	v29 =	vld [tilespmem:s25+$0x220]  }
0x37f: {  	v39 =	vmul.f32 v60, v12;
	v60 =	vld [tilespmem:s25+$0xFFFFFE50]  }
0x380: {  	v40 =	vmul.f32 v61, v12;
	v61 =	vld [tilespmem:s25+$0xFFFFFE60]  }
0x381: {  	[tilespmem:v14+s0+$0x0] =	vst.idx.add.f32.msk $0xffff, v8  }
0x382: {  	v8 =	vmul.f32 v58, v12;
	v58 =	vld [tilespmem:s25+$0xFFFFFE40]  }
0x383: {  	[tilespmem:v14+s2+$0x0] =	vst.idx.add.f32.msk $0xffff, v9  }
0x384: {  	[tilespmem:v14+s7+$0x0] =	vst.idx.add.f32.msk $0xffff, v44  }
0x385: {  	v44 =	vmul.f32 v30, v12;
	v30 =	vld [tilespmem:s25+$0x230]  }
0x386: {  	[tilespmem:v14+s8+$0x0] =	vst.idx.add.f32.msk $0xffff, v45  }
0x387: {  	v45 =	vmul.f32 v31, v12;
	v31 =	vld [tilespmem:s25+$0x240]  }
0x388: {  	[tilespmem:v14+s10+$0x0] =	vst.idx.add.f32.msk $0xffff, v46  }
0x389: {  	v46 =	vmul.f32 v32, v12;
	v32 =	vld [tilespmem:s25+$0x250]  }
0x38a: {  	[tilespmem:v14+s11+$0x0] =	vst.idx.add.f32.msk $0xffff, v47  }
0x38b: {  	v47 =	vmul.f32 v33, v12;
	v33 =	vld [tilespmem:s25+$0x260]  }
0x38c: {  	[tilespmem:v14+s14+$0x0] =	vst.idx.add.f32.msk $0xffff, v48  }
0x38d: {  	v48 =	vmul.f32 v34, v12;
	v34 =	vld [tilespmem:s25+$0x270]  }
0x38e: {  	[tilespmem:v14+s15+$0x0] =	vst.idx.add.f32.msk $0xffff, v49  }
0x38f: {  	[tilespmem:v14+s16+$0x0] =	vst.idx.add.f32.msk $0xffff, v50  }
0x390: {  	[tilespmem:v14+s17+$0x0] =	vst.idx.add.f32.msk $0xffff, v51  }
0x391: {  	[tilespmem:v14+s19+$0x0] =	vst.idx.add.f32.msk $0xffff, v52  }
0x392: {  	[tilespmem:v14+s20+$0x0] =	vst.idx.add.f32.msk $0xffff, v53  }
0x393: {  	[tilespmem:v14+s21+$0x0] =	vst.idx.add.f32.msk $0xffff, v54  }
0x394: {  	s31 =	sadd.s32 $0xC, s9;
	[tilespmem:v14+s22+$0x0] =	vst.idx.add.f32.msk $0xffff, v55  }
0x395: {  	s4 =	sand.u32 $0xC, s31;
	v9 =	vmul.f32 v59, v12;
	[tilespmem:v14+s23+$0x0] =	vst.idx.add.f32.msk $0xffff, v56  }
0x396: {  	v49 =	vmul.f32 v35, v12;
	[tilespmem:v14+s24+$0x0] =	vst.idx.add.f32.msk $0xffff, v57;
	v14 =	vsub.s32 v27, v0;
	v57 =	vmov s4;
	s4 =	sadd.s32 $0x8C, s5  }
0x397: {  	s31 =	simm.f32 $1.000000000e+00;
	v50 =	vmul.f32 v36, v12;
	v51 =	vmul.f32 v37, v12;
	v56 =	vld [tilespmem:s25+$0xFFFFFE30];
	vm1 =	vgt.s32 v14, $0x0;
	p0 =	slt.s32 s4, s13  }
0x398: {  	v52 =	vmul.f32 v38, v12;
	v53 =	vld [tilespmem:s25+$0xFFFFFE00];
	p1 =	sge.s32 s4, s28;
	v12 =	vperm.xlane v6, v57;
	v14 =	vnsel vm1, $0x0, v14;
	s31 =	simm.s32 @!p0 $0x0  }
0x399: {  	v54 =	vld [tilespmem:s25+$0xFFFFFE10];
	v14 =	vmin.u32 v14, $0x7F00;
	s31 =	simm.s32 @!p1 $0x0  }
0x39a: {  	v55 =	vld [tilespmem:s25+$0xFFFFFE20];
	v14 =	vadd.s32 v1, v14;
	v12 =	vmul.f32 s31, v12  }
0x39b: {  	v59 =	vperm.xlane v7, v57;
	v57 =	vld [tilespmem:s25+$0xFFFFFEE0]  }
0x39c: {  	v36 =	vmul.f32 v56, v12;
	v56 =	vld [tilespmem:s25+$0xFFFFFED0]  }
0x39d: {  	v37 =	vmul.f32 v58, v12;
	v58 =	vld [tilespmem:s25+$0xFFFFFEF0]  }
0x39e: {  	v38 =	vmul.f32 v60, v12;
	v60 =	vld [tilespmem:s25+$0x290]  }
0x39f: {  	[tilespmem:v14+s0+$0x0] =	vst.idx.add.f32.msk $0xffff, v8  }
0x3a0: {  	[tilespmem:v14+s2+$0x0] =	vst.idx.add.f32.msk $0xffff, v9  }
0x3a1: {  	v9 =	vmul.f32 v54, v12;
	v54 =	vld [tilespmem:s25+$0xFFFFFEC0]  }
0x3a2: {  	[tilespmem:v14+s7+$0x0] =	vst.idx.add.f32.msk $0xffff, v39  }
0x3a3: {  	v39 =	vmul.f32 v61, v12;
	v61 =	vld [tilespmem:s25+$0x2A0]  }
0x3a4: {  	[tilespmem:v14+s8+$0x0] =	vst.idx.add.f32.msk $0xffff, v40  }
0x3a5: {  	v40 =	vmul.f32 v62, v12;
	v62 =	vld [tilespmem:s25+$0x2B0]  }
0x3a6: {  	[tilespmem:v14+s10+$0x0] =	vst.idx.add.f32.msk $0xffff, v41  }
0x3a7: {  	v41 =	vmul.f32 v63, v12;
	v63 =	vld [tilespmem:s25+$0x2C0]  }
0x3a8: {  	[tilespmem:v14+s11+$0x0] =	vst.idx.add.f32.msk $0xffff, v42  }
0x3a9: {  	v42 =	vmul.f32 v28, v12;
	v28 =	vld [tilespmem:s25+$0x2D0]  }
0x3aa: {  	[tilespmem:v14+s14+$0x0] =	vst.idx.add.f32.msk $0xffff, v43  }
0x3ab: {  	v43 =	vmul.f32 v29, v12;
	v29 =	vld [tilespmem:s25+$0x2E0]  }
0x3ac: {  	[tilespmem:v14+s15+$0x0] =	vst.idx.add.f32.msk $0xffff, v44  }
0x3ad: {  	s31 =	sadd.s32 $0xD, s9;
	v44 =	vmul.f32 v30, v12;
	v30 =	vld [tilespmem:s25+$0x2F0]  }
0x3ae: {  	s4 =	sand.u32 $0xD, s31;
	[tilespmem:v14+s16+$0x0] =	vst.idx.add.f32.msk $0xffff, v45  }
0x3af: {  	v35 =	vmul.f32 v55, v12;
	v8 =	vmul.f32 v53, v12;
	v53 =	vmov s4;
	[tilespmem:v14+s17+$0x0] =	vst.idx.add.f32.msk $0xffff, v46  }
0x3b0: {  	v55 =	vperm.xlane v7, v53;
	v45 =	vmul.f32 v31, v12;
	[tilespmem:v14+s19+$0x0] =	vst.idx.add.f32.msk $0xffff, v47  }
0x3b1: {  	v46 =	vmul.f32 v32, v12;
	v47 =	vmul.f32 v33, v12;
	[tilespmem:v14+s20+$0x0] =	vst.idx.add.f32.msk $0xffff, v48  }
0x3b2: {  	v48 =	vmul.f32 v34, v12;
	v12 =	vperm.xlane v6, v53;
	v53 =	vld [tilespmem:s25+$0xFFFFFF70]  }
0x3b3: {  	[tilespmem:v14+s21+$0x0] =	vst.idx.add.f32.msk $0xffff, v49  }
0x3b4: {  	v49 =	vld [tilespmem:s25+$0xFFFFFE80]  }
0x3b5: {  	[tilespmem:v14+s22+$0x0] =	vst.idx.add.f32.msk $0xffff, v50  }
0x3b6: {  	s4 =	sadd.s32 $0x8D, s5;
	[tilespmem:v14+s23+$0x0] =	vst.idx.add.f32.msk $0xffff, v51  }
0x3b7: {  	s31 =	simm.f32 $1.000000000e+00;
	p0 =	slt.s32 s4, s13;
	[tilespmem:v14+s24+$0x0] =	vst.idx.add.f32.msk $0xffff, v52;
	v14 =	vsub.s32 v59, v0  }
0x3b8: {  	p1 =	sge.s32 s4, s28;
	s31 =	simm.s32 @!p0 $0x0;
	v50 =	vld [tilespmem:s25+$0xFFFFFE90];
	vm1 =	vgt.s32 v14, $0x0  }
0x3b9: {  	s31 =	simm.s32 @!p1 $0x0;
	v51 =	vld [tilespmem:s25+$0xFFFFFEA0];
	v14 =	vnsel vm1, $0x0, v14  }
0x3ba: {  	v12 =	vmul.f32 s31, v12;
	v52 =	vld [tilespmem:s25+$0xFFFFFEB0];
	v14 =	vmin.u32 v14, $0x7F00  }
0x3bb: {  	v59 =	vld [tilespmem:s25+$0x280];
	v14 =	vadd.s32 v1, v14  }
0x3bc: {  	v33 =	vmul.f32 v54, v12;
	v54 =	vld [tilespmem:s25+$0x300]  }
0x3bd: {  	v34 =	vmul.f32 v56, v12;
	v56 =	vld [tilespmem:s25+$0x320]  }
0x3be: {  	v31 =	vmul.f32 v51, v12;
	v51 =	vld [tilespmem:s25+$0xFFFFFF50]  }
0x3bf: {  	v32 =	vmul.f32 v52, v12;
	v52 =	vld [tilespmem:s25+$0xFFFFFF60]  }
0x3c0: {  	s31 =	sadd.s32 $0xE, s9;
	[tilespmem:v14+s0+$0x0] =	vst.idx.add.f32.msk $0xffff, v8  }
0x3c1: {  	s4 =	sand.u32 $0xE, s31;
	[tilespmem:v14+s2+$0x0] =	vst.idx.add.f32.msk $0xffff, v9  }
0x3c2: {  	v8 =	vmul.f32 v49, v12;
	v49 =	vmov s4;
	v9 =	vmul.f32 v50, v12;
	v50 =	vld [tilespmem:s25+$0xFFFFFF40]  }
0x3c3: {  	v7 =	vperm.xlane v7, v49;
	v6 =	vperm.xlane v6, v49;
	v49 =	vld [tilespmem:s25+$0x3E0]  }
0x3c4: {  	[tilespmem:v14+s7+$0x0] =	vst.idx.add.f32.msk $0xffff, v35  }
0x3c5: {  	v35 =	vmul.f32 v57, v12;
	v57 =	vld [tilespmem:s25+$0x330]  }
0x3c6: {  	[tilespmem:v14+s8+$0x0] =	vst.idx.add.f32.msk $0xffff, v36  }
0x3c7: {  	v36 =	vmul.f32 v58, v12;
	v58 =	vld [tilespmem:s25+$0x340]  }
0x3c8: {  	[tilespmem:v14+s10+$0x0] =	vst.idx.add.f32.msk $0xffff, v37  }
0x3c9: {  	v37 =	vmul.f32 v59, v12;
	v59 =	vld [tilespmem:s25+$0x350]  }
0x3ca: {  	[tilespmem:v14+s11+$0x0] =	vst.idx.add.f32.msk $0xffff, v38  }
0x3cb: {  	v38 =	vmul.f32 v60, v12;
	v60 =	vld [tilespmem:s25+$0x360]  }
0x3cc: {  	[tilespmem:v14+s14+$0x0] =	vst.idx.add.f32.msk $0xffff, v39  }
0x3cd: {  	v39 =	vmul.f32 v61, v12;
	v61 =	vld [tilespmem:s25+$0x370]  }
0x3ce: {  	[tilespmem:v14+s15+$0x0] =	vst.idx.add.f32.msk $0xffff, v40  }
0x3cf: {  	[tilespmem:v14+s16+$0x0] =	vst.idx.add.f32.msk $0xffff, v41  }
0x3d0: {  	[tilespmem:v14+s17+$0x0] =	vst.idx.add.f32.msk $0xffff, v42  }
0x3d1: {  	s4 =	sadd.s32 $0x8E, s5;
	[tilespmem:v14+s19+$0x0] =	vst.idx.add.f32.msk $0xffff, v43  }
0x3d2: {  	s31 =	simm.f32 $1.000000000e+00;
	p0 =	slt.s32 s4, s13;
	[tilespmem:v14+s20+$0x0] =	vst.idx.add.f32.msk $0xffff, v44  }
0x3d3: {  	p1 =	sge.s32 s4, s28;
	s31 =	simm.s32 @!p0 $0x0;
	[tilespmem:v14+s21+$0x0] =	vst.idx.add.f32.msk $0xffff, v45  }
0x3d4: {  	s31 =	simm.s32 @!p1 $0x0;
	[tilespmem:v14+s22+$0x0] =	vst.idx.add.f32.msk $0xffff, v46  }
0x3d5: {  	v6 =	vmul.f32 s31, v6;
	[tilespmem:v14+s23+$0x0] =	vst.idx.add.f32.msk $0xffff, v47  }
0x3d6: {  	[tilespmem:v14+s24+$0x0] =	vst.idx.add.f32.msk $0xffff, v48;
	v14 =	vsub.s32 v55, v0  }
0x3d7: {  	v13 =	vmul.f32 v50, v6;
	v50 =	vld [tilespmem:s25+$0x3F0];
	vm1 =	vgt.s32 v14, $0x0  }
0x3d8: {  	v47 =	vld [tilespmem:s25+$0xFFFFFF20];
	v14 =	vnsel vm1, $0x0, v14  }
0x3d9: {  	v48 =	vld [tilespmem:s25+$0xFFFFFF30];
	v14 =	vmin.u32 v14, $0x7F00  }
0x3da: {  	v45 =	vld [tilespmem:s25+$0xFFFFFF00];
	v14 =	vadd.s32 v1, v14  }
0x3db: {  	v7 =	vsub.s32 v7, v0;
	v46 =	vld [tilespmem:s25+$0xFFFFFF10]  }
0x3dc: {  	v55 =	vld [tilespmem:s25+$0x310];
	vm1 =	vgt.s32 v7, $0x0  }
0x3dd: {  	v40 =	vmul.f32 v62, v12;
	v7 =	vnsel vm1, $0x0, v7;
	v62 =	vmul.f32 v47, v6;
	v47 =	vld [tilespmem:s25+$0x3C0]  }
0x3de: {  	v41 =	vmul.f32 v63, v12;
	v7 =	vmin.u32 v7, $0x7F00;
	v63 =	vmul.f32 v48, v6;
	v48 =	vld [tilespmem:s25+$0x3D0]  }
0x3df: {  	v7 =	vadd.s32 v1, v7;
	[tilespmem:v14+s0+$0x0] =	vst.idx.add.f32.msk $0xffff, v8  }
0x3e0: {  	v8 =	vmul.f32 v45, v6;
	v45 =	vld [tilespmem:s25+$0x3A0]  }
0x3e1: {  	[tilespmem:v14+s2+$0x0] =	vst.idx.add.f32.msk $0xffff, v9  }
0x3e2: {  	v9 =	vmul.f32 v46, v6;
	v46 =	vld [tilespmem:s25+$0x3B0]  }
0x3e3: {  	[tilespmem:v14+s7+$0x0] =	vst.idx.add.f32.msk $0xffff, v31  }
0x3e4: {  	[tilespmem:v7+s0+$0x0] =	vst.idx.add.f32.msk $0xffff, v8  }
0x3e5: {  	[tilespmem:v14+s8+$0x0] =	vst.idx.add.f32.msk $0xffff, v32  }
0x3e6: {  	[tilespmem:v7+s2+$0x0] =	vst.idx.add.f32.msk $0xffff, v9  }
0x3e7: {  	[tilespmem:v14+s10+$0x0] =	vst.idx.add.f32.msk $0xffff, v33  }
0x3e8: {  	[tilespmem:v7+s7+$0x0] =	vst.idx.add.f32.msk $0xffff, v62  }
0x3e9: {  	[tilespmem:v14+s11+$0x0] =	vst.idx.add.f32.msk $0xffff, v34  }
0x3ea: {  	[tilespmem:v7+s8+$0x0] =	vst.idx.add.f32.msk $0xffff, v63  }
0x3eb: {  	v34 =	vld [tilespmem:s25+$0xFFFFFF80]  }
0x3ec: {  	[tilespmem:v14+s14+$0x0] =	vst.idx.add.f32.msk $0xffff, v35  }
0x3ed: {  	[tilespmem:v7+s10+$0x0] =	vst.idx.add.f32.msk $0xffff, v13  }
0x3ee: {  	v24 =	vmul.f32 v51, v6;
	v35 =	vld [tilespmem:s25+$0xFFFFFF90]  }
0x3ef: {  	[tilespmem:v14+s15+$0x0] =	vst.idx.add.f32.msk $0xffff, v36  }
0x3f0: {  	[tilespmem:v7+s11+$0x0] =	vst.idx.add.f32.msk $0xffff, v24  }
0x3f1: {  	v25 =	vmul.f32 v52, v6;
	v36 =	vld [tilespmem:s25+$0xFFFFFFA0]  }
0x3f2: {  	v26 =	vmul.f32 v53, v6;
	[tilespmem:v14+s16+$0x0] =	vst.idx.add.f32.msk $0xffff, v37  }
0x3f3: {  	v27 =	vmul.f32 v54, v6;
	[tilespmem:v7+s14+$0x0] =	vst.idx.add.f32.msk $0xffff, v25  }
0x3f4: {  	v42 =	vmul.f32 v28, v12;
	v28 =	vmul.f32 v55, v6;
	[tilespmem:v7+s15+$0x0] =	vst.idx.add.f32.msk $0xffff, v26  }
0x3f5: {  	v43 =	vmul.f32 v29, v12;
	v29 =	vmul.f32 v56, v6;
	[tilespmem:v7+s16+$0x0] =	vst.idx.add.f32.msk $0xffff, v27  }
0x3f6: {  	v44 =	vmul.f32 v30, v12;
	v30 =	vmul.f32 v57, v6;
	[tilespmem:v7+s17+$0x0] =	vst.idx.add.f32.msk $0xffff, v28  }
0x3f7: {  	v31 =	vmul.f32 v58, v6;
	[tilespmem:v7+s19+$0x0] =	vst.idx.add.f32.msk $0xffff, v29  }
0x3f8: {  	v32 =	vmul.f32 v59, v6;
	[tilespmem:v7+s20+$0x0] =	vst.idx.add.f32.msk $0xffff, v30  }
0x3f9: {  	v33 =	vmul.f32 v60, v6;
	[tilespmem:v7+s21+$0x0] =	vst.idx.add.f32.msk $0xffff, v31  }
0x3fa: {  	v6 =	vmul.f32 v61, v6;
	[tilespmem:v7+s22+$0x0] =	vst.idx.add.f32.msk $0xffff, v32  }
0x3fb: {  	[tilespmem:v7+s23+$0x0] =	vst.idx.add.f32.msk $0xffff, v33  }
0x3fc: {  	[tilespmem:v7+s24+$0x0] =	vst.idx.add.f32.msk $0xffff, v6  }
0x3fd: {  	v7 =	vld [tilespmem:s6+$0x200]  }
0x3fe: {  	v37 =	vld [tilespmem:s25+$0xFFFFFFB0]  }
0x3ff: {  	s9 =	sadd.s32 $0xFFFFFFFF, s9;
	[tilespmem:v14+s17+$0x0] =	vst.idx.add.f32.msk $0xffff, v38  }
0x400: {  	s4 =	sand.u32 $0xF, s9;
	[tilespmem:v14+s19+$0x0] =	vst.idx.add.f32.msk $0xffff, v39  }
0x401: {  	v38 =	vmov s4;
	v39 =	vld [tilespmem:s25+$0xFFFFFFC0]  }
0x402: {  	v6 =	vld [tilespmem:s6+$0x300];
	v7 =	vperm.xlane v7, v38  }
0x403: {  	[tilespmem:v14+s20+$0x0] =	vst.idx.add.f32.msk $0xffff, v40  }
0x404: {  	v40 =	vld [tilespmem:s25+$0xFFFFFFD0];
	v7 =	vsub.s32 v7, v0  }
0x405: {  	s31 =	sadd.s32 $0x8F, s5;
	[tilespmem:v14+s21+$0x0] =	vst.idx.add.f32.msk $0xffff, v41;
	vm1 =	vgt.s32 v7, $0x0  }
0x406: {  	s5 =	simm.f32 $1.000000000e+00;
	p0 =	slt.s32 s31, s13;
	v41 =	vld [tilespmem:s25+$0xFFFFFFE0];
	v7 =	vnsel vm1, $0x0, v7  }
0x407: {  	p1 =	sge.s32 s31, s28;
	s5 =	simm.s32 @!p0 $0x0;
	[tilespmem:v14+s22+$0x0] =	vst.idx.add.f32.msk $0xffff, v42;
	v6 =	vperm.xlane v6, v38;
	v7 =	vmin.u32 v7, $0x7F00  }
0x408: {  	s5 =	simm.s32 @!p1 $0x0;
	v42 =	vld [tilespmem:s25+$0xFFFFFFF0];
	v7 =	vadd.s32 v1, v7  }
0x409: {  	[tilespmem:v14+s23+$0x0] =	vst.idx.add.f32.msk $0xffff, v43;
	v6 =	vmul.f32 s5, v6  }
0x40a: {  	v43 =	vld [tilespmem:s25+$0x380]  }
0x40b: {  	[tilespmem:v14+s24+$0x0] =	vst.idx.add.f32.msk $0xffff, v44;
	v8 =	vmul.f32 v34, v6  }
0x40c: {  	v44 =	vld [tilespmem:s25+$0x390];
	v9 =	vmul.f32 v35, v6  }
0x40d: {  	v51 =	vmul.f32 v36, v6;
	[tilespmem:v7+s0+$0x0] =	vst.idx.add.f32.msk $0xffff, v8  }
0x40e: {  	v52 =	vmul.f32 v37, v6;
	[tilespmem:v7+s2+$0x0] =	vst.idx.add.f32.msk $0xffff, v9  }
0x40f: {  	v53 =	vmul.f32 v39, v6;
	[tilespmem:v7+s7+$0x0] =	vst.idx.add.f32.msk $0xffff, v51  }
0x410: {  	v54 =	vmul.f32 v40, v6;
	[tilespmem:v7+s8+$0x0] =	vst.idx.add.f32.msk $0xffff, v52  }
0x411: {  	v55 =	vmul.f32 v41, v6;
	[tilespmem:v7+s10+$0x0] =	vst.idx.add.f32.msk $0xffff, v53  }
0x412: {  	v56 =	vmul.f32 v42, v6;
	[tilespmem:v7+s11+$0x0] =	vst.idx.add.f32.msk $0xffff, v54  }
0x413: {  	v57 =	vmul.f32 v43, v6;
	[tilespmem:v7+s14+$0x0] =	vst.idx.add.f32.msk $0xffff, v55  }
0x414: {  	v58 =	vmul.f32 v44, v6;
	[tilespmem:v7+s15+$0x0] =	vst.idx.add.f32.msk $0xffff, v56  }
0x415: {  	v59 =	vmul.f32 v45, v6;
	[tilespmem:v7+s16+$0x0] =	vst.idx.add.f32.msk $0xffff, v57  }
0x416: {  	v60 =	vmul.f32 v46, v6;
	[tilespmem:v7+s17+$0x0] =	vst.idx.add.f32.msk $0xffff, v58  }
0x417: {  	p0 =	slt.u32 s18, $0x78;
	v61 =	vmul.f32 v47, v6;
	[tilespmem:v7+s19+$0x0] =	vst.idx.add.f32.msk $0xffff, v59  }
.Ltmp5:
0x418: {  	v62 =	vmul.f32 v48, v6;
	[tilespmem:v7+s20+$0x0] =	vst.idx.add.f32.msk $0xffff, v60;
	(pc) =	sbr.rel @p0 .LBB2_8-.Ltmp5, $4  }
0x419: {  	v63 =	vmul.f32 v49, v6;
	[tilespmem:v7+s21+$0x0] =	vst.idx.add.f32.msk $0xffff, v61  }
0x41a: {  	v6 =	vmul.f32 v50, v6;
	[tilespmem:v7+s22+$0x0] =	vst.idx.add.f32.msk $0xffff, v62  }
0x41b: {  	[tilespmem:v7+s23+$0x0] =	vst.idx.add.f32.msk $0xffff, v63  }
0x41c: {  	s9 =	smov.u32 s18;
	s25 =	sadd.s32 $0x800, s25;
	[tilespmem:v7+s24+$0x0] =	vst.idx.add.f32.msk $0xffff, v6  }
0x41d: {  	s4 =	rddreg [dreg:$0xc]  }
0x41e: {  	s4 =	sadd.s32 s30, s4  }
0x41f: {  	s5 =	rddreg [dreg:$0x4];
	s4 =	sshrl.u32 s4, $0x3  }
0x420: {  	s6 =	simm.s32 $0x200;
	s9 =	rddreg [dreg:$0x5];
	s5 =	sadd.s32 s5, s4  }
0x421: {  	[tilespmem:s6], [sflag:$0x2] =	stream.linear.gather [hbm4b:s5+s3], $0x80, $0x38;
	[tilespmem:$0x18380] =	vst v63  }
0x422: {  	s18 =	simm.s32 $0x300;
	s25 =	simm.s32 $0x4;
	s4 =	sadd.s32 s9, s4  }
0x423: {  	[tilespmem:s18], [sflag:$0x2] =	stream.linear.gather [hbm4b:s4+s3], $0x80, $0x38;
	[tilespmem:$0x18380] =	vst v63  }
0x424: {  	_ =	swait.ge [sflag:s25], $0x80  }
0x425: {  	[sflag:s25] =	ssyncset.done $0x0  }
0x426: {  	[sflag:s25] =	ssyncadd.s32 $0xFFFFFF80  }
0x427: {  	v6 =	vld [tilespmem:$0x100];
	_ =	sdelay $0x4  }
0x428: {  	v7 =	vshll.u32 v6, $0x1  }
0x429: {  	v6 =	vand.u32 $0x7, v6;
	v7 =	vand.u32 $0xFFFFFFF0, v7  }
0x42a: {  	v6 =	vor.u32 v6, v7  }
0x42b: {  	v7 =	vperm.xlane v6, v3;
	_ =	sdelay $0x1  }
0x42c: {  	v6 =	vperm.xlane v6, v5;
	v7 =	vadd.s32 v4, v7;
	_ =	sdelay $0x1  }
0x42d: {  	v6 =	vadd.s32 v4, v6;
	_ =	sdelay $0x1  }
0x42e: {  	s31 =	simm.s32 $0x8380  }
0x42f: {  	[tilespmem:s31], [sflag:$0x6] =	stream.indirect_vreg.gather [hbm4b:s1+s3], $0x80, v7, vm0, $0xb8;
	[tilespmem:$0x18380] =	vst v63  }
0x430: {  	s5 =	simm.s32 $0x8B80  }
0x431: {  	[tilespmem:s5], [sflag:$0x6] =	stream.indirect_vreg.gather [hbm4b:s1+s3], $0x80, v6, vm0, $0xb8;
	[tilespmem:$0x18380] =	vst v63  }
0x432: {  	v6 =	vld [tilespmem:$0x110];
	_ =	sdelay $0x4  }
0x433: {  	v7 =	vshll.u32 v6, $0x1  }
0x434: {  	v6 =	vand.u32 $0x7, v6;
	v7 =	vand.u32 $0xFFFFFFF0, v7  }
0x435: {  	v6 =	vor.u32 v6, v7  }
0x436: {  	v7 =	vperm.xlane v6, v3;
	_ =	sdelay $0x1  }
0x437: {  	v6 =	vperm.xlane v6, v5;
	v7 =	vadd.s32 v4, v7;
	_ =	sdelay $0x1  }
0x438: {  	v6 =	vadd.s32 v4, v6;
	_ =	sdelay $0x1  }
0x439: {  	s6 =	simm.s32 $0x9380  }
0x43a: {  	[tilespmem:s6], [sflag:$0x6] =	stream.indirect_vreg.gather [hbm4b:s1+s3], $0x80, v7, vm0, $0xb8;
	[tilespmem:$0x18380] =	vst v63  }
0x43b: {  	s9 =	simm.s32 $0x9B80  }
0x43c: {  	[tilespmem:s9], [sflag:$0x6] =	stream.indirect_vreg.gather [hbm4b:s1+s3], $0x80, v6, vm0, $0xb8;
	[tilespmem:$0x18380] =	vst v63  }
0x43d: {  	v6 =	vld [tilespmem:$0x120];
	_ =	sdelay $0x4  }
0x43e: {  	v7 =	vshll.u32 v6, $0x1  }
0x43f: {  	v6 =	vand.u32 $0x7, v6;
	v7 =	vand.u32 $0xFFFFFFF0, v7  }
0x440: {  	v6 =	vor.u32 v6, v7  }
0x441: {  	v7 =	vperm.xlane v6, v3;
	_ =	sdelay $0x1  }
0x442: {  	v6 =	vperm.xlane v6, v5;
	v7 =	vadd.s32 v4, v7;
	_ =	sdelay $0x1  }
0x443: {  	v6 =	vadd.s32 v4, v6;
	_ =	sdelay $0x1  }
0x444: {  	s18 =	simm.s32 $0xA380  }
0x445: {  	[tilespmem:s18], [sflag:$0x6] =	stream.indirect_vreg.gather [hbm4b:s1+s3], $0x80, v7, vm0, $0xb8;
	[tilespmem:$0x18380] =	vst v63  }
0x446: {  	s25 =	simm.s32 $0xAB80  }
0x447: {  	[tilespmem:s25], [sflag:$0x6] =	stream.indirect_vreg.gather [hbm4b:s1+s3], $0x80, v6, vm0, $0xb8;
	[tilespmem:$0x18380] =	vst v63  }
0x448: {  	v6 =	vld [tilespmem:$0x130];
	_ =	sdelay $0x4  }
0x449: {  	v7 =	vshll.u32 v6, $0x1  }
0x44a: {  	v6 =	vand.u32 $0x7, v6;
	v7 =	vand.u32 $0xFFFFFFF0, v7  }
0x44b: {  	v6 =	vor.u32 v6, v7  }
0x44c: {  	v7 =	vperm.xlane v6, v3;
	_ =	sdelay $0x1  }
0x44d: {  	v6 =	vperm.xlane v6, v5;
	v7 =	vadd.s32 v4, v7;
	_ =	sdelay $0x1  }
0x44e: {  	v6 =	vadd.s32 v4, v6;
	_ =	sdelay $0x1  }
0x44f: {  	s31 =	simm.s32 $0xB380  }
0x450: {  	[tilespmem:s31], [sflag:$0x6] =	stream.indirect_vreg.gather [hbm4b:s1+s3], $0x80, v7, vm0, $0xb8;
	[tilespmem:$0x18380] =	vst v63  }
0x451: {  	s5 =	simm.s32 $0xBB80  }
0x452: {  	[tilespmem:s5], [sflag:$0x6] =	stream.indirect_vreg.gather [hbm4b:s1+s3], $0x80, v6, vm0, $0xb8;
	[tilespmem:$0x18380] =	vst v63  }
0x453: {  	v6 =	vld [tilespmem:$0x140];
	_ =	sdelay $0x4  }
0x454: {  	v7 =	vshll.u32 v6, $0x1  }
0x455: {  	v6 =	vand.u32 $0x7, v6;
	v7 =	vand.u32 $0xFFFFFFF0, v7  }
0x456: {  	v6 =	vor.u32 v6, v7  }
0x457: {  	v7 =	vperm.xlane v6, v3;
	_ =	sdelay $0x1  }
0x458: {  	v6 =	vperm.xlane v6, v5;
	v7 =	vadd.s32 v4, v7;
	_ =	sdelay $0x1  }
0x459: {  	v6 =	vadd.s32 v4, v6;
	_ =	sdelay $0x1  }
0x45a: {  	s6 =	simm.s32 $0xC380  }
0x45b: {  	[tilespmem:s6], [sflag:$0x6] =	stream.indirect_vreg.gather [hbm4b:s1+s3], $0x80, v7, vm0, $0xb8;
	[tilespmem:$0x18380] =	vst v63  }
0x45c: {  	s9 =	simm.s32 $0xCB80  }
0x45d: {  	[tilespmem:s9], [sflag:$0x6] =	stream.indirect_vreg.gather [hbm4b:s1+s3], $0x80, v6, vm0, $0xb8;
	[tilespmem:$0x18380] =	vst v63  }
0x45e: {  	v6 =	vld [tilespmem:$0x150];
	_ =	sdelay $0x4  }
0x45f: {  	v7 =	vshll.u32 v6, $0x1  }
0x460: {  	v6 =	vand.u32 $0x7, v6;
	v7 =	vand.u32 $0xFFFFFFF0, v7  }
0x461: {  	v6 =	vor.u32 v6, v7  }
0x462: {  	v7 =	vperm.xlane v6, v3;
	_ =	sdelay $0x1  }
0x463: {  	v6 =	vperm.xlane v6, v5;
	v7 =	vadd.s32 v4, v7;
	_ =	sdelay $0x1  }
0x464: {  	v6 =	vadd.s32 v4, v6;
	_ =	sdelay $0x1  }
0x465: {  	s18 =	simm.s32 $0xD380  }
0x466: {  	[tilespmem:s18], [sflag:$0x6] =	stream.indirect_vreg.gather [hbm4b:s1+s3], $0x80, v7, vm0, $0xb8;
	[tilespmem:$0x18380] =	vst v63  }
0x467: {  	s25 =	simm.s32 $0xDB80  }
0x468: {  	[tilespmem:s25], [sflag:$0x6] =	stream.indirect_vreg.gather [hbm4b:s1+s3], $0x80, v6, vm0, $0xb8;
	[tilespmem:$0x18380] =	vst v63  }
0x469: {  	v6 =	vld [tilespmem:$0x160];
	_ =	sdelay $0x4  }
0x46a: {  	v7 =	vshll.u32 v6, $0x1  }
0x46b: {  	v6 =	vand.u32 $0x7, v6;
	v7 =	vand.u32 $0xFFFFFFF0, v7  }
0x46c: {  	v6 =	vor.u32 v6, v7  }
0x46d: {  	v7 =	vperm.xlane v6, v3;
	_ =	sdelay $0x1  }
0x46e: {  	v6 =	vperm.xlane v6, v5;
	v7 =	vadd.s32 v4, v7;
	_ =	sdelay $0x1  }
0x46f: {  	v6 =	vadd.s32 v4, v6;
	_ =	sdelay $0x1  }
0x470: {  	s31 =	simm.s32 $0xE380  }
0x471: {  	[tilespmem:s31], [sflag:$0x6] =	stream.indirect_vreg.gather [hbm4b:s1+s3], $0x80, v7, vm0, $0xb8;
	[tilespmem:$0x18380] =	vst v63  }
0x472: {  	s5 =	simm.s32 $0xEB80  }
0x473: {  	[tilespmem:s5], [sflag:$0x6] =	stream.indirect_vreg.gather [hbm4b:s1+s3], $0x80, v6, vm0, $0xb8;
	[tilespmem:$0x18380] =	vst v63  }
0x474: {  	v6 =	vld [tilespmem:$0x170];
	_ =	sdelay $0x4  }
0x475: {  	v7 =	vshll.u32 v6, $0x1  }
0x476: {  	v6 =	vand.u32 $0x7, v6;
	v7 =	vand.u32 $0xFFFFFFF0, v7  }
0x477: {  	v6 =	vor.u32 v6, v7  }
0x478: {  	v7 =	vperm.xlane v6, v3;
	_ =	sdelay $0x1  }
0x479: {  	v7 =	vadd.s32 v4, v7  }
0x47a: {  	v6 =	vperm.xlane v6, v5;
	_ =	sdelay $0x1  }
0x47b: {  	s12 =	sadd.s32 $0x1, s12;
	s31 =	rddreg [dreg:$0xd];
	v6 =	vadd.s32 v4, v6  }
0x47c: {  	s6 =	simm.s32 $0xF380;
	s18 =	rddreg [dreg:$0xf];
	p0 =	sne.s32 s12, s31  }
0x47d: {  	[tilespmem:s6], [sflag:$0x6] =	stream.indirect_vreg.gather [hbm4b:s1+s3], $0x80, v7, vm0, $0xb8;
	[tilespmem:$0x18380] =	vst v63  }
.Ltmp6:
0x47e: {  	s9 =	simm.s32 $0xFB80;
	s4 =	sadd.s32 s30, s18;
	(pc) =	sbr.rel @p0 .LBB2_5-.Ltmp6, $4  }
.Ltmp7:
0x47f: {  	s4 =	sshrl.u32 s4, $0x3;
	s25 =	rddreg [dreg:$0x3];
	(pc) =	sbr.rel @!p0 .LBB2_10-.Ltmp7, $4  }
0x480: {  	[tilespmem:s9], [sflag:$0x6] =	stream.indirect_vreg.gather [hbm4b:s1+s3], $0x80, v6, vm0, $0xb8;
	[tilespmem:$0x18380] =	vst v63  }
0x481: {  	s29 =	sadd.s32 $0x100, s29;
	s30 =	simm.s32 $0x100;
	s4 =	sadd.s32 s25, s4  }
0x482: {  	[tilespmem:s30], [sflag:$0x4] =	stream.linear.gather [hbm4b:s4+s3], $0x80, $0x38;
	[tilespmem:$0x18380] =	vst v63  }
0x483: {  	_ = 	snop  }
.LBB2_11:
0x484: {  	_ =	sfence.sel $0x180000  }
0x485: {  	[bflag:$0x0] =	sbarrier.arrive $0xFFFF  }
0x486: {  	_ =	strace $0x90000047  }
0x487: {  	s0 =	stileid.u32;
	[bflag:$0x2] =	sbarrier.arrive $0xFFFF  }
0x488: {  	p0 =	sne.s32 s0, $0x0;
	s0 =	rddreg [dreg:$0x2]  }
0x489: {  	s0 =	sadd.s32 @!p0 $0x100000, s0  }
0x48a: {  	[sflag:s0] =	ssyncadd.tile.s32 @!p0 $0x1;
	_ =	shalt  }
.Lfunc_end2:
_tile_overlayer_lowered:
.L_overlay_start_2:
0x48b: {  	(tag) =	ssettag $0x2  }
0x48c: {  	s0 =	rddreg [dreg:$0x0];
	s2 =	stileid.u32  }
0x48d: {  	s1 =	rddreg [dreg:$0x1];
	p0 =	sne.s32 s2, $0x0  }
0x48e: {  	s3 =	rddreg [dreg:$0x2];
	[bflag:$0x3] =	sbarrier.arrive $0xFFFF;
	s2 =	simm.s32 @!p0 $0x1C07  }
0x48f: {  	[timem:s3], [sflag:s2] =	dma.local @!p0 [hbm:s0], s1  }
0x490: {  	s0 =	simm.s32 @!p0 $0x7  }
0x491: {  	_ =	swait.ge @!p0 [sflag:s0], s1  }
0x492: {  	s1 =	ssub.s32 @!p0 $0x0, s1;
	[sflag:s0] =	ssyncset.done @!p0 $0x0  }
0x493: {  	[sflag:s0] =	ssyncadd.s32 @!p0 s1  }
0x494: {  	[bflag:$0x3] =	sbarrier.arrive $0xFFFF  }
0x495: {  	_ =	shalt  }

</sc_bundles>
